<compile_context>
chip_gen: v7x
topology: tpu7x:2x2x1
jax: 0.10.2.dev20260603
libtpu: 0.0.44.dev20260713+nightly
codegen_flags: <defaults>
</compile_context>

<pallas_src>
import jax
import jax.numpy as jnp
from jax.experimental import pallas as pl
from jax.experimental.pallas import tpu as pltpu
from jax.experimental.pallas import tpu_sc as plsc

NBC = 8192
CD = 64
WID = 512
DEP = 3
DNT = 3
IND = 263
BB = 32
TT = 64
F32 = jnp.float32

_PREC = jax.lax.Precision.DEFAULT


def _dot(a, b, prec=_PREC):
    return jax.lax.dot_general(
        a, b, (((1,), (0,)), ((), ())),
        precision=prec, preferred_element_type=F32)


def _dotT(a, b, prec=_PREC):
    return jax.lax.dot_general(
        a, b, (((1,), (1,)), ((), ())),
        precision=prec, preferred_element_type=F32)


def _shift(x, s, t_len):
    if s == 0:
        return x
    r, c = x.shape
    z = jnp.zeros((abs(s), c), x.dtype)
    if s > 0:
        y = jnp.concatenate([x[s:, :], z], axis=0)
    else:
        y = jnp.concatenate([z, x[:r + s, :]], axis=0)
    tpos = jax.lax.broadcasted_iota(jnp.int32, (r, 1), 0) & (t_len - 1)
    ok = (tpos + s >= 0) & (tpos + s < t_len)
    return jnp.where(ok, y, jnp.zeros_like(y))


def _conv3(x, wc, b, d, t_len):
    xc = jnp.concatenate(
        [_shift(x, -d, t_len), x, _shift(x, d, t_len)], axis=1)
    return _dotT(xc, wc) + b


def _resblk(x, wc1, b1, w2, b2, d, t_len):
    h = jnp.maximum(x, 0.0)
    h = _conv3(h, wc1, b1, d, t_len)
    h = jnp.maximum(h, 0.0)
    return x + _dotT(h, w2) + b2


def _enc_in_body(x_ref, wc, b, o_ref):
    o_ref[...] = jnp.maximum(
        _conv3(x_ref[...], wc[...], b[...], 1, TT), 0.0)


def _mk_down_block(t_out, with_enc_out):
    def body(*refs):
        it = iter(refs)
        nxt = lambda: next(it)[...]
        he, ho = nxt(), nxt()
        wc4, b4 = nxt(), nxt()
        xc = jnp.concatenate(
            [_shift(ho, -1, t_out), he, ho, _shift(he, 1, t_out)], axis=1)
        h = _dotT(xc, wc4) + b4
        for d in (1, 3, 9):
            h = _resblk(h, nxt(), nxt(), nxt(), nxt(), d, t_out)
        if with_enc_out:
            h = _conv3(h, nxt(), nxt(), 1, t_out)
            _quant_tail(h, nxt(), next(it), next(it), next(it))
        else:
            o_ref = next(it)
            o_ref[...] = h
    return body


def _quant_tail(xf, cbt, idx_ref, com_ref, per_ref):
    rows = xf.shape[0]
    dotm = _dot(xf, cbt, jax.lax.Precision.DEFAULT)
    xsq = jnp.sum(xf * xf, axis=1, keepdims=True)
    csq = jnp.sum(cbt * cbt, axis=0, keepdims=True)
    dist = xsq - 2.0 * dotm + csq
    mind = jnp.min(dist, axis=1, keepdims=True)
    col = jax.lax.broadcasted_iota(jnp.int32, dist.shape, 1)
    idx = jnp.min(jnp.where(dist == mind, col, NBC), axis=1, keepdims=True)
    idx_ref[...] = idx
    onehot = (col == idx).astype(F32)
    cnt = jnp.sum(onehot, axis=0, keepdims=True)
    probs = cnt * (1.0 / rows)
    ent = -jnp.sum(probs * jnp.log(probs + 1e-10))
    per_ref[...] = jnp.exp(ent).reshape(1, 1)
    com_ref[...] = (jnp.sum(mind) * (1.0 / (rows * CD))).reshape(1, 1)


def _mk_up_block(t_in, with_dec_in):
    def body(*refs):
        oe_ref, oo_ref = refs[-2], refs[-1]
        it = iter(refs[:-2])
        nxt = lambda: next(it)[...]
        g = nxt()
        if with_dec_in:
            g = jnp.maximum(_conv3(g, nxt(), nxt(), 1, t_in), 0.0)
        for d in (9, 3, 1):
            g = _resblk(g, nxt(), nxt(), nxt(), nxt(), d, t_in)
        wc3, b3 = nxt(), nxt()
        xe = jnp.concatenate([_shift(g, -1, t_in), g, g], axis=1)
        xo = jnp.concatenate([g, g, _shift(g, 1, t_in)], axis=1)
        oe_ref[...] = _dotT(xe, wc3) + b3
        oo_ref[...] = _dotT(xo, wc3) + b3
    return body


def _dec_tail_body(g_ref, mwc, mb, owc, ob, o_ref):
    g = jnp.maximum(_conv3(g_ref[...], mwc[...], mb[...], 1, TT), 0.0)
    o_ref[...] = _conv3(g, owc[...], ob[...], 1, TT)


def _pc(body, out_shapes, args):
    outs = [jax.ShapeDtypeStruct(s, d) for (s, d) in out_shapes]
    res = pl.pallas_call(body, out_shape=outs)(*args)
    return res[0] if len(out_shapes) == 1 else res


def _cmat(p):
    w = p["w"]
    o, i, k = w.shape
    return w.transpose(0, 2, 1).reshape(o, k * i), p["b"][None, :]


def _sc_gather(codebook, idx_flat, rows):
    mesh = plsc.VectorSubcoreMesh(core_axis_name="c", subcore_axis_name="s")
    win = 128
    vd = 128

    @pl.kernel(out_type=jax.ShapeDtypeStruct((rows, vd), F32), mesh=mesh)
    def gather_kernel(cb_hbm, i_hbm, o_hbm):
        def body(i_vmem, o_vmem):
            pltpu.sync_copy(cb_hbm.at[i_vmem.at[0]], o_vmem)

        pltpu.emit_pipeline(
            body,
            grid=(rows // win,),
            in_specs=[pl.BlockSpec((1, win), index_map=lambda i: (0, i))],
            out_specs=[pl.BlockSpec((win, vd), index_map=lambda i: (i, 0))],
            core_axis_name="s",
            dimension_semantics=(pltpu.PARALLEL,),
        )(i_hbm, o_hbm)

    cb_pad = jnp.pad(codebook, ((0, 0), (0, vd - CD)))
    return gather_kernel(cb_pad, idx_flat)[:, :CD]


def _encode_quantize(x, p, codebook):
    h = x.reshape(BB * TT, IND)
    ewc, eb = _cmat(p["enc_in"])
    h = _pc(_enc_in_body, [((BB * TT, WID), F32)], [h, ewc, eb])
    t = TT
    for bi, blk in enumerate(p["enc_down"]):
        he, ho = _phases(h, t, WID)
        t //= 2
        dwc, db = _cmat(blk["down"])
        args = [he, ho, dwc, db]
        for rp in blk["res"]:
            args += _res_args(rp)
        last = bi == DNT - 1
        if last:
            owc, ob = _cmat(p["enc_out"])
            args += [owc, ob, codebook.T]
            rows = BB * t
            idx, com, per = _pc(
                _mk_down_block(t, True),
                [((rows, 1), jnp.int32), ((1, 1), F32), ((1, 1), F32)],
                args)
        else:
            h = _pc(_mk_down_block(t, False), [((BB * t, WID), F32)], args)
    xd = _sc_gather(codebook, idx.reshape(1, rows), rows)
    return xd, com, per


def _decode(xd, p):
    g = xd
    t = TT // (2 ** DNT)
    for bi, blk in enumerate(p["dec_up"]):
        args = [g]
        if bi == 0:
            iwc, ib = _cmat(p["dec_in"])
            args += [iwc, ib]
        for rp in blk["res"]:
            args += _res_args(rp)
        uwc, ub = _cmat(blk["up"])
        args += [uwc, ub]
        ye, yo = _pc(_mk_up_block(t, bi == 0),
                     [((BB * t, WID), F32), ((BB * t, WID), F32)], args)
        g = _interleave(ye, yo, t)
        t *= 2
    mwc, mb = _cmat(p["dec_mid"])
    owc, ob = _cmat(p["dec_out"])
    out = _pc(_dec_tail_body, [((BB * TT, IND), F32)],
              [g, mwc, mb, owc, ob])
    return out.reshape(BB, TT, IND)


def _phases(h, t_in, c):
    h3 = h.reshape(BB, t_in, c)
    he = h3[:, 0::2, :].reshape(BB * (t_in // 2), c)
    ho = h3[:, 1::2, :].reshape(BB * (t_in // 2), c)
    return he, ho


def _interleave(ye, yo, t_half):
    y = jnp.stack([ye.reshape(BB, t_half, WID), yo.reshape(BB, t_half, WID)],
                  axis=2)
    return y.reshape(BB * t_half * 2, WID)


def _res_args(rp):
    wc1, b1 = _cmat(rp["c1"])
    w2 = rp["c2"]["w"][:, :, 0]
    b2 = rp["c2"]["b"][None, :]
    return [wc1, b1, w2, b2]


def kernel(x, params, codebook):
    xd, com, per = _encode_quantize(x, params, codebook)
    x_out = _decode(xd, params)
    return (x_out, com[0, 0], jnp.float32(0.0), per[0, 0])

# --- scband reference (transcript-rebuilt; emitter-appended) ---
"""Pipeline reference for scband-vqvae-general-12275016532092 (READ-ONLY COPY).

The authoritative reference and input builder live on the scoring server;
editing this copy changes nothing except your own understanding.
"""

import jax, jax.numpy as jnp
import numpy as np

NB_CODE = 8192
CODE_DIM = 64
WIDTH = 512
DEPTH = 3
DOWN_T = 3
IN_DIM = 263
B = 32
T = 64
DGR = 3


def _conv_p(key, out_c, in_c, k):
    w = jax.random.normal(key, (out_c, in_c, k), dtype=jnp.float32) * 0.02
    b = jnp.zeros((out_c,), dtype=jnp.float32)
    return {"w": w, "b": b}


def conv1d(x, p, stride=1, padding=0, dilation=1):
    y = jax.lax.conv_general_dilated(
        x, p["w"], window_strides=(stride,), padding=[(padding, padding)],
        rhs_dilation=(dilation,), dimension_numbers=("NCH", "OIH", "NCH"))
    return y + p["b"][None, :, None]


def resblock(x, rp, dilation):
    h = jax.nn.relu(x)
    h = conv1d(h, rp["c1"], padding=dilation, dilation=dilation)
    h = jax.nn.relu(h)
    h = conv1d(h, rp["c2"])
    return x + h


def setup_inputs(seed: int = 0):
    key = jax.random.key(seed)
    ks = iter(jax.random.split(key, 64))
    x = jax.random.normal(next(ks), (B, T, IN_DIM), dtype=jnp.float32)
    params = {}
    params["enc_in"] = _conv_p(next(ks), WIDTH, IN_DIM, 3)
    params["enc_down"] = []
    for _ in range(DOWN_T):
        blk = {"down": _conv_p(next(ks), WIDTH, WIDTH, 4),
               "res": [{"c1": _conv_p(next(ks), WIDTH, WIDTH, 3),
                         "c2": _conv_p(next(ks), WIDTH, WIDTH, 1)} for _ in range(DEPTH)]}
        params["enc_down"].append(blk)
    params["enc_out"] = _conv_p(next(ks), CODE_DIM, WIDTH, 3)
    params["dec_in"] = _conv_p(next(ks), WIDTH, CODE_DIM, 3)
    params["dec_up"] = []
    for _ in range(DOWN_T):
        blk = {"res": [{"c1": _conv_p(next(ks), WIDTH, WIDTH, 3),
                         "c2": _conv_p(next(ks), WIDTH, WIDTH, 1)} for _ in range(DEPTH)],
               "up": _conv_p(next(ks), WIDTH, WIDTH, 3)}
        params["dec_up"].append(blk)
    params["dec_mid"] = _conv_p(next(ks), WIDTH, WIDTH, 3)
    params["dec_out"] = _conv_p(next(ks), IN_DIM, WIDTH, 3)
    codebook = jax.random.normal(next(ks), (NB_CODE, CODE_DIM), dtype=jnp.float32)
    return {"x": x, "params": params, "codebook": codebook}


def reference(x, params, codebook):
    # preprocess: (N, T, C_in) -> (N, C_in, T)
    x_in = jnp.transpose(x, (0, 2, 1))
    # ---- Encoder ----
    h = jax.nn.relu(conv1d(x_in, params["enc_in"], padding=1))
    for blk in params["enc_down"]:
        h = conv1d(h, blk["down"], stride=2, padding=1)
        for j, rp in enumerate(blk["res"]):
            h = resblock(h, rp, DGR ** j)
    h = conv1d(h, params["enc_out"], padding=1)
    # ---- Quantizer (EMA frozen) ----
    N, C, Tq = h.shape
    xf = jnp.transpose(h, (0, 2, 1)).reshape(-1, C)
    d = (jnp.sum(xf ** 2, axis=1, keepdims=True)
         - 2.0 * xf @ codebook.T
         + jnp.sum(codebook ** 2, axis=1)[None, :])
    idx = jnp.argmin(d, axis=1)
    xd = codebook[idx]
    commit_loss = jnp.mean((xf - jax.lax.stop_gradient(xd)) ** 2)
    xd_st = xf + jax.lax.stop_gradient(xd - xf)  # straight-through
    onehot = jax.nn.one_hot(idx, NB_CODE, dtype=jnp.float32)
    probs = jnp.mean(onehot, axis=0)
    perplexity = jnp.exp(-jnp.sum(probs * jnp.log(probs + 1e-10)))
    xq = jnp.transpose(xd_st.reshape(N, Tq, C), (0, 2, 1))
    # ---- Decoder ----
    g = jax.nn.relu(conv1d(xq, params["dec_in"], padding=1))
    for blk in params["dec_up"]:
        for j, rp in enumerate(blk["res"]):
            g = resblock(g, rp, DGR ** (DEPTH - 1 - j))  # reverse dilation
        g = jnp.repeat(g, 2, axis=2)  # nearest upsample x2
        g = conv1d(g, blk["up"], padding=1)
    g = jax.nn.relu(conv1d(g, params["dec_mid"], padding=1))
    g = conv1d(g, params["dec_out"], padding=1)
    x_out = jnp.transpose(g, (0, 2, 1))
    classification_loss = jnp.float32(0.0)  # gt_idx is None
    return (x_out, commit_loss, classification_loss, perplexity)

if __name__ == "__main__":
    import jax
    _d = setup_inputs()
    print(jax.jit(kernel)(*tuple(_d.values())))

</pallas_src>

<mosaic_0001>
#map = affine_map<(d0, d1) -> (0, 0)>
module attributes {stable_mosaic.version = 14 : i64} {
  func.func @gather_kernel(%arg0: i32, %arg1: i32, %arg2: memref<8192x128xf32, #tpu.memory_space<hbm>>, %arg3: memref<1x256xi32, #tpu.memory_space<hbm>>, %arg4: memref<256x128xf32, #tpu.memory_space<hbm>>) attributes {dimension_semantics = [#tpu.dimension_semantics<core_parallel>, #tpu.dimension_semantics<subcore_parallel>], iteration_bounds = array<i64: 2, 16>, scalar_prefetch = 0 : i64, scratch_operands = 0 : i64, tpu.core_type = #tpu.core_type<sc_vector_subcore>, window_params = [{transform_indices = #map}, {transform_indices = #map}, {transform_indices = #map}]} {
    %lt3A = arith.constant 2 : i32
    %lt3A_0 = arith.cmpi slt, %arg1, %lt3A : i32
    %jit3A = arith.constant 1 : i32
    %jit3A_1 = arith.constant 0 : i32
    %select_n3A = arith.select %lt3A_0, %jit3A, %jit3A_1 : i32
    %lt3A_2 = arith.constant 2 : i32
    %lt3A_3 = arith.cmpi slt, %arg1, %lt3A_2 : i32
    %mul3A = arith.muli %arg1, %select_n3A : i32
    %mul3A_4 = arith.constant 0 : i32
    %mul3A_5 = arith.muli %arg1, %mul3A_4 : i32
    %add3A = arith.constant 2 : i32
    %add3A_6 = arith.addi %mul3A_5, %add3A : i32
    %select_n3A_7 = arith.select %lt3A_3, %mul3A, %add3A_6 : i32
    %mul3A_8 = arith.constant 1 : i32
    %mul3A_9 = arith.muli %mul3A_8, %select_n3A : i32
    "tpu.region"() ({
      %run_scoped3A = memref.alloca() : memref<2x1x128xi32, #tpu.memory_space<vmem>>
      %run_scoped3A_10 = tpu.sem_alloc : memref<2x!tpu.dma_semaphore, #tpu.memory_space<semaphore_mem>>
      %run_scoped3A_11 = memref.alloca() : memref<2x128x128xf32, #tpu.memory_space<vmem>>
      %run_scoped3A_12 = tpu.sem_alloc : memref<2x!tpu.dma_semaphore, #tpu.memory_space<semaphore_mem>>
      %gt3A = arith.constant 0 : i32
      %gt3A_13 = arith.cmpi sgt, %mul3A_9, %gt3A : i32
      %convert_element_type3A = arith.extui %gt3A_13 : i1 to i32
      %cond3A = arith.constant 0 : i32
      %cond3A_14 = arith.cmpi ne, %convert_element_type3A, %cond3A : i32
      scf.if %cond3A_14 {
        %mul3A_15 = arith.constant 1 : i32
        %mul3A_16 = arith.muli %mul3A_15, %select_n3A : i32
        %sub3A = arith.constant 1 : i32
        %sub3A_17 = arith.subi %mul3A_16, %sub3A : i32
        %eq3A = arith.constant 0 : i32
        %eq3A_18 = arith.cmpi eq, %sub3A_17, %eq3A : i32
        %add3A_19 = arith.constant 0 : i32
        %add3A_20 = arith.addi %add3A_19, %select_n3A_7 : i32
        %select_n3A_21 = arith.constant true
        %select_n3A_22 = arith.constant 0 : i32
        %select_n3A_23 = arith.constant -1 : i32
        %select_n3A_24 = arith.select %select_n3A_21, %select_n3A_23, %select_n3A_22 : i32
        %eq3A_25 = arith.constant -1 : i32
        %eq3A_26 = arith.cmpi eq, %select_n3A_24, %eq3A_25 : i32
        %sub3A_27 = arith.constant 1 : i32
        %sub3A_28 = arith.subi %select_n3A, %sub3A_27 : i32
        %select_n3A_29 = arith.select %eq3A_26, %sub3A_28, %select_n3A_24 : i32
        %add3A_30 = arith.addi %select_n3A_29, %select_n3A_7 : i32
        %select_n3A_31 = arith.constant true
        %select_n3A_32 = arith.constant 0 : i32
        %select_n3A_33 = arith.constant 1 : i32
        %select_n3A_34 = arith.select %select_n3A_31, %select_n3A_33, %select_n3A_32 : i32
        %eq3A_35 = arith.cmpi eq, %select_n3A_34, %select_n3A : i32
        %select_n3A_36 = arith.constant 0 : i32
        %select_n3A_37 = arith.select %eq3A_35, %select_n3A_36, %select_n3A_34 : i32
        %add3A_38 = arith.addi %select_n3A_37, %select_n3A_7 : i32
        %add3A_39 = arith.constant 1 : i32
        %add3A_40 = arith.addi %select_n3A_37, %add3A_39 : i32
        %select_n3A_41 = arith.constant true
        %select_n3A_42 = arith.select %select_n3A_41, %add3A_40, %select_n3A_37 : i32
        %eq3A_43 = arith.cmpi eq, %select_n3A_42, %select_n3A : i32
        %select_n3A_44 = arith.constant 0 : i32
        %select_n3A_45 = arith.select %eq3A_43, %select_n3A_44, %select_n3A_42 : i32
        %add3A_46 = arith.addi %select_n3A_45, %select_n3A_7 : i32
        "tpu.trace_start"() <{level = 10 : i32, message = "ep_initialize_0"}> : () -> ()
        %rem3A = arith.constant 0 : i32
        %rem3A_47 = arith.constant 2 : i32
        %rem3A_48 = arith.remui %rem3A, %rem3A_47 : i32
        %mul3A_49 = arith.constant 128 : i32
        %mul3A_50 = arith.muli %mul3A_49, %add3A_20 : i32
        %dma_start3A = arith.constant 0 : i32
        %dma_start3A_51 = arith.constant 0 : i32
        %dma_start3A_52 = tpu.memref_slice %run_scoped3A[%rem3A_48, %dma_start3A, %dma_start3A_51] : memref<2x1x128xi32, #tpu.memory_space<vmem>> -> memref<1x1x128xi32, #tpu.memory_space<vmem>>
        %dma_start3A_53 = tpu.memref_squeeze %dma_start3A_52 : memref<1x1x128xi32, #tpu.memory_space<vmem>> -> memref<1x128xi32, #tpu.memory_space<vmem>>
        %dma_start3A_54 = arith.constant 0 : i32
        %dma_start3A_55 = tpu.memref_slice %arg3[%dma_start3A_54, %mul3A_50] : memref<1x256xi32, #tpu.memory_space<hbm>> -> memref<1x128xi32, #tpu.memory_space<hbm>>
        %dma_start3A_56 = tpu.memref_slice %run_scoped3A_10[%rem3A_48] : memref<2x!tpu.dma_semaphore, #tpu.memory_space<semaphore_mem>> -> memref<1x!tpu.dma_semaphore, #tpu.memory_space<semaphore_mem>>
        %dma_start3A_57 = tpu.memref_squeeze %dma_start3A_56 : memref<1x!tpu.dma_semaphore, #tpu.memory_space<semaphore_mem>> -> memref<!tpu.dma_semaphore, #tpu.memory_space<semaphore_mem>>
        %dma_start3A_58 = arith.constant 0 : i32
        %dma_start3A_59 = arith.constant 0 : i32
        %dma_start3A_60 = tpu.memref_slice %run_scoped3A[%rem3A_48, %dma_start3A_58, %dma_start3A_59] : memref<2x1x128xi32, #tpu.memory_space<vmem>> -> memref<1x1x128xi32, #tpu.memory_space<vmem>>
        %dma_start3A_61 = tpu.memref_squeeze %dma_start3A_60 : memref<1x1x128xi32, #tpu.memory_space<vmem>> -> memref<1x128xi32, #tpu.memory_space<vmem>>
        %dma_start3A_62 = arith.constant 0 : i32
        %dma_start3A_63 = tpu.memref_slice %arg3[%dma_start3A_62, %mul3A_50] : memref<1x256xi32, #tpu.memory_space<hbm>> -> memref<1x128xi32, #tpu.memory_space<hbm>>
        tpu.enqueue_dma source(%dma_start3A_63 : memref<1x128xi32, #tpu.memory_space<hbm>>) target(%dma_start3A_61 : memref<1x128xi32, #tpu.memory_space<vmem>>) target_semaphore(%dma_start3A_57 : memref<!tpu.dma_semaphore, #tpu.memory_space<semaphore_mem>>)
        %add3A_64 = arith.constant 0 : i32
        %add3A_65 = arith.constant 1 : i32
        %add3A_66 = arith.addi %add3A_64, %add3A_65 : i32
        %select_n3A_67 = arith.constant true
        %select_n3A_68 = arith.constant 0 : i32
        %select_n3A_69 = arith.select %select_n3A_67, %add3A_66, %select_n3A_68 : i32
        %while3A = arith.constant 0 : i32
        %while3A_70 = arith.constant 0 : i32
        %while3A_71 = arith.constant 0 : i32
        %while3A_72 = arith.constant 0 : i32
        %while3A_73 = arith.constant 0 : i32
        "tpu.trace_stop"() : () -> ()
        %while3A_74 = arith.subi %mul3A_9, %while3A : i32
        %while3A_75 = arith.addi %while3A, %while3A_74 : i32
        %while3A_76 = arith.constant 1 : i32
        %while3A_77 = arith.divsi %while3A_74, %while3A_76 : i32
        %while3A_78 = arith.muli %while3A_77, %while3A_76 : i32
        %while3A_79 = arith.addi %while3A, %while3A_78 : i32
        %while3A_80 = arith.constant 1 : i32
        %while3A_81:5 = scf.for %while3A_135 = %while3A to %while3A_79 step %while3A_80 iter_args(%while3A_136 = %select_n3A_69, %while3A_137 = %while3A_70, %while3A_138 = %while3A_71, %while3A_139 = %while3A_72, %while3A_140 = %while3A_73) -> (i32, i32, i32, i32, i32)  : i32 {
          %mul3A_141 = arith.constant 1 : i32
          %mul3A_142 = arith.muli %mul3A_141, %select_n3A : i32
          %eq3A_143 = arith.constant 0 : i32
          %eq3A_144 = arith.cmpi eq, %while3A_135, %eq3A_143 : i32
          %sub3A_145 = arith.constant 1 : i32
          %sub3A_146 = arith.subi %mul3A_142, %sub3A_145 : i32
          %eq3A_147 = arith.cmpi eq, %while3A_135, %sub3A_146 : i32
          %add3A_148 = arith.addi %while3A_140, %select_n3A_7 : i32
          %sub3A_149 = arith.constant 1 : i32
          %sub3A_150 = arith.subi %while3A_140, %sub3A_149 : i32
          %select_n3A_151 = arith.constant true
          %select_n3A_152 = arith.select %select_n3A_151, %sub3A_150, %while3A_140 : i32
          %eq3A_153 = arith.constant -1 : i32
          %eq3A_154 = arith.cmpi eq, %select_n3A_152, %eq3A_153 : i32
          %sub3A_155 = arith.constant 1 : i32
          %sub3A_156 = arith.subi %select_n3A, %sub3A_155 : i32
          %select_n3A_157 = arith.select %eq3A_154, %sub3A_156, %select_n3A_152 : i32
          %add3A_158 = arith.addi %select_n3A_157, %select_n3A_7 : i32
          %add3A_159 = arith.constant 1 : i32
          %add3A_160 = arith.addi %while3A_140, %add3A_159 : i32
          %select_n3A_161 = arith.constant true
          %select_n3A_162 = arith.select %select_n3A_161, %add3A_160, %while3A_140 : i32
          %eq3A_163 = arith.cmpi eq, %select_n3A_162, %select_n3A : i32
          %select_n3A_164 = arith.constant 0 : i32
          %select_n3A_165 = arith.select %eq3A_163, %select_n3A_164, %select_n3A_162 : i32
          %add3A_166 = arith.addi %select_n3A_165, %select_n3A_7 : i32
          %add3A_167 = arith.constant 1 : i32
          %add3A_168 = arith.addi %select_n3A_165, %add3A_167 : i32
          %select_n3A_169 = arith.constant true
          %select_n3A_170 = arith.select %select_n3A_169, %add3A_168, %select_n3A_165 : i32
          %eq3A_171 = arith.cmpi eq, %select_n3A_170, %select_n3A : i32
          %select_n3A_172 = arith.constant 0 : i32
          %select_n3A_173 = arith.select %eq3A_171, %select_n3A_172, %select_n3A_170 : i32
          %add3A_174 = arith.addi %select_n3A_173, %select_n3A_7 : i32
          %ne3A = arith.cmpi ne, %add3A_148, %add3A_166 : i32
          %or3A = arith.constant false
          %or3A_175 = arith.ori %or3A, %ne3A : i1
          %sub3A_176 = arith.constant 2 : i32
          %sub3A_177 = arith.subi %mul3A_142, %sub3A_176 : i32
          %add3A_178 = arith.constant 1 : i32
          %add3A_179 = arith.addi %sub3A_177, %add3A_178 : i32
          %ge3A = arith.cmpi sge, %while3A_135, %add3A_179 : i32
          %not3A = arith.constant true
          %not3A_180 = arith.xori %ge3A, %not3A : i1
          %and3A = arith.andi %or3A_175, %not3A_180 : i1
          %convert_element_type3A_181 = arith.extui %and3A : i1 to i32
          %cond3A_182 = arith.constant 0 : i32
          %cond3A_183 = arith.cmpi ne, %convert_element_type3A_181, %cond3A_182 : i32
          scf.if %cond3A_183 {
            "tpu.trace_start"() <{level = 10 : i32, message = "ep_copy_in"}> : () -> ()
            %rem3A_287 = arith.constant 2 : i32
            %rem3A_288 = arith.remui %while3A_136, %rem3A_287 : i32
            %mul3A_289 = arith.constant 128 : i32
            %mul3A_290 = arith.muli %mul3A_289, %add3A_166 : i32
            %dma_start3A_291 = arith.constant 0 : i32
            %dma_start3A_292 = arith.constant 0 : i32
            %dma_start3A_293 = tpu.memref_slice %run_scoped3A[%rem3A_288, %dma_start3A_291, %dma_start3A_292] : memref<2x1x128xi32, #tpu.memory_space<vmem>> -> memref<1x1x128xi32, #tpu.memory_space<vmem>>
            %dma_start3A_294 = tpu.memref_squeeze %dma_start3A_293 : memref<1x1x128xi32, #tpu.memory_space<vmem>> -> memref<1x128xi32, #tpu.memory_space<vmem>>
            %dma_start3A_295 = arith.constant 0 : i32
            %dma_start3A_296 = tpu.memref_slice %arg3[%dma_start3A_295, %mul3A_290] : memref<1x256xi32, #tpu.memory_space<hbm>> -> memref<1x128xi32, #tpu.memory_space<hbm>>
            %dma_start3A_297 = tpu.memref_slice %run_scoped3A_10[%rem3A_288] : memref<2x!tpu.dma_semaphore, #tpu.memory_space<semaphore_mem>> -> memref<1x!tpu.dma_semaphore, #tpu.memory_space<semaphore_mem>>
            %dma_start3A_298 = tpu.memref_squeeze %dma_start3A_297 : memref<1x!tpu.dma_semaphore, #tpu.memory_space<semaphore_mem>> -> memref<!tpu.dma_semaphore, #tpu.memory_space<semaphore_mem>>
            %dma_start3A_299 = arith.constant 0 : i32
            %dma_start3A_300 = arith.constant 0 : i32
            %dma_start3A_301 = tpu.memref_slice %run_scoped3A[%rem3A_288, %dma_start3A_299, %dma_start3A_300] : memref<2x1x128xi32, #tpu.memory_space<vmem>> -> memref<1x1x128xi32, #tpu.memory_space<vmem>>
            %dma_start3A_302 = tpu.memref_squeeze %dma_start3A_301 : memref<1x1x128xi32, #tpu.memory_space<vmem>> -> memref<1x128xi32, #tpu.memory_space<vmem>>
            %dma_start3A_303 = arith.constant 0 : i32
            %dma_start3A_304 = tpu.memref_slice %arg3[%dma_start3A_303, %mul3A_290] : memref<1x256xi32, #tpu.memory_space<hbm>> -> memref<1x128xi32, #tpu.memory_space<hbm>>
            tpu.enqueue_dma source(%dma_start3A_304 : memref<1x128xi32, #tpu.memory_space<hbm>>) target(%dma_start3A_302 : memref<1x128xi32, #tpu.memory_space<vmem>>) target_semaphore(%dma_start3A_298 : memref<!tpu.dma_semaphore, #tpu.memory_space<semaphore_mem>>)
            "tpu.trace_stop"() : () -> ()
          } else {
          }
          %and3A_184 = arith.constant true
          %and3A_185 = arith.andi %and3A, %and3A_184 : i1
          %add3A_186 = arith.constant 1 : i32
          %add3A_187 = arith.addi %while3A_136, %add3A_186 : i32
          %select_n3A_188 = arith.select %and3A_185, %add3A_187, %while3A_136 : i32
          %ne3A_189 = arith.cmpi ne, %add3A_148, %add3A_166 : i32
          %or3A_190 = arith.constant false
          %or3A_191 = arith.ori %or3A_190, %ne3A_189 : i1
          %or3A_192 = arith.constant false
          %or3A_193 = arith.ori %or3A_191, %or3A_192 : i1
          %sub3A_194 = arith.constant 2 : i32
          %sub3A_195 = arith.subi %mul3A_142, %sub3A_194 : i32
          %add3A_196 = arith.constant 1 : i32
          %add3A_197 = arith.addi %sub3A_195, %add3A_196 : i32
          %ge3A_198 = arith.cmpi sge, %while3A_135, %add3A_197 : i32
          %not3A_199 = arith.constant true
          %not3A_200 = arith.xori %ge3A_198, %not3A_199 : i1
          %and3A_201 = arith.andi %or3A_193, %not3A_200 : i1
          %ne3A_202 = arith.cmpi ne, %add3A_148, %add3A_158 : i32
          %or3A_203 = arith.constant false
          %or3A_204 = arith.ori %or3A_203, %ne3A_202 : i1
          %or3A_205 = arith.ori %or3A_204, %eq3A_144 : i1
          %convert_element_type3A_206 = arith.extui %or3A_205 : i1 to i32
          %cond3A_207 = arith.constant 0 : i32
          %cond3A_208 = arith.cmpi ne, %convert_element_type3A_206, %cond3A_207 : i32
          scf.if %cond3A_208 {
            "tpu.trace_start"() <{level = 10 : i32, message = "ep_wait_in"}> : () -> ()
            %mul3A_287 = arith.constant 128 : i32
            %mul3A_288 = arith.muli %mul3A_287, %add3A_148 : i32
            %rem3A_289 = arith.constant 2 : i32
            %rem3A_290 = arith.remui %while3A_137, %rem3A_289 : i32
            %dma_wait3A = arith.constant 0 : i32
            %dma_wait3A_291 = arith.constant 0 : i32
            %dma_wait3A_292 = tpu.memref_slice %run_scoped3A[%rem3A_290, %dma_wait3A, %dma_wait3A_291] : memref<2x1x128xi32, #tpu.memory_space<vmem>> -> memref<1x1x128xi32, #tpu.memory_space<vmem>>
            %dma_wait3A_293 = tpu.memref_squeeze %dma_wait3A_292 : memref<1x1x128xi32, #tpu.memory_space<vmem>> -> memref<1x128xi32, #tpu.memory_space<vmem>>
            %dma_wait3A_294 = arith.constant 0 : i32
            %dma_wait3A_295 = tpu.memref_slice %arg3[%dma_wait3A_294, %mul3A_288] : memref<1x256xi32, #tpu.memory_space<hbm>> -> memref<1x128xi32, #tpu.memory_space<hbm>>
            %dma_wait3A_296 = tpu.memref_slice %run_scoped3A_10[%rem3A_290] : memref<2x!tpu.dma_semaphore, #tpu.memory_space<semaphore_mem>> -> memref<1x!tpu.dma_semaphore, #tpu.memory_space<semaphore_mem>>
            %dma_wait3A_297 = tpu.memref_squeeze %dma_wait3A_296 : memref<1x!tpu.dma_semaphore, #tpu.memory_space<semaphore_mem>> -> memref<!tpu.dma_semaphore, #tpu.memory_space<semaphore_mem>>
            %dma_wait3A_298 = arith.constant 0 : i32
            %dma_wait3A_299 = arith.constant 0 : i32
            %dma_wait3A_300 = tpu.memref_slice %run_scoped3A[%rem3A_290, %dma_wait3A_298, %dma_wait3A_299] : memref<2x1x128xi32, #tpu.memory_space<vmem>> -> memref<1x1x128xi32, #tpu.memory_space<vmem>>
            %dma_wait3A_301 = tpu.memref_squeeze %dma_wait3A_300 : memref<1x1x128xi32, #tpu.memory_space<vmem>> -> memref<1x128xi32, #tpu.memory_space<vmem>>
            %dma_wait3A_302 = arith.constant 0 : i32
            %dma_wait3A_303 = tpu.memref_slice %arg3[%dma_wait3A_302, %mul3A_288] : memref<1x256xi32, #tpu.memory_space<hbm>> -> memref<1x128xi32, #tpu.memory_space<hbm>>
            tpu.wait_dma2 semaphore(%dma_wait3A_297 : memref<!tpu.dma_semaphore, #tpu.memory_space<semaphore_mem>>) src(%dma_wait3A_303 : memref<1x128xi32, #tpu.memory_space<hbm>>) dst(%dma_wait3A_301 : memref<1x128xi32, #tpu.memory_space<vmem>>)
            "tpu.trace_stop"() : () -> ()
          } else {
          }
          %ne3A_209 = arith.cmpi ne, %add3A_148, %add3A_158 : i32
          %or3A_210 = arith.constant false
          %or3A_211 = arith.ori %or3A_210, %ne3A_209 : i1
          %or3A_212 = arith.constant false
          %or3A_213 = arith.ori %or3A_211, %or3A_212 : i1
          %or3A_214 = arith.ori %or3A_213, %eq3A_144 : i1
          %convert_element_type3A_215 = arith.extui %or3A_214 : i1 to i32
          %cond3A_216 = arith.constant 0 : i32
          %cond3A_217 = arith.cmpi ne, %convert_element_type3A_215, %cond3A_216 : i32
          scf.if %cond3A_217 {
          } else {
          }
          %rem3A_218 = arith.constant 2 : i32
          %rem3A_219 = arith.remui %while3A_137, %rem3A_218 : i32
          %rem3A_220 = arith.constant 2 : i32
          %rem3A_221 = arith.remui %while3A_138, %rem3A_220 : i32
          %run_scoped3A_222 = arith.constant 0 : i32
          "tpu.trace_start"() <{level = 10 : i32, message = "ep_run_kernel"}> : () -> ()
          "tpu.region"() ({
            %run_scoped3A_287 = tpu.sem_alloc : memref<!tpu.dma_semaphore, #tpu.memory_space<semaphore_mem>>
            %dma_start3A_288 = arith.constant 0 : i32
            %dma_start3A_289 = arith.constant 0 : i32
            %dma_start3A_290 = tpu.memref_slice %run_scoped3A_11[%rem3A_221, %dma_start3A_288, %dma_start3A_289] : memref<2x128x128xf32, #tpu.memory_space<vmem>> -> memref<1x128x128xf32, #tpu.memory_space<vmem>>
            %dma_start3A_291 = tpu.memref_squeeze %dma_start3A_290 : memref<1x128x128xf32, #tpu.memory_space<vmem>> -> memref<128x128xf32, #tpu.memory_space<vmem>>
            %dma_start3A_292 = arith.constant 0 : i32
            %dma_start3A_293 = arith.constant 0 : i32
            %dma_start3A_294 = tpu.memref_slice %run_scoped3A[%rem3A_219, %dma_start3A_292, %dma_start3A_293] : memref<2x1x128xi32, #tpu.memory_space<vmem>> -> memref<1x1x128xi32, #tpu.memory_space<vmem>>
            %dma_start3A_295 = tpu.memref_squeeze %dma_start3A_294 : memref<1x1x128xi32, #tpu.memory_space<vmem>> -> memref<1x128xi32, #tpu.memory_space<vmem>>
            %dma_start3A_296 = arith.constant 0 : i32
            %dma_start3A_297 = tpu.memref_slice %dma_start3A_295[%run_scoped3A_222, %dma_start3A_296] : memref<1x128xi32, #tpu.memory_space<vmem>> -> memref<1x128xi32, #tpu.memory_space<vmem>>
            %dma_start3A_298 = tpu.memref_squeeze %dma_start3A_297 : memref<1x128xi32, #tpu.memory_space<vmem>> -> memref<128xi32, #tpu.memory_space<vmem>>
            %dma_start3A_299 = arith.constant 0 : i32
            %dma_start3A_300 = arith.constant 0 : i32
            %dma_start3A_301 = tpu.memref_slice %arg2[%dma_start3A_299, %dma_start3A_300] : memref<8192x128xf32, #tpu.memory_space<hbm>> -> memref<8192x128xf32, #tpu.memory_space<hbm>>
            tpu.enqueue_indirect_dma source(%dma_start3A_301 : memref<8192x128xf32, #tpu.memory_space<hbm>>) target(%dma_start3A_291 : memref<128x128xf32, #tpu.memory_space<vmem>>) offsets(%dma_start3A_298 : memref<128xi32, #tpu.memory_space<vmem>>) semaphore(%run_scoped3A_287 : memref<!tpu.dma_semaphore, #tpu.memory_space<semaphore_mem>>)
            %dma_wait3A = arith.constant 0 : i32
            %dma_wait3A_302 = arith.constant 0 : i32
            %dma_wait3A_303 = tpu.memref_slice %run_scoped3A_11[%rem3A_221, %dma_wait3A, %dma_wait3A_302] : memref<2x128x128xf32, #tpu.memory_space<vmem>> -> memref<1x128x128xf32, #tpu.memory_space<vmem>>
            %dma_wait3A_304 = tpu.memref_squeeze %dma_wait3A_303 : memref<1x128x128xf32, #tpu.memory_space<vmem>> -> memref<128x128xf32, #tpu.memory_space<vmem>>
            %dma_wait3A_305 = arith.constant 0 : i32
            %dma_wait3A_306 = arith.constant 0 : i32
            %dma_wait3A_307 = tpu.memref_slice %run_scoped3A[%rem3A_219, %dma_wait3A_305, %dma_wait3A_306] : memref<2x1x128xi32, #tpu.memory_space<vmem>> -> memref<1x1x128xi32, #tpu.memory_space<vmem>>
            %dma_wait3A_308 = tpu.memref_squeeze %dma_wait3A_307 : memref<1x1x128xi32, #tpu.memory_space<vmem>> -> memref<1x128xi32, #tpu.memory_space<vmem>>
            %dma_wait3A_309 = arith.constant 0 : i32
            %dma_wait3A_310 = tpu.memref_slice %dma_wait3A_308[%run_scoped3A_222, %dma_wait3A_309] : memref<1x128xi32, #tpu.memory_space<vmem>> -> memref<1x128xi32, #tpu.memory_space<vmem>>
            %dma_wait3A_311 = tpu.memref_squeeze %dma_wait3A_310 : memref<1x128xi32, #tpu.memory_space<vmem>> -> memref<128xi32, #tpu.memory_space<vmem>>
            %dma_wait3A_312 = arith.constant 0 : i32
            %dma_wait3A_313 = arith.constant 0 : i32
            %dma_wait3A_314 = tpu.memref_slice %arg2[%dma_wait3A_312, %dma_wait3A_313] : memref<8192x128xf32, #tpu.memory_space<hbm>> -> memref<8192x128xf32, #tpu.memory_space<hbm>>
            tpu.wait_indirect_dma semaphore(%run_scoped3A_287 : memref<!tpu.dma_semaphore, #tpu.memory_space<semaphore_mem>>) src(%dma_wait3A_314 : memref<8192x128xf32, #tpu.memory_space<hbm>>) dst(%dma_wait3A_304 : memref<128x128xf32, #tpu.memory_space<vmem>>)
            tpu.yield
          }) : () -> ()
          "tpu.trace_stop"() : () -> ()
          %ne3A_223 = arith.cmpi ne, %add3A_148, %add3A_166 : i32
          %or3A_224 = arith.constant false
          %or3A_225 = arith.ori %or3A_224, %ne3A_223 : i1
          %or3A_226 = arith.ori %or3A_225, %eq3A_147 : i1
          %convert_element_type3A_227 = arith.extui %or3A_226 : i1 to i32
          %cond3A_228 = arith.constant 0 : i32
          %cond3A_229 = arith.cmpi ne, %convert_element_type3A_227, %cond3A_228 : i32
          scf.if %cond3A_229 {
          } else {
          }
          %and3A_230 = arith.constant false
          %and3A_231 = arith.andi %or3A_226, %and3A_230 : i1
          %ne3A_232 = arith.cmpi ne, %add3A_148, %add3A_166 : i32
          %or3A_233 = arith.constant false
          %or3A_234 = arith.ori %or3A_233, %ne3A_232 : i1
          %or3A_235 = arith.constant false
          %or3A_236 = arith.ori %or3A_234, %or3A_235 : i1
          %or3A_237 = arith.ori %or3A_236, %eq3A_147 : i1
          %convert_element_type3A_238 = arith.extui %or3A_237 : i1 to i32
          %cond3A_239 = arith.constant 0 : i32
          %cond3A_240 = arith.cmpi ne, %convert_element_type3A_238, %cond3A_239 : i32
          scf.if %cond3A_240 {
            "tpu.trace_start"() <{level = 10 : i32, message = "ep_copy_out"}> : () -> ()
            %rem3A_287 = arith.constant 2 : i32
            %rem3A_288 = arith.remui %while3A_138, %rem3A_287 : i32
            %mul3A_289 = arith.constant 128 : i32
            %mul3A_290 = arith.muli %mul3A_289, %add3A_148 : i32
            %dma_start3A_291 = arith.constant 0 : i32
            %dma_start3A_292 = arith.constant 0 : i32
            %dma_start3A_293 = tpu.memref_slice %run_scoped3A_11[%rem3A_288, %dma_start3A_291, %dma_start3A_292] : memref<2x128x128xf32, #tpu.memory_space<vmem>> -> memref<1x128x128xf32, #tpu.memory_space<vmem>>
            %dma_start3A_294 = tpu.memref_squeeze %dma_start3A_293 : memref<1x128x128xf32, #tpu.memory_space<vmem>> -> memref<128x128xf32, #tpu.memory_space<vmem>>
            %dma_start3A_295 = arith.constant 0 : i32
            %dma_start3A_296 = tpu.memref_slice %arg4[%mul3A_290, %dma_start3A_295] : memref<256x128xf32, #tpu.memory_space<hbm>> -> memref<128x128xf32, #tpu.memory_space<hbm>>
            %dma_start3A_297 = tpu.memref_slice %run_scoped3A_12[%rem3A_288] : memref<2x!tpu.dma_semaphore, #tpu.memory_space<semaphore_mem>> -> memref<1x!tpu.dma_semaphore, #tpu.memory_space<semaphore_mem>>
            %dma_start3A_298 = tpu.memref_squeeze %dma_start3A_297 : memref<1x!tpu.dma_semaphore, #tpu.memory_space<semaphore_mem>> -> memref<!tpu.dma_semaphore, #tpu.memory_space<semaphore_mem>>
            %dma_start3A_299 = arith.constant 0 : i32
            %dma_start3A_300 = tpu.memref_slice %arg4[%mul3A_290, %dma_start3A_299] : memref<256x128xf32, #tpu.memory_space<hbm>> -> memref<128x128xf32, #tpu.memory_space<hbm>>
            %dma_start3A_301 = arith.constant 0 : i32
            %dma_start3A_302 = arith.constant 0 : i32
            %dma_start3A_303 = tpu.memref_slice %run_scoped3A_11[%rem3A_288, %dma_start3A_301, %dma_start3A_302] : memref<2x128x128xf32, #tpu.memory_space<vmem>> -> memref<1x128x128xf32, #tpu.memory_space<vmem>>
            %dma_start3A_304 = tpu.memref_squeeze %dma_start3A_303 : memref<1x128x128xf32, #tpu.memory_space<vmem>> -> memref<128x128xf32, #tpu.memory_space<vmem>>
            tpu.enqueue_dma source(%dma_start3A_304 : memref<128x128xf32, #tpu.memory_space<vmem>>) target(%dma_start3A_300 : memref<128x128xf32, #tpu.memory_space<hbm>>) target_semaphore(%dma_start3A_298 : memref<!tpu.dma_semaphore, #tpu.memory_space<semaphore_mem>>)
            "tpu.trace_stop"() : () -> ()
          } else {
          }
          %and3A_241 = arith.constant true
          %and3A_242 = arith.andi %or3A_237, %and3A_241 : i1
          %add3A_243 = arith.constant 1 : i32
          %add3A_244 = arith.addi %while3A_138, %add3A_243 : i32
          %select_n3A_245 = arith.select %and3A_242, %add3A_244, %while3A_138 : i32
          %ne3A_246 = arith.cmpi ne, %add3A_148, %add3A_158 : i32
          %or3A_247 = arith.constant false
          %or3A_248 = arith.ori %or3A_247, %ne3A_246 : i1
          %not3A_249 = arith.constant true
          %not3A_250 = arith.xori %eq3A_144, %not3A_249 : i1
          %and3A_251 = arith.andi %or3A_248, %not3A_250 : i1
          %convert_element_type3A_252 = arith.extui %and3A_251 : i1 to i32
          %cond3A_253 = arith.constant 0 : i32
          %cond3A_254 = arith.cmpi ne, %convert_element_type3A_252, %cond3A_253 : i32
          scf.if %cond3A_254 {
          } else {
          }
          %and3A_255 = arith.constant false
          %and3A_256 = arith.andi %and3A_251, %and3A_255 : i1
          %ne3A_257 = arith.cmpi ne, %add3A_148, %add3A_158 : i32
          %or3A_258 = arith.constant false
          %or3A_259 = arith.ori %or3A_258, %ne3A_257 : i1
          %or3A_260 = arith.constant false
          %or3A_261 = arith.ori %or3A_259, %or3A_260 : i1
          %not3A_262 = arith.constant true
          %not3A_263 = arith.xori %eq3A_144, %not3A_262 : i1
          %and3A_264 = arith.andi %or3A_261, %not3A_263 : i1
          %convert_element_type3A_265 = arith.extui %and3A_264 : i1 to i32
          %cond3A_266 = arith.constant 0 : i32
          %cond3A_267 = arith.cmpi ne, %convert_element_type3A_265, %cond3A_266 : i32
          scf.if %cond3A_267 {
            "tpu.trace_start"() <{level = 10 : i32, message = "ep_wait_out"}> : () -> ()
            %rem3A_287 = arith.constant 2 : i32
            %rem3A_288 = arith.remui %while3A_139, %rem3A_287 : i32
            %mul3A_289 = arith.constant 128 : i32
            %mul3A_290 = arith.muli %mul3A_289, %add3A_158 : i32
            %dma_wait3A = arith.constant 0 : i32
            %dma_wait3A_291 = arith.constant 0 : i32
            %dma_wait3A_292 = tpu.memref_slice %run_scoped3A_11[%rem3A_288, %dma_wait3A, %dma_wait3A_291] : memref<2x128x128xf32, #tpu.memory_space<vmem>> -> memref<1x128x128xf32, #tpu.memory_space<vmem>>
            %dma_wait3A_293 = tpu.memref_squeeze %dma_wait3A_292 : memref<1x128x128xf32, #tpu.memory_space<vmem>> -> memref<128x128xf32, #tpu.memory_space<vmem>>
            %dma_wait3A_294 = arith.constant 0 : i32
            %dma_wait3A_295 = tpu.memref_slice %arg4[%mul3A_290, %dma_wait3A_294] : memref<256x128xf32, #tpu.memory_space<hbm>> -> memref<128x128xf32, #tpu.memory_space<hbm>>
            %dma_wait3A_296 = tpu.memref_slice %run_scoped3A_12[%rem3A_288] : memref<2x!tpu.dma_semaphore, #tpu.memory_space<semaphore_mem>> -> memref<1x!tpu.dma_semaphore, #tpu.memory_space<semaphore_mem>>
            %dma_wait3A_297 = tpu.memref_squeeze %dma_wait3A_296 : memref<1x!tpu.dma_semaphore, #tpu.memory_space<semaphore_mem>> -> memref<!tpu.dma_semaphore, #tpu.memory_space<semaphore_mem>>
            %dma_wait3A_298 = arith.constant 0 : i32
            %dma_wait3A_299 = tpu.memref_slice %arg4[%mul3A_290, %dma_wait3A_298] : memref<256x128xf32, #tpu.memory_space<hbm>> -> memref<128x128xf32, #tpu.memory_space<hbm>>
            %dma_wait3A_300 = arith.constant 0 : i32
            %dma_wait3A_301 = arith.constant 0 : i32
            %dma_wait3A_302 = tpu.memref_slice %run_scoped3A_11[%rem3A_288, %dma_wait3A_300, %dma_wait3A_301] : memref<2x128x128xf32, #tpu.memory_space<vmem>> -> memref<1x128x128xf32, #tpu.memory_space<vmem>>
            %dma_wait3A_303 = tpu.memref_squeeze %dma_wait3A_302 : memref<1x128x128xf32, #tpu.memory_space<vmem>> -> memref<128x128xf32, #tpu.memory_space<vmem>>
            tpu.wait_dma2 semaphore(%dma_wait3A_297 : memref<!tpu.dma_semaphore, #tpu.memory_space<semaphore_mem>>) src(%dma_wait3A_303 : memref<128x128xf32, #tpu.memory_space<vmem>>) dst(%dma_wait3A_299 : memref<128x128xf32, #tpu.memory_space<hbm>>)
            "tpu.trace_stop"() : () -> ()
          } else {
          }
          %and3A_268 = arith.constant true
          %and3A_269 = arith.andi %and3A_264, %and3A_268 : i1
          %add3A_270 = arith.constant 1 : i32
          %add3A_271 = arith.addi %while3A_139, %add3A_270 : i32
          %select_n3A_272 = arith.select %and3A_269, %add3A_271, %while3A_139 : i32
          %ne3A_273 = arith.cmpi ne, %add3A_148, %add3A_166 : i32
          %or3A_274 = arith.constant false
          %or3A_275 = arith.ori %or3A_274, %ne3A_273 : i1
          %or3A_276 = arith.ori %or3A_275, %eq3A_147 : i1
          %add3A_277 = arith.constant 1 : i32
          %add3A_278 = arith.addi %while3A_137, %add3A_277 : i32
          %select_n3A_279 = arith.select %or3A_276, %add3A_278, %while3A_137 : i32
          %add3A_280 = arith.constant 1 : i32
          %add3A_281 = arith.addi %while3A_140, %add3A_280 : i32
          %select_n3A_282 = arith.constant true
          %select_n3A_283 = arith.select %select_n3A_282, %add3A_281, %while3A_140 : i32
          %eq3A_284 = arith.cmpi eq, %select_n3A_283, %select_n3A : i32
          %select_n3A_285 = arith.constant 0 : i32
          %select_n3A_286 = arith.select %eq3A_284, %select_n3A_285, %select_n3A_283 : i32
          scf.yield %select_n3A_188, %select_n3A_279, %select_n3A_245, %select_n3A_272, %select_n3A_286 : i32, i32, i32, i32, i32
        }
        %while3A_82 = arith.constant 1 : i32
        %while3A_83:5 = scf.for %while3A_135 = %while3A_79 to %while3A_75 step %while3A_82 iter_args(%while3A_136 = %while3A_81#0, %while3A_137 = %while3A_81#1, %while3A_138 = %while3A_81#2, %while3A_139 = %while3A_81#3, %while3A_140 = %while3A_81#4) -> (i32, i32, i32, i32, i32)  : i32 {
          %mul3A_141 = arith.constant 1 : i32
          %mul3A_142 = arith.muli %mul3A_141, %select_n3A : i32
          %eq3A_143 = arith.constant 0 : i32
          %eq3A_144 = arith.cmpi eq, %while3A_135, %eq3A_143 : i32
          %sub3A_145 = arith.constant 1 : i32
          %sub3A_146 = arith.subi %mul3A_142, %sub3A_145 : i32
          %eq3A_147 = arith.cmpi eq, %while3A_135, %sub3A_146 : i32
          %add3A_148 = arith.addi %while3A_140, %select_n3A_7 : i32
          %sub3A_149 = arith.constant 1 : i32
          %sub3A_150 = arith.subi %while3A_140, %sub3A_149 : i32
          %select_n3A_151 = arith.constant true
          %select_n3A_152 = arith.select %select_n3A_151, %sub3A_150, %while3A_140 : i32
          %eq3A_153 = arith.constant -1 : i32
          %eq3A_154 = arith.cmpi eq, %select_n3A_152, %eq3A_153 : i32
          %sub3A_155 = arith.constant 1 : i32
          %sub3A_156 = arith.subi %select_n3A, %sub3A_155 : i32
          %select_n3A_157 = arith.select %eq3A_154, %sub3A_156, %select_n3A_152 : i32
          %add3A_158 = arith.addi %select_n3A_157, %select_n3A_7 : i32
          %add3A_159 = arith.constant 1 : i32
          %add3A_160 = arith.addi %while3A_140, %add3A_159 : i32
          %select_n3A_161 = arith.constant true
          %select_n3A_162 = arith.select %select_n3A_161, %add3A_160, %while3A_140 : i32
          %eq3A_163 = arith.cmpi eq, %select_n3A_162, %select_n3A : i32
          %select_n3A_164 = arith.constant 0 : i32
          %select_n3A_165 = arith.select %eq3A_163, %select_n3A_164, %select_n3A_162 : i32
          %add3A_166 = arith.addi %select_n3A_165, %select_n3A_7 : i32
          %add3A_167 = arith.constant 1 : i32
          %add3A_168 = arith.addi %select_n3A_165, %add3A_167 : i32
          %select_n3A_169 = arith.constant true
          %select_n3A_170 = arith.select %select_n3A_169, %add3A_168, %select_n3A_165 : i32
          %eq3A_171 = arith.cmpi eq, %select_n3A_170, %select_n3A : i32
          %select_n3A_172 = arith.constant 0 : i32
          %select_n3A_173 = arith.select %eq3A_171, %select_n3A_172, %select_n3A_170 : i32
          %add3A_174 = arith.addi %select_n3A_173, %select_n3A_7 : i32
          %ne3A = arith.cmpi ne, %add3A_148, %add3A_166 : i32
          %or3A = arith.constant false
          %or3A_175 = arith.ori %or3A, %ne3A : i1
          %sub3A_176 = arith.constant 2 : i32
          %sub3A_177 = arith.subi %mul3A_142, %sub3A_176 : i32
          %add3A_178 = arith.constant 1 : i32
          %add3A_179 = arith.addi %sub3A_177, %add3A_178 : i32
          %ge3A = arith.cmpi sge, %while3A_135, %add3A_179 : i32
          %not3A = arith.constant true
          %not3A_180 = arith.xori %ge3A, %not3A : i1
          %and3A = arith.andi %or3A_175, %not3A_180 : i1
          %convert_element_type3A_181 = arith.extui %and3A : i1 to i32
          %cond3A_182 = arith.constant 0 : i32
          %cond3A_183 = arith.cmpi ne, %convert_element_type3A_181, %cond3A_182 : i32
          scf.if %cond3A_183 {
            "tpu.trace_start"() <{level = 10 : i32, message = "ep_copy_in"}> : () -> ()
            %rem3A_287 = arith.constant 2 : i32
            %rem3A_288 = arith.remui %while3A_136, %rem3A_287 : i32
            %mul3A_289 = arith.constant 128 : i32
            %mul3A_290 = arith.muli %mul3A_289, %add3A_166 : i32
            %dma_start3A_291 = arith.constant 0 : i32
            %dma_start3A_292 = arith.constant 0 : i32
            %dma_start3A_293 = tpu.memref_slice %run_scoped3A[%rem3A_288, %dma_start3A_291, %dma_start3A_292] : memref<2x1x128xi32, #tpu.memory_space<vmem>> -> memref<1x1x128xi32, #tpu.memory_space<vmem>>
            %dma_start3A_294 = tpu.memref_squeeze %dma_start3A_293 : memref<1x1x128xi32, #tpu.memory_space<vmem>> -> memref<1x128xi32, #tpu.memory_space<vmem>>
            %dma_start3A_295 = arith.constant 0 : i32
            %dma_start3A_296 = tpu.memref_slice %arg3[%dma_start3A_295, %mul3A_290] : memref<1x256xi32, #tpu.memory_space<hbm>> -> memref<1x128xi32, #tpu.memory_space<hbm>>
            %dma_start3A_297 = tpu.memref_slice %run_scoped3A_10[%rem3A_288] : memref<2x!tpu.dma_semaphore, #tpu.memory_space<semaphore_mem>> -> memref<1x!tpu.dma_semaphore, #tpu.memory_space<semaphore_mem>>
            %dma_start3A_298 = tpu.memref_squeeze %dma_start3A_297 : memref<1x!tpu.dma_semaphore, #tpu.memory_space<semaphore_mem>> -> memref<!tpu.dma_semaphore, #tpu.memory_space<semaphore_mem>>
            %dma_start3A_299 = arith.constant 0 : i32
            %dma_start3A_300 = arith.constant 0 : i32
            %dma_start3A_301 = tpu.memref_slice %run_scoped3A[%rem3A_288, %dma_start3A_299, %dma_start3A_300] : memref<2x1x128xi32, #tpu.memory_space<vmem>> -> memref<1x1x128xi32, #tpu.memory_space<vmem>>
            %dma_start3A_302 = tpu.memref_squeeze %dma_start3A_301 : memref<1x1x128xi32, #tpu.memory_space<vmem>> -> memref<1x128xi32, #tpu.memory_space<vmem>>
            %dma_start3A_303 = arith.constant 0 : i32
            %dma_start3A_304 = tpu.memref_slice %arg3[%dma_start3A_303, %mul3A_290] : memref<1x256xi32, #tpu.memory_space<hbm>> -> memref<1x128xi32, #tpu.memory_space<hbm>>
            tpu.enqueue_dma source(%dma_start3A_304 : memref<1x128xi32, #tpu.memory_space<hbm>>) target(%dma_start3A_302 : memref<1x128xi32, #tpu.memory_space<vmem>>) target_semaphore(%dma_start3A_298 : memref<!tpu.dma_semaphore, #tpu.memory_space<semaphore_mem>>)
            "tpu.trace_stop"() : () -> ()
          } else {
          }
          %and3A_184 = arith.constant true
          %and3A_185 = arith.andi %and3A, %and3A_184 : i1
          %add3A_186 = arith.constant 1 : i32
          %add3A_187 = arith.addi %while3A_136, %add3A_186 : i32
          %select_n3A_188 = arith.select %and3A_185, %add3A_187, %while3A_136 : i32
          %ne3A_189 = arith.cmpi ne, %add3A_148, %add3A_166 : i32
          %or3A_190 = arith.constant false
          %or3A_191 = arith.ori %or3A_190, %ne3A_189 : i1
          %or3A_192 = arith.constant false
          %or3A_193 = arith.ori %or3A_191, %or3A_192 : i1
          %sub3A_194 = arith.constant 2 : i32
          %sub3A_195 = arith.subi %mul3A_142, %sub3A_194 : i32
          %add3A_196 = arith.constant 1 : i32
          %add3A_197 = arith.addi %sub3A_195, %add3A_196 : i32
          %ge3A_198 = arith.cmpi sge, %while3A_135, %add3A_197 : i32
          %not3A_199 = arith.constant true
          %not3A_200 = arith.xori %ge3A_198, %not3A_199 : i1
          %and3A_201 = arith.andi %or3A_193, %not3A_200 : i1
          %ne3A_202 = arith.cmpi ne, %add3A_148, %add3A_158 : i32
          %or3A_203 = arith.constant false
          %or3A_204 = arith.ori %or3A_203, %ne3A_202 : i1
          %or3A_205 = arith.ori %or3A_204, %eq3A_144 : i1
          %convert_element_type3A_206 = arith.extui %or3A_205 : i1 to i32
          %cond3A_207 = arith.constant 0 : i32
          %cond3A_208 = arith.cmpi ne, %convert_element_type3A_206, %cond3A_207 : i32
          scf.if %cond3A_208 {
            "tpu.trace_start"() <{level = 10 : i32, message = "ep_wait_in"}> : () -> ()
            %mul3A_287 = arith.constant 128 : i32
            %mul3A_288 = arith.muli %mul3A_287, %add3A_148 : i32
            %rem3A_289 = arith.constant 2 : i32
            %rem3A_290 = arith.remui %while3A_137, %rem3A_289 : i32
            %dma_wait3A = arith.constant 0 : i32
            %dma_wait3A_291 = arith.constant 0 : i32
            %dma_wait3A_292 = tpu.memref_slice %run_scoped3A[%rem3A_290, %dma_wait3A, %dma_wait3A_291] : memref<2x1x128xi32, #tpu.memory_space<vmem>> -> memref<1x1x128xi32, #tpu.memory_space<vmem>>
            %dma_wait3A_293 = tpu.memref_squeeze %dma_wait3A_292 : memref<1x1x128xi32, #tpu.memory_space<vmem>> -> memref<1x128xi32, #tpu.memory_space<vmem>>
            %dma_wait3A_294 = arith.constant 0 : i32
            %dma_wait3A_295 = tpu.memref_slice %arg3[%dma_wait3A_294, %mul3A_288] : memref<1x256xi32, #tpu.memory_space<hbm>> -> memref<1x128xi32, #tpu.memory_space<hbm>>
            %dma_wait3A_296 = tpu.memref_slice %run_scoped3A_10[%rem3A_290] : memref<2x!tpu.dma_semaphore, #tpu.memory_space<semaphore_mem>> -> memref<1x!tpu.dma_semaphore, #tpu.memory_space<semaphore_mem>>
            %dma_wait3A_297 = tpu.memref_squeeze %dma_wait3A_296 : memref<1x!tpu.dma_semaphore, #tpu.memory_space<semaphore_mem>> -> memref<!tpu.dma_semaphore, #tpu.memory_space<semaphore_mem>>
            %dma_wait3A_298 = arith.constant 0 : i32
            %dma_wait3A_299 = arith.constant 0 : i32
            %dma_wait3A_300 = tpu.memref_slice %run_scoped3A[%rem3A_290, %dma_wait3A_298, %dma_wait3A_299] : memref<2x1x128xi32, #tpu.memory_space<vmem>> -> memref<1x1x128xi32, #tpu.memory_space<vmem>>
            %dma_wait3A_301 = tpu.memref_squeeze %dma_wait3A_300 : memref<1x1x128xi32, #tpu.memory_space<vmem>> -> memref<1x128xi32, #tpu.memory_space<vmem>>
            %dma_wait3A_302 = arith.constant 0 : i32
            %dma_wait3A_303 = tpu.memref_slice %arg3[%dma_wait3A_302, %mul3A_288] : memref<1x256xi32, #tpu.memory_space<hbm>> -> memref<1x128xi32, #tpu.memory_space<hbm>>
            tpu.wait_dma2 semaphore(%dma_wait3A_297 : memref<!tpu.dma_semaphore, #tpu.memory_space<semaphore_mem>>) src(%dma_wait3A_303 : memref<1x128xi32, #tpu.memory_space<hbm>>) dst(%dma_wait3A_301 : memref<1x128xi32, #tpu.memory_space<vmem>>)
            "tpu.trace_stop"() : () -> ()
          } else {
          }
          %ne3A_209 = arith.cmpi ne, %add3A_148, %add3A_158 : i32
          %or3A_210 = arith.constant false
          %or3A_211 = arith.ori %or3A_210, %ne3A_209 : i1
          %or3A_212 = arith.constant false
          %or3A_213 = arith.ori %or3A_211, %or3A_212 : i1
          %or3A_214 = arith.ori %or3A_213, %eq3A_144 : i1
          %convert_element_type3A_215 = arith.extui %or3A_214 : i1 to i32
          %cond3A_216 = arith.constant 0 : i32
          %cond3A_217 = arith.cmpi ne, %convert_element_type3A_215, %cond3A_216 : i32
          scf.if %cond3A_217 {
          } else {
          }
          %rem3A_218 = arith.constant 2 : i32
          %rem3A_219 = arith.remui %while3A_137, %rem3A_218 : i32
          %rem3A_220 = arith.constant 2 : i32
          %rem3A_221 = arith.remui %while3A_138, %rem3A_220 : i32
          %run_scoped3A_222 = arith.constant 0 : i32
          "tpu.trace_start"() <{level = 10 : i32, message = "ep_run_kernel"}> : () -> ()
          "tpu.region"() ({
            %run_scoped3A_287 = tpu.sem_alloc : memref<!tpu.dma_semaphore, #tpu.memory_space<semaphore_mem>>
            %dma_start3A_288 = arith.constant 0 : i32
            %dma_start3A_289 = arith.constant 0 : i32
            %dma_start3A_290 = tpu.memref_slice %run_scoped3A_11[%rem3A_221, %dma_start3A_288, %dma_start3A_289] : memref<2x128x128xf32, #tpu.memory_space<vmem>> -> memref<1x128x128xf32, #tpu.memory_space<vmem>>
            %dma_start3A_291 = tpu.memref_squeeze %dma_start3A_290 : memref<1x128x128xf32, #tpu.memory_space<vmem>> -> memref<128x128xf32, #tpu.memory_space<vmem>>
            %dma_start3A_292 = arith.constant 0 : i32
            %dma_start3A_293 = arith.constant 0 : i32
            %dma_start3A_294 = tpu.memref_slice %run_scoped3A[%rem3A_219, %dma_start3A_292, %dma_start3A_293] : memref<2x1x128xi32, #tpu.memory_space<vmem>> -> memref<1x1x128xi32, #tpu.memory_space<vmem>>
            %dma_start3A_295 = tpu.memref_squeeze %dma_start3A_294 : memref<1x1x128xi32, #tpu.memory_space<vmem>> -> memref<1x128xi32, #tpu.memory_space<vmem>>
            %dma_start3A_296 = arith.constant 0 : i32
            %dma_start3A_297 = tpu.memref_slice %dma_start3A_295[%run_scoped3A_222, %dma_start3A_296] : memref<1x128xi32, #tpu.memory_space<vmem>> -> memref<1x128xi32, #tpu.memory_space<vmem>>
            %dma_start3A_298 = tpu.memref_squeeze %dma_start3A_297 : memref<1x128xi32, #tpu.memory_space<vmem>> -> memref<128xi32, #tpu.memory_space<vmem>>
            %dma_start3A_299 = arith.constant 0 : i32
            %dma_start3A_300 = arith.constant 0 : i32
            %dma_start3A_301 = tpu.memref_slice %arg2[%dma_start3A_299, %dma_start3A_300] : memref<8192x128xf32, #tpu.memory_space<hbm>> -> memref<8192x128xf32, #tpu.memory_space<hbm>>
            tpu.enqueue_indirect_dma source(%dma_start3A_301 : memref<8192x128xf32, #tpu.memory_space<hbm>>) target(%dma_start3A_291 : memref<128x128xf32, #tpu.memory_space<vmem>>) offsets(%dma_start3A_298 : memref<128xi32, #tpu.memory_space<vmem>>) semaphore(%run_scoped3A_287 : memref<!tpu.dma_semaphore, #tpu.memory_space<semaphore_mem>>)
            %dma_wait3A = arith.constant 0 : i32
            %dma_wait3A_302 = arith.constant 0 : i32
            %dma_wait3A_303 = tpu.memref_slice %run_scoped3A_11[%rem3A_221, %dma_wait3A, %dma_wait3A_302] : memref<2x128x128xf32, #tpu.memory_space<vmem>> -> memref<1x128x128xf32, #tpu.memory_space<vmem>>
            %dma_wait3A_304 = tpu.memref_squeeze %dma_wait3A_303 : memref<1x128x128xf32, #tpu.memory_space<vmem>> -> memref<128x128xf32, #tpu.memory_space<vmem>>
            %dma_wait3A_305 = arith.constant 0 : i32
            %dma_wait3A_306 = arith.constant 0 : i32
            %dma_wait3A_307 = tpu.memref_slice %run_scoped3A[%rem3A_219, %dma_wait3A_305, %dma_wait3A_306] : memref<2x1x128xi32, #tpu.memory_space<vmem>> -> memref<1x1x128xi32, #tpu.memory_space<vmem>>
            %dma_wait3A_308 = tpu.memref_squeeze %dma_wait3A_307 : memref<1x1x128xi32, #tpu.memory_space<vmem>> -> memref<1x128xi32, #tpu.memory_space<vmem>>
            %dma_wait3A_309 = arith.constant 0 : i32
            %dma_wait3A_310 = tpu.memref_slice %dma_wait3A_308[%run_scoped3A_222, %dma_wait3A_309] : memref<1x128xi32, #tpu.memory_space<vmem>> -> memref<1x128xi32, #tpu.memory_space<vmem>>
            %dma_wait3A_311 = tpu.memref_squeeze %dma_wait3A_310 : memref<1x128xi32, #tpu.memory_space<vmem>> -> memref<128xi32, #tpu.memory_space<vmem>>
            %dma_wait3A_312 = arith.constant 0 : i32
            %dma_wait3A_313 = arith.constant 0 : i32
            %dma_wait3A_314 = tpu.memref_slice %arg2[%dma_wait3A_312, %dma_wait3A_313] : memref<8192x128xf32, #tpu.memory_space<hbm>> -> memref<8192x128xf32, #tpu.memory_space<hbm>>
            tpu.wait_indirect_dma semaphore(%run_scoped3A_287 : memref<!tpu.dma_semaphore, #tpu.memory_space<semaphore_mem>>) src(%dma_wait3A_314 : memref<8192x128xf32, #tpu.memory_space<hbm>>) dst(%dma_wait3A_304 : memref<128x128xf32, #tpu.memory_space<vmem>>)
            tpu.yield
          }) : () -> ()
          "tpu.trace_stop"() : () -> ()
          %ne3A_223 = arith.cmpi ne, %add3A_148, %add3A_166 : i32
          %or3A_224 = arith.constant false
          %or3A_225 = arith.ori %or3A_224, %ne3A_223 : i1
          %or3A_226 = arith.ori %or3A_225, %eq3A_147 : i1
          %convert_element_type3A_227 = arith.extui %or3A_226 : i1 to i32
          %cond3A_228 = arith.constant 0 : i32
          %cond3A_229 = arith.cmpi ne, %convert_element_type3A_227, %cond3A_228 : i32
          scf.if %cond3A_229 {
          } else {
          }
          %and3A_230 = arith.constant false
          %and3A_231 = arith.andi %or3A_226, %and3A_230 : i1
          %ne3A_232 = arith.cmpi ne, %add3A_148, %add3A_166 : i32
          %or3A_233 = arith.constant false
          %or3A_234 = arith.ori %or3A_233, %ne3A_232 : i1
          %or3A_235 = arith.constant false
          %or3A_236 = arith.ori %or3A_234, %or3A_235 : i1
          %or3A_237 = arith.ori %or3A_236, %eq3A_147 : i1
          %convert_element_type3A_238 = arith.extui %or3A_237 : i1 to i32
          %cond3A_239 = arith.constant 0 : i32
          %cond3A_240 = arith.cmpi ne, %convert_element_type3A_238, %cond3A_239 : i32
          scf.if %cond3A_240 {
            "tpu.trace_start"() <{level = 10 : i32, message = "ep_copy_out"}> : () -> ()
            %rem3A_287 = arith.constant 2 : i32
            %rem3A_288 = arith.remui %while3A_138, %rem3A_287 : i32
            %mul3A_289 = arith.constant 128 : i32
            %mul3A_290 = arith.muli %mul3A_289, %add3A_148 : i32
            %dma_start3A_291 = arith.constant 0 : i32
            %dma_start3A_292 = arith.constant 0 : i32
            %dma_start3A_293 = tpu.memref_slice %run_scoped3A_11[%rem3A_288, %dma_start3A_291, %dma_start3A_292] : memref<2x128x128xf32, #tpu.memory_space<vmem>> -> memref<1x128x128xf32, #tpu.memory_space<vmem>>
            %dma_start3A_294 = tpu.memref_squeeze %dma_start3A_293 : memref<1x128x128xf32, #tpu.memory_space<vmem>> -> memref<128x128xf32, #tpu.memory_space<vmem>>
            %dma_start3A_295 = arith.constant 0 : i32
            %dma_start3A_296 = tpu.memref_slice %arg4[%mul3A_290, %dma_start3A_295] : memref<256x128xf32, #tpu.memory_space<hbm>> -> memref<128x128xf32, #tpu.memory_space<hbm>>
            %dma_start3A_297 = tpu.memref_slice %run_scoped3A_12[%rem3A_288] : memref<2x!tpu.dma_semaphore, #tpu.memory_space<semaphore_mem>> -> memref<1x!tpu.dma_semaphore, #tpu.memory_space<semaphore_mem>>
            %dma_start3A_298 = tpu.memref_squeeze %dma_start3A_297 : memref<1x!tpu.dma_semaphore, #tpu.memory_space<semaphore_mem>> -> memref<!tpu.dma_semaphore, #tpu.memory_space<semaphore_mem>>
            %dma_start3A_299 = arith.constant 0 : i32
            %dma_start3A_300 = tpu.memref_slice %arg4[%mul3A_290, %dma_start3A_299] : memref<256x128xf32, #tpu.memory_space<hbm>> -> memref<128x128xf32, #tpu.memory_space<hbm>>
            %dma_start3A_301 = arith.constant 0 : i32
            %dma_start3A_302 = arith.constant 0 : i32
            %dma_start3A_303 = tpu.memref_slice %run_scoped3A_11[%rem3A_288, %dma_start3A_301, %dma_start3A_302] : memref<2x128x128xf32, #tpu.memory_space<vmem>> -> memref<1x128x128xf32, #tpu.memory_space<vmem>>
            %dma_start3A_304 = tpu.memref_squeeze %dma_start3A_303 : memref<1x128x128xf32, #tpu.memory_space<vmem>> -> memref<128x128xf32, #tpu.memory_space<vmem>>
            tpu.enqueue_dma source(%dma_start3A_304 : memref<128x128xf32, #tpu.memory_space<vmem>>) target(%dma_start3A_300 : memref<128x128xf32, #tpu.memory_space<hbm>>) target_semaphore(%dma_start3A_298 : memref<!tpu.dma_semaphore, #tpu.memory_space<semaphore_mem>>)
            "tpu.trace_stop"() : () -> ()
          } else {
          }
          %and3A_241 = arith.constant true
          %and3A_242 = arith.andi %or3A_237, %and3A_241 : i1
          %add3A_243 = arith.constant 1 : i32
          %add3A_244 = arith.addi %while3A_138, %add3A_243 : i32
          %select_n3A_245 = arith.select %and3A_242, %add3A_244, %while3A_138 : i32
          %ne3A_246 = arith.cmpi ne, %add3A_148, %add3A_158 : i32
          %or3A_247 = arith.constant false
          %or3A_248 = arith.ori %or3A_247, %ne3A_246 : i1
          %not3A_249 = arith.constant true
          %not3A_250 = arith.xori %eq3A_144, %not3A_249 : i1
          %and3A_251 = arith.andi %or3A_248, %not3A_250 : i1
          %convert_element_type3A_252 = arith.extui %and3A_251 : i1 to i32
          %cond3A_253 = arith.constant 0 : i32
          %cond3A_254 = arith.cmpi ne, %convert_element_type3A_252, %cond3A_253 : i32
          scf.if %cond3A_254 {
          } else {
          }
          %and3A_255 = arith.constant false
          %and3A_256 = arith.andi %and3A_251, %and3A_255 : i1
          %ne3A_257 = arith.cmpi ne, %add3A_148, %add3A_158 : i32
          %or3A_258 = arith.constant false
          %or3A_259 = arith.ori %or3A_258, %ne3A_257 : i1
          %or3A_260 = arith.constant false
          %or3A_261 = arith.ori %or3A_259, %or3A_260 : i1
          %not3A_262 = arith.constant true
          %not3A_263 = arith.xori %eq3A_144, %not3A_262 : i1
          %and3A_264 = arith.andi %or3A_261, %not3A_263 : i1
          %convert_element_type3A_265 = arith.extui %and3A_264 : i1 to i32
          %cond3A_266 = arith.constant 0 : i32
          %cond3A_267 = arith.cmpi ne, %convert_element_type3A_265, %cond3A_266 : i32
          scf.if %cond3A_267 {
            "tpu.trace_start"() <{level = 10 : i32, message = "ep_wait_out"}> : () -> ()
            %rem3A_287 = arith.constant 2 : i32
            %rem3A_288 = arith.remui %while3A_139, %rem3A_287 : i32
            %mul3A_289 = arith.constant 128 : i32
            %mul3A_290 = arith.muli %mul3A_289, %add3A_158 : i32
            %dma_wait3A = arith.constant 0 : i32
            %dma_wait3A_291 = arith.constant 0 : i32
            %dma_wait3A_292 = tpu.memref_slice %run_scoped3A_11[%rem3A_288, %dma_wait3A, %dma_wait3A_291] : memref<2x128x128xf32, #tpu.memory_space<vmem>> -> memref<1x128x128xf32, #tpu.memory_space<vmem>>
            %dma_wait3A_293 = tpu.memref_squeeze %dma_wait3A_292 : memref<1x128x128xf32, #tpu.memory_space<vmem>> -> memref<128x128xf32, #tpu.memory_space<vmem>>
            %dma_wait3A_294 = arith.constant 0 : i32
            %dma_wait3A_295 = tpu.memref_slice %arg4[%mul3A_290, %dma_wait3A_294] : memref<256x128xf32, #tpu.memory_space<hbm>> -> memref<128x128xf32, #tpu.memory_space<hbm>>
            %dma_wait3A_296 = tpu.memref_slice %run_scoped3A_12[%rem3A_288] : memref<2x!tpu.dma_semaphore, #tpu.memory_space<semaphore_mem>> -> memref<1x!tpu.dma_semaphore, #tpu.memory_space<semaphore_mem>>
            %dma_wait3A_297 = tpu.memref_squeeze %dma_wait3A_296 : memref<1x!tpu.dma_semaphore, #tpu.memory_space<semaphore_mem>> -> memref<!tpu.dma_semaphore, #tpu.memory_space<semaphore_mem>>
            %dma_wait3A_298 = arith.constant 0 : i32
            %dma_wait3A_299 = tpu.memref_slice %arg4[%mul3A_290, %dma_wait3A_298] : memref<256x128xf32, #tpu.memory_space<hbm>> -> memref<128x128xf32, #tpu.memory_space<hbm>>
            %dma_wait3A_300 = arith.constant 0 : i32
            %dma_wait3A_301 = arith.constant 0 : i32
            %dma_wait3A_302 = tpu.memref_slice %run_scoped3A_11[%rem3A_288, %dma_wait3A_300, %dma_wait3A_301] : memref<2x128x128xf32, #tpu.memory_space<vmem>> -> memref<1x128x128xf32, #tpu.memory_space<vmem>>
            %dma_wait3A_303 = tpu.memref_squeeze %dma_wait3A_302 : memref<1x128x128xf32, #tpu.memory_space<vmem>> -> memref<128x128xf32, #tpu.memory_space<vmem>>
            tpu.wait_dma2 semaphore(%dma_wait3A_297 : memref<!tpu.dma_semaphore, #tpu.memory_space<semaphore_mem>>) src(%dma_wait3A_303 : memref<128x128xf32, #tpu.memory_space<vmem>>) dst(%dma_wait3A_299 : memref<128x128xf32, #tpu.memory_space<hbm>>)
            "tpu.trace_stop"() : () -> ()
          } else {
          }
          %and3A_268 = arith.constant true
          %and3A_269 = arith.andi %and3A_264, %and3A_268 : i1
          %add3A_270 = arith.constant 1 : i32
          %add3A_271 = arith.addi %while3A_139, %add3A_270 : i32
          %select_n3A_272 = arith.select %and3A_269, %add3A_271, %while3A_139 : i32
          %ne3A_273 = arith.cmpi ne, %add3A_148, %add3A_166 : i32
          %or3A_274 = arith.constant false
          %or3A_275 = arith.ori %or3A_274, %ne3A_273 : i1
          %or3A_276 = arith.ori %or3A_275, %eq3A_147 : i1
          %add3A_277 = arith.constant 1 : i32
          %add3A_278 = arith.addi %while3A_137, %add3A_277 : i32
          %select_n3A_279 = arith.select %or3A_276, %add3A_278, %while3A_137 : i32
          %add3A_280 = arith.constant 1 : i32
          %add3A_281 = arith.addi %while3A_140, %add3A_280 : i32
          %select_n3A_282 = arith.constant true
          %select_n3A_283 = arith.select %select_n3A_282, %add3A_281, %while3A_140 : i32
          %eq3A_284 = arith.cmpi eq, %select_n3A_283, %select_n3A : i32
          %select_n3A_285 = arith.constant 0 : i32
          %select_n3A_286 = arith.select %eq3A_284, %select_n3A_285, %select_n3A_283 : i32
          scf.yield %select_n3A_188, %select_n3A_279, %select_n3A_245, %select_n3A_272, %select_n3A_286 : i32, i32, i32, i32, i32
        }
        %sub3A_84 = arith.constant 1 : i32
        %sub3A_85 = arith.subi %while3A_83#4, %sub3A_84 : i32
        %select_n3A_86 = arith.constant true
        %select_n3A_87 = arith.select %select_n3A_86, %sub3A_85, %while3A_83#4 : i32
        %eq3A_88 = arith.constant -1 : i32
        %eq3A_89 = arith.cmpi eq, %select_n3A_87, %eq3A_88 : i32
        %sub3A_90 = arith.constant 1 : i32
        %sub3A_91 = arith.subi %select_n3A, %sub3A_90 : i32
        %select_n3A_92 = arith.select %eq3A_89, %sub3A_91, %select_n3A_87 : i32
        %sub3A_93 = arith.constant 1 : i32
        %sub3A_94 = arith.subi %mul3A_9, %sub3A_93 : i32
        %mul3A_95 = arith.constant 1 : i32
        %mul3A_96 = arith.muli %mul3A_95, %select_n3A : i32
        %eq3A_97 = arith.constant 0 : i32
        %eq3A_98 = arith.cmpi eq, %sub3A_94, %eq3A_97 : i32
        %sub3A_99 = arith.constant 1 : i32
        %sub3A_100 = arith.subi %mul3A_96, %sub3A_99 : i32
        %eq3A_101 = arith.cmpi eq, %sub3A_94, %sub3A_100 : i32
        %add3A_102 = arith.addi %select_n3A_92, %select_n3A_7 : i32
        %sub3A_103 = arith.constant 1 : i32
        %sub3A_104 = arith.subi %select_n3A_92, %sub3A_103 : i32
        %select_n3A_105 = arith.constant true
        %select_n3A_106 = arith.select %select_n3A_105, %sub3A_104, %select_n3A_92 : i32
        %eq3A_107 = arith.constant -1 : i32
        %eq3A_108 = arith.cmpi eq, %select_n3A_106, %eq3A_107 : i32
        %sub3A_109 = arith.constant 1 : i32
        %sub3A_110 = arith.subi %select_n3A, %sub3A_109 : i32
        %select_n3A_111 = arith.select %eq3A_108, %sub3A_110, %select_n3A_106 : i32
        %add3A_112 = arith.addi %select_n3A_111, %select_n3A_7 : i32
        %add3A_113 = arith.constant 1 : i32
        %add3A_114 = arith.addi %select_n3A_92, %add3A_113 : i32
        %select_n3A_115 = arith.constant true
        %select_n3A_116 = arith.select %select_n3A_115, %add3A_114, %select_n3A_92 : i32
        %eq3A_117 = arith.cmpi eq, %select_n3A_116, %select_n3A : i32
        %select_n3A_118 = arith.constant 0 : i32
        %select_n3A_119 = arith.select %eq3A_117, %select_n3A_118, %select_n3A_116 : i32
        %add3A_120 = arith.addi %select_n3A_119, %select_n3A_7 : i32
        %add3A_121 = arith.constant 1 : i32
        %add3A_122 = arith.addi %select_n3A_119, %add3A_121 : i32
        %select_n3A_123 = arith.constant true
        %select_n3A_124 = arith.select %select_n3A_123, %add3A_122, %select_n3A_119 : i32
        %eq3A_125 = arith.cmpi eq, %select_n3A_124, %select_n3A : i32
        %select_n3A_126 = arith.constant 0 : i32
        %select_n3A_127 = arith.select %eq3A_125, %select_n3A_126, %select_n3A_124 : i32
        %add3A_128 = arith.addi %select_n3A_127, %select_n3A_7 : i32
        %convert_element_type3A_129 = arith.extui %eq3A_101 : i1 to i32
        %cond3A_130 = arith.constant 0 : i32
        %cond3A_131 = arith.cmpi ne, %convert_element_type3A_129, %cond3A_130 : i32
        scf.if %cond3A_131 {
        } else {
        }
        %convert_element_type3A_132 = arith.extui %eq3A_101 : i1 to i32
        %cond3A_133 = arith.constant 0 : i32
        %cond3A_134 = arith.cmpi ne, %convert_element_type3A_132, %cond3A_133 : i32
        scf.if %cond3A_134 {
          "tpu.trace_start"() <{level = 10 : i32, message = "ep_finalize"}> : () -> ()
          %rem3A_135 = arith.constant 2 : i32
          %rem3A_136 = arith.remui %while3A_83#3, %rem3A_135 : i32
          %mul3A_137 = arith.constant 128 : i32
          %mul3A_138 = arith.muli %mul3A_137, %add3A_102 : i32
          %dma_wait3A = arith.constant 0 : i32
          %dma_wait3A_139 = arith.constant 0 : i32
          %dma_wait3A_140 = tpu.memref_slice %run_scoped3A_11[%rem3A_136, %dma_wait3A, %dma_wait3A_139] : memref<2x128x128xf32, #tpu.memory_space<vmem>> -> memref<1x128x128xf32, #tpu.memory_space<vmem>>
          %dma_wait3A_141 = tpu.memref_squeeze %dma_wait3A_140 : memref<1x128x128xf32, #tpu.memory_space<vmem>> -> memref<128x128xf32, #tpu.memory_space<vmem>>
          %dma_wait3A_142 = arith.constant 0 : i32
          %dma_wait3A_143 = tpu.memref_slice %arg4[%mul3A_138, %dma_wait3A_142] : memref<256x128xf32, #tpu.memory_space<hbm>> -> memref<128x128xf32, #tpu.memory_space<hbm>>
          %dma_wait3A_144 = tpu.memref_slice %run_scoped3A_12[%rem3A_136] : memref<2x!tpu.dma_semaphore, #tpu.memory_space<semaphore_mem>> -> memref<1x!tpu.dma_semaphore, #tpu.memory_space<semaphore_mem>>
          %dma_wait3A_145 = tpu.memref_squeeze %dma_wait3A_144 : memref<1x!tpu.dma_semaphore, #tpu.memory_space<semaphore_mem>> -> memref<!tpu.dma_semaphore, #tpu.memory_space<semaphore_mem>>
          %dma_wait3A_146 = arith.constant 0 : i32
          %dma_wait3A_147 = tpu.memref_slice %arg4[%mul3A_138, %dma_wait3A_146] : memref<256x128xf32, #tpu.memory_space<hbm>> -> memref<128x128xf32, #tpu.memory_space<hbm>>
          %dma_wait3A_148 = arith.constant 0 : i32
          %dma_wait3A_149 = arith.constant 0 : i32
          %dma_wait3A_150 = tpu.memref_slice %run_scoped3A_11[%rem3A_136, %dma_wait3A_148, %dma_wait3A_149] : memref<2x128x128xf32, #tpu.memory_space<vmem>> -> memref<1x128x128xf32, #tpu.memory_space<vmem>>
          %dma_wait3A_151 = tpu.memref_squeeze %dma_wait3A_150 : memref<1x128x128xf32, #tpu.memory_space<vmem>> -> memref<128x128xf32, #tpu.memory_space<vmem>>
          tpu.wait_dma2 semaphore(%dma_wait3A_145 : memref<!tpu.dma_semaphore, #tpu.memory_space<semaphore_mem>>) src(%dma_wait3A_151 : memref<128x128xf32, #tpu.memory_space<vmem>>) dst(%dma_wait3A_147 : memref<128x128xf32, #tpu.memory_space<hbm>>)
          "tpu.trace_stop"() : () -> ()
        } else {
        }
      } else {
      }
      tpu.yield
    }) : () -> ()
    return
  }
}

module attributes {stable_mosaic.version = 14 : i64} {
  func.func @_enc_in_body(%arg0: memref<2048x263xf32, #tpu.memory_space<vmem>>, %arg1: memref<512x789xf32, #tpu.memory_space<vmem>>, %arg2: memref<1x512xf32, #tpu.memory_space<vmem>>, %arg3: memref<2048x512xf32, #tpu.memory_space<vmem>>) attributes {dimension_semantics = [], scalar_prefetch = 0 : i64, scratch_operands = 0 : i64, tpu.core_type = #tpu.core_type<tc>} {
    %get3A = arith.constant 0 : index
    %get3A_0 = arith.constant 0 : index
    %get3A_1 = vector.load %arg0[%get3A, %get3A_0] : memref<2048x263xf32, #tpu.memory_space<vmem>>, vector<2048x263xf32>
    %get3A_2 = arith.constant 0 : index
    %get3A_3 = arith.constant 0 : index
    %get3A_4 = vector.load %arg1[%get3A_2, %get3A_3] : memref<512x789xf32, #tpu.memory_space<vmem>>, vector<512x789xf32>
    %get3A_5 = arith.constant 0 : index
    %get3A_6 = arith.constant 0 : index
    %get3A_7 = vector.load %arg2[%get3A_5, %get3A_6] : memref<1x512xf32, #tpu.memory_space<vmem>>, vector<1x512xf32>
    %broadcast_in_dim3A = arith.constant 0.000000e+00 : f32
    %broadcast_in_dim3A_8 = vector.broadcast %broadcast_in_dim3A : f32 to vector<1x263xf32>
    %slice3A = vector.extract_strided_slice %get3A_1 {offsets = [0, 0], sizes = [2047, 263], strides = [1, 1]} : vector<2048x263xf32> to vector<2047x263xf32>
    %concatenate3A = tpu.concatenate %broadcast_in_dim3A_8, %slice3A in 0 : vector<1x263xf32>, vector<2047x263xf32> -> vector<2048x263xf32>
    %iota3A = tpu.iota {dimensions = array<i32: 0>} : vector<2048x1xi32>
    %and3A = arith.constant 63 : i32
    %and3A_9 = vector.broadcast %and3A : i32 to vector<2048x1xi32>
    %and3A_10 = arith.andi %iota3A, %and3A_9 : vector<2048x1xi32>
    %add3A = arith.constant -1 : i32
    %add3A_11 = vector.broadcast %add3A : i32 to vector<2048x1xi32>
    %add3A_12 = arith.addi %and3A_10, %add3A_11 : vector<2048x1xi32>
    %ge3A = arith.constant 0 : i32
    %ge3A_13 = vector.broadcast %ge3A : i32 to vector<2048x1xi32>
    %ge3A_14 = arith.cmpi sge, %add3A_12, %ge3A_13 : vector<2048x1xi32>
    %add3A_15 = arith.constant -1 : i32
    %add3A_16 = vector.broadcast %add3A_15 : i32 to vector<2048x1xi32>
    %add3A_17 = arith.addi %and3A_10, %add3A_16 : vector<2048x1xi32>
    %lt3A = arith.constant 64 : i32
    %lt3A_18 = vector.broadcast %lt3A : i32 to vector<2048x1xi32>
    %lt3A_19 = arith.cmpi slt, %add3A_17, %lt3A_18 : vector<2048x1xi32>
    %and3A_20 = arith.andi %ge3A_14, %lt3A_19 : vector<2048x1xi1>
    %broadcast_in_dim3A_21 = arith.constant 0.000000e+00 : f32
    %broadcast_in_dim3A_22 = vector.broadcast %broadcast_in_dim3A_21 : f32 to vector<2048x263xf32>
    %broadcast_in_dim3A_23 = vector.shape_cast %and3A_20 : vector<2048x1xi1> to vector<2048x1xi1>
    %broadcast_in_dim3A_24 = vector.broadcast %broadcast_in_dim3A_23 : vector<2048x1xi1> to vector<2048x263xi1>
    %select_n3A = arith.select %broadcast_in_dim3A_24, %concatenate3A, %broadcast_in_dim3A_22 : vector<2048x263xi1>, vector<2048x263xf32>
    %broadcast_in_dim3A_25 = arith.constant 0.000000e+00 : f32
    %broadcast_in_dim3A_26 = vector.broadcast %broadcast_in_dim3A_25 : f32 to vector<1x263xf32>
    %slice3A_27 = vector.extract_strided_slice %get3A_1 {offsets = [1, 0], sizes = [2047, 263], strides = [1, 1]} : vector<2048x263xf32> to vector<2047x263xf32>
    %concatenate3A_28 = tpu.concatenate %slice3A_27, %broadcast_in_dim3A_26 in 0 : vector<2047x263xf32>, vector<1x263xf32> -> vector<2048x263xf32>
    %iota3A_29 = tpu.iota {dimensions = array<i32: 0>} : vector<2048x1xi32>
    %and3A_30 = arith.constant 63 : i32
    %and3A_31 = vector.broadcast %and3A_30 : i32 to vector<2048x1xi32>
    %and3A_32 = arith.andi %iota3A_29, %and3A_31 : vector<2048x1xi32>
    %add3A_33 = arith.constant 1 : i32
    %add3A_34 = vector.broadcast %add3A_33 : i32 to vector<2048x1xi32>
    %add3A_35 = arith.addi %and3A_32, %add3A_34 : vector<2048x1xi32>
    %ge3A_36 = arith.constant 0 : i32
    %ge3A_37 = vector.broadcast %ge3A_36 : i32 to vector<2048x1xi32>
    %ge3A_38 = arith.cmpi sge, %add3A_35, %ge3A_37 : vector<2048x1xi32>
    %add3A_39 = arith.constant 1 : i32
    %add3A_40 = vector.broadcast %add3A_39 : i32 to vector<2048x1xi32>
    %add3A_41 = arith.addi %and3A_32, %add3A_40 : vector<2048x1xi32>
    %lt3A_42 = arith.constant 64 : i32
    %lt3A_43 = vector.broadcast %lt3A_42 : i32 to vector<2048x1xi32>
    %lt3A_44 = arith.cmpi slt, %add3A_41, %lt3A_43 : vector<2048x1xi32>
    %and3A_45 = arith.andi %ge3A_38, %lt3A_44 : vector<2048x1xi1>
    %broadcast_in_dim3A_46 = arith.constant 0.000000e+00 : f32
    %broadcast_in_dim3A_47 = vector.broadcast %broadcast_in_dim3A_46 : f32 to vector<2048x263xf32>
    %broadcast_in_dim3A_48 = vector.shape_cast %and3A_45 : vector<2048x1xi1> to vector<2048x1xi1>
    %broadcast_in_dim3A_49 = vector.broadcast %broadcast_in_dim3A_48 : vector<2048x1xi1> to vector<2048x263xi1>
    %select_n3A_50 = arith.select %broadcast_in_dim3A_49, %concatenate3A_28, %broadcast_in_dim3A_47 : vector<2048x263xi1>, vector<2048x263xf32>
    %concatenate3A_51 = tpu.concatenate %select_n3A, %get3A_1, %select_n3A_50 in 1 : vector<2048x263xf32>, vector<2048x263xf32>, vector<2048x263xf32> -> vector<2048x789xf32>
    %dot_general3A = arith.constant dense<0.000000e+00> : vector<2048x512xf32>
    %dot_general3A_52 = tpu.matmul %concatenate3A_51, %get3A_4, %dot_general3A {dimension_numbers = #tpu.dot_dimension_numbers<[1], [1], [0], [0], [0, 0, 1, 0], [], []>, transpose_lhs_hint = false} : vector<2048x789xf32>, vector<512x789xf32>, vector<2048x512xf32> -> vector<2048x512xf32>
    %add3A_53 = vector.broadcast %get3A_7 : vector<1x512xf32> to vector<2048x512xf32>
    %add3A_54 = arith.addf %dot_general3A_52, %add3A_53 : vector<2048x512xf32>
    %max3A = arith.constant 0.000000e+00 : f32
    %max3A_55 = vector.broadcast %max3A : f32 to vector<2048x512xf32>
    %max3A_56 = arith.maximumf %add3A_54, %max3A_55 : vector<2048x512xf32>
    %swap3A = arith.constant 0 : index
    %swap3A_57 = arith.constant 0 : index
    %swap3A_58 = vector.load %arg3[%swap3A, %swap3A_57] : memref<2048x512xf32, #tpu.memory_space<vmem>>, vector<2048x512xf32>
    tpu.vector_store %arg3[%swap3A, %swap3A_57], %max3A_56 {strides = array<i32>} : memref<2048x512xf32, #tpu.memory_space<vmem>>, vector<2048x512xf32>,
    return
  }
}

module attributes {stable_mosaic.version = 14 : i64} {
  func.func @body(%arg0: memref<1024x512xf32, #tpu.memory_space<vmem>>, %arg1: memref<1024x512xf32, #tpu.memory_space<vmem>>, %arg2: memref<512x2048xf32, #tpu.memory_space<vmem>>, %arg3: memref<1x512xf32, #tpu.memory_space<vmem>>, %arg4: memref<512x1536xf32, #tpu.memory_space<vmem>>, %arg5: memref<1x512xf32, #tpu.memory_space<vmem>>, %arg6: memref<512x512xf32, #tpu.memory_space<vmem>>, %arg7: memref<1x512xf32, #tpu.memory_space<vmem>>, %arg8: memref<512x1536xf32, #tpu.memory_space<vmem>>, %arg9: memref<1x512xf32, #tpu.memory_space<vmem>>, %arg10: memref<512x512xf32, #tpu.memory_space<vmem>>, %arg11: memref<1x512xf32, #tpu.memory_space<vmem>>, %arg12: memref<512x1536xf32, #tpu.memory_space<vmem>>, %arg13: memref<1x512xf32, #tpu.memory_space<vmem>>, %arg14: memref<512x512xf32, #tpu.memory_space<vmem>>, %arg15: memref<1x512xf32, #tpu.memory_space<vmem>>, %arg16: memref<1024x512xf32, #tpu.memory_space<vmem>>) attributes {dimension_semantics = [], scalar_prefetch = 0 : i64, scratch_operands = 0 : i64, tpu.core_type = #tpu.core_type<tc>} {
    %get3A = arith.constant 0 : index
    %get3A_0 = arith.constant 0 : index
    %get3A_1 = vector.load %arg0[%get3A, %get3A_0] : memref<1024x512xf32, #tpu.memory_space<vmem>>, vector<1024x512xf32>
    %get3A_2 = arith.constant 0 : index
    %get3A_3 = arith.constant 0 : index
    %get3A_4 = vector.load %arg1[%get3A_2, %get3A_3] : memref<1024x512xf32, #tpu.memory_space<vmem>>, vector<1024x512xf32>
    %get3A_5 = arith.constant 0 : index
    %get3A_6 = arith.constant 0 : index
    %get3A_7 = vector.load %arg2[%get3A_5, %get3A_6] : memref<512x2048xf32, #tpu.memory_space<vmem>>, vector<512x2048xf32>
    %get3A_8 = arith.constant 0 : index
    %get3A_9 = arith.constant 0 : index
    %get3A_10 = vector.load %arg3[%get3A_8, %get3A_9] : memref<1x512xf32, #tpu.memory_space<vmem>>, vector<1x512xf32>
    %broadcast_in_dim3A = arith.constant 0.000000e+00 : f32
    %broadcast_in_dim3A_11 = vector.broadcast %broadcast_in_dim3A : f32 to vector<1x512xf32>
    %slice3A = vector.extract_strided_slice %get3A_4 {offsets = [0, 0], sizes = [1023, 512], strides = [1, 1]} : vector<1024x512xf32> to vector<1023x512xf32>
    %concatenate3A = tpu.concatenate %broadcast_in_dim3A_11, %slice3A in 0 : vector<1x512xf32>, vector<1023x512xf32> -> vector<1024x512xf32>
    %iota3A = tpu.iota {dimensions = array<i32: 0>} : vector<1024x1xi32>
    %and3A = arith.constant 31 : i32
    %and3A_12 = vector.broadcast %and3A : i32 to vector<1024x1xi32>
    %and3A_13 = arith.andi %iota3A, %and3A_12 : vector<1024x1xi32>
    %add3A = arith.constant -1 : i32
    %add3A_14 = vector.broadcast %add3A : i32 to vector<1024x1xi32>
    %add3A_15 = arith.addi %and3A_13, %add3A_14 : vector<1024x1xi32>
    %ge3A = arith.constant 0 : i32
    %ge3A_16 = vector.broadcast %ge3A : i32 to vector<1024x1xi32>
    %ge3A_17 = arith.cmpi sge, %add3A_15, %ge3A_16 : vector<1024x1xi32>
    %add3A_18 = arith.constant -1 : i32
    %add3A_19 = vector.broadcast %add3A_18 : i32 to vector<1024x1xi32>
    %add3A_20 = arith.addi %and3A_13, %add3A_19 : vector<1024x1xi32>
    %lt3A = arith.constant 32 : i32
    %lt3A_21 = vector.broadcast %lt3A : i32 to vector<1024x1xi32>
    %lt3A_22 = arith.cmpi slt, %add3A_20, %lt3A_21 : vector<1024x1xi32>
    %and3A_23 = arith.andi %ge3A_17, %lt3A_22 : vector<1024x1xi1>
    %broadcast_in_dim3A_24 = arith.constant 0.000000e+00 : f32
    %broadcast_in_dim3A_25 = vector.broadcast %broadcast_in_dim3A_24 : f32 to vector<1024x512xf32>
    %broadcast_in_dim3A_26 = vector.shape_cast %and3A_23 : vector<1024x1xi1> to vector<1024x1xi1>
    %broadcast_in_dim3A_27 = vector.broadcast %broadcast_in_dim3A_26 : vector<1024x1xi1> to vector<1024x512xi1>
    %select_n3A = arith.select %broadcast_in_dim3A_27, %concatenate3A, %broadcast_in_dim3A_25 : vector<1024x512xi1>, vector<1024x512xf32>
    %broadcast_in_dim3A_28 = arith.constant 0.000000e+00 : f32
    %broadcast_in_dim3A_29 = vector.broadcast %broadcast_in_dim3A_28 : f32 to vector<1x512xf32>
    %slice3A_30 = vector.extract_strided_slice %get3A_1 {offsets = [1, 0], sizes = [1023, 512], strides = [1, 1]} : vector<1024x512xf32> to vector<1023x512xf32>
    %concatenate3A_31 = tpu.concatenate %slice3A_30, %broadcast_in_dim3A_29 in 0 : vector<1023x512xf32>, vector<1x512xf32> -> vector<1024x512xf32>
    %iota3A_32 = tpu.iota {dimensions = array<i32: 0>} : vector<1024x1xi32>
    %and3A_33 = arith.constant 31 : i32
    %and3A_34 = vector.broadcast %and3A_33 : i32 to vector<1024x1xi32>
    %and3A_35 = arith.andi %iota3A_32, %and3A_34 : vector<1024x1xi32>
    %add3A_36 = arith.constant 1 : i32
    %add3A_37 = vector.broadcast %add3A_36 : i32 to vector<1024x1xi32>
    %add3A_38 = arith.addi %and3A_35, %add3A_37 : vector<1024x1xi32>
    %ge3A_39 = arith.constant 0 : i32
    %ge3A_40 = vector.broadcast %ge3A_39 : i32 to vector<1024x1xi32>
    %ge3A_41 = arith.cmpi sge, %add3A_38, %ge3A_40 : vector<1024x1xi32>
    %add3A_42 = arith.constant 1 : i32
    %add3A_43 = vector.broadcast %add3A_42 : i32 to vector<1024x1xi32>
    %add3A_44 = arith.addi %and3A_35, %add3A_43 : vector<1024x1xi32>
    %lt3A_45 = arith.constant 32 : i32
    %lt3A_46 = vector.broadcast %lt3A_45 : i32 to vector<1024x1xi32>
    %lt3A_47 = arith.cmpi slt, %add3A_44, %lt3A_46 : vector<1024x1xi32>
    %and3A_48 = arith.andi %ge3A_41, %lt3A_47 : vector<1024x1xi1>
    %broadcast_in_dim3A_49 = arith.constant 0.000000e+00 : f32
    %broadcast_in_dim3A_50 = vector.broadcast %broadcast_in_dim3A_49 : f32 to vector<1024x512xf32>
    %broadcast_in_dim3A_51 = vector.shape_cast %and3A_48 : vector<1024x1xi1> to vector<1024x1xi1>
    %broadcast_in_dim3A_52 = vector.broadcast %broadcast_in_dim3A_51 : vector<1024x1xi1> to vector<1024x512xi1>
    %select_n3A_53 = arith.select %broadcast_in_dim3A_52, %concatenate3A_31, %broadcast_in_dim3A_50 : vector<1024x512xi1>, vector<1024x512xf32>
    %concatenate3A_54 = tpu.concatenate %select_n3A, %get3A_1, %get3A_4, %select_n3A_53 in 1 : vector<1024x512xf32>, vector<1024x512xf32>, vector<1024x512xf32>, vector<1024x512xf32> -> vector<1024x2048xf32>
    %dot_general3A = arith.constant dense<0.000000e+00> : vector<1024x512xf32>
    %dot_general3A_55 = tpu.matmul %concatenate3A_54, %get3A_7, %dot_general3A {dimension_numbers = #tpu.dot_dimension_numbers<[1], [1], [0], [0], [0, 0, 1, 0], [], []>, transpose_lhs_hint = false} : vector<1024x2048xf32>, vector<512x2048xf32>, vector<1024x512xf32> -> vector<1024x512xf32>
    %add3A_56 = vector.broadcast %get3A_10 : vector<1x512xf32> to vector<1024x512xf32>
    %add3A_57 = arith.addf %dot_general3A_55, %add3A_56 : vector<1024x512xf32>
    %get3A_58 = arith.constant 0 : index
    %get3A_59 = arith.constant 0 : index
    %get3A_60 = vector.load %arg4[%get3A_58, %get3A_59] : memref<512x1536xf32, #tpu.memory_space<vmem>>, vector<512x1536xf32>
    %get3A_61 = arith.constant 0 : index
    %get3A_62 = arith.constant 0 : index
    %get3A_63 = vector.load %arg5[%get3A_61, %get3A_62] : memref<1x512xf32, #tpu.memory_space<vmem>>, vector<1x512xf32>
    %get3A_64 = arith.constant 0 : index
    %get3A_65 = arith.constant 0 : index
    %get3A_66 = vector.load %arg6[%get3A_64, %get3A_65] : memref<512x512xf32, #tpu.memory_space<vmem>>, vector<512x512xf32>
    %get3A_67 = arith.constant 0 : index
    %get3A_68 = arith.constant 0 : index
    %get3A_69 = vector.load %arg7[%get3A_67, %get3A_68] : memref<1x512xf32, #tpu.memory_space<vmem>>, vector<1x512xf32>
    %max3A = arith.constant 0.000000e+00 : f32
    %max3A_70 = vector.broadcast %max3A : f32 to vector<1024x512xf32>
    %max3A_71 = arith.maximumf %add3A_57, %max3A_70 : vector<1024x512xf32>
    %broadcast_in_dim3A_72 = arith.constant 0.000000e+00 : f32
    %broadcast_in_dim3A_73 = vector.broadcast %broadcast_in_dim3A_72 : f32 to vector<1x512xf32>
    %slice3A_74 = vector.extract_strided_slice %max3A_71 {offsets = [0, 0], sizes = [1023, 512], strides = [1, 1]} : vector<1024x512xf32> to vector<1023x512xf32>
    %concatenate3A_75 = tpu.concatenate %broadcast_in_dim3A_73, %slice3A_74 in 0 : vector<1x512xf32>, vector<1023x512xf32> -> vector<1024x512xf32>
    %iota3A_76 = tpu.iota {dimensions = array<i32: 0>} : vector<1024x1xi32>
    %and3A_77 = arith.constant 31 : i32
    %and3A_78 = vector.broadcast %and3A_77 : i32 to vector<1024x1xi32>
    %and3A_79 = arith.andi %iota3A_76, %and3A_78 : vector<1024x1xi32>
    %add3A_80 = arith.constant -1 : i32
    %add3A_81 = vector.broadcast %add3A_80 : i32 to vector<1024x1xi32>
    %add3A_82 = arith.addi %and3A_79, %add3A_81 : vector<1024x1xi32>
    %ge3A_83 = arith.constant 0 : i32
    %ge3A_84 = vector.broadcast %ge3A_83 : i32 to vector<1024x1xi32>
    %ge3A_85 = arith.cmpi sge, %add3A_82, %ge3A_84 : vector<1024x1xi32>
    %add3A_86 = arith.constant -1 : i32
    %add3A_87 = vector.broadcast %add3A_86 : i32 to vector<1024x1xi32>
    %add3A_88 = arith.addi %and3A_79, %add3A_87 : vector<1024x1xi32>
    %lt3A_89 = arith.constant 32 : i32
    %lt3A_90 = vector.broadcast %lt3A_89 : i32 to vector<1024x1xi32>
    %lt3A_91 = arith.cmpi slt, %add3A_88, %lt3A_90 : vector<1024x1xi32>
    %and3A_92 = arith.andi %ge3A_85, %lt3A_91 : vector<1024x1xi1>
    %broadcast_in_dim3A_93 = arith.constant 0.000000e+00 : f32
    %broadcast_in_dim3A_94 = vector.broadcast %broadcast_in_dim3A_93 : f32 to vector<1024x512xf32>
    %broadcast_in_dim3A_95 = vector.shape_cast %and3A_92 : vector<1024x1xi1> to vector<1024x1xi1>
    %broadcast_in_dim3A_96 = vector.broadcast %broadcast_in_dim3A_95 : vector<1024x1xi1> to vector<1024x512xi1>
    %select_n3A_97 = arith.select %broadcast_in_dim3A_96, %concatenate3A_75, %broadcast_in_dim3A_94 : vector<1024x512xi1>, vector<1024x512xf32>
    %broadcast_in_dim3A_98 = arith.constant 0.000000e+00 : f32
    %broadcast_in_dim3A_99 = vector.broadcast %broadcast_in_dim3A_98 : f32 to vector<1x512xf32>
    %slice3A_100 = vector.extract_strided_slice %max3A_71 {offsets = [1, 0], sizes = [1023, 512], strides = [1, 1]} : vector<1024x512xf32> to vector<1023x512xf32>
    %concatenate3A_101 = tpu.concatenate %slice3A_100, %broadcast_in_dim3A_99 in 0 : vector<1023x512xf32>, vector<1x512xf32> -> vector<1024x512xf32>
    %iota3A_102 = tpu.iota {dimensions = array<i32: 0>} : vector<1024x1xi32>
    %and3A_103 = arith.constant 31 : i32
    %and3A_104 = vector.broadcast %and3A_103 : i32 to vector<1024x1xi32>
    %and3A_105 = arith.andi %iota3A_102, %and3A_104 : vector<1024x1xi32>
    %add3A_106 = arith.constant 1 : i32
    %add3A_107 = vector.broadcast %add3A_106 : i32 to vector<1024x1xi32>
    %add3A_108 = arith.addi %and3A_105, %add3A_107 : vector<1024x1xi32>
    %ge3A_109 = arith.constant 0 : i32
    %ge3A_110 = vector.broadcast %ge3A_109 : i32 to vector<1024x1xi32>
    %ge3A_111 = arith.cmpi sge, %add3A_108, %ge3A_110 : vector<1024x1xi32>
    %add3A_112 = arith.constant 1 : i32
    %add3A_113 = vector.broadcast %add3A_112 : i32 to vector<1024x1xi32>
    %add3A_114 = arith.addi %and3A_105, %add3A_113 : vector<1024x1xi32>
    %lt3A_115 = arith.constant 32 : i32
    %lt3A_116 = vector.broadcast %lt3A_115 : i32 to vector<1024x1xi32>
    %lt3A_117 = arith.cmpi slt, %add3A_114, %lt3A_116 : vector<1024x1xi32>
    %and3A_118 = arith.andi %ge3A_111, %lt3A_117 : vector<1024x1xi1>
    %broadcast_in_dim3A_119 = arith.constant 0.000000e+00 : f32
    %broadcast_in_dim3A_120 = vector.broadcast %broadcast_in_dim3A_119 : f32 to vector<1024x512xf32>
    %broadcast_in_dim3A_121 = vector.shape_cast %and3A_118 : vector<1024x1xi1> to vector<1024x1xi1>
    %broadcast_in_dim3A_122 = vector.broadcast %broadcast_in_dim3A_121 : vector<1024x1xi1> to vector<1024x512xi1>
    %select_n3A_123 = arith.select %broadcast_in_dim3A_122, %concatenate3A_101, %broadcast_in_dim3A_120 : vector<1024x512xi1>, vector<1024x512xf32>
    %concatenate3A_124 = tpu.concatenate %select_n3A_97, %max3A_71, %select_n3A_123 in 1 : vector<1024x512xf32>, vector<1024x512xf32>, vector<1024x512xf32> -> vector<1024x1536xf32>
    %dot_general3A_125 = arith.constant dense<0.000000e+00> : vector<1024x512xf32>
    %dot_general3A_126 = tpu.matmul %concatenate3A_124, %get3A_60, %dot_general3A_125 {dimension_numbers = #tpu.dot_dimension_numbers<[1], [1], [0], [0], [0, 0, 1, 0], [], []>, transpose_lhs_hint = false} : vector<1024x1536xf32>, vector<512x1536xf32>, vector<1024x512xf32> -> vector<1024x512xf32>
    %add3A_127 = vector.broadcast %get3A_63 : vector<1x512xf32> to vector<1024x512xf32>
    %add3A_128 = arith.addf %dot_general3A_126, %add3A_127 : vector<1024x512xf32>
    %max3A_129 = arith.constant 0.000000e+00 : f32
    %max3A_130 = vector.broadcast %max3A_129 : f32 to vector<1024x512xf32>
    %max3A_131 = arith.maximumf %add3A_128, %max3A_130 : vector<1024x512xf32>
    %dot_general3A_132 = arith.constant dense<0.000000e+00> : vector<1024x512xf32>
    %dot_general3A_133 = tpu.matmul %max3A_131, %get3A_66, %dot_general3A_132 {dimension_numbers = #tpu.dot_dimension_numbers<[1], [1], [0], [0], [0, 0, 1, 0], [], []>, transpose_lhs_hint = false} : vector<1024x512xf32>, vector<512x512xf32>, vector<1024x512xf32> -> vector<1024x512xf32>
    %add3A_134 = arith.addf %add3A_57, %dot_general3A_133 : vector<1024x512xf32>
    %add3A_135 = vector.broadcast %get3A_69 : vector<1x512xf32> to vector<1024x512xf32>
    %add3A_136 = arith.addf %add3A_134, %add3A_135 : vector<1024x512xf32>
    %get3A_137 = arith.constant 0 : index
    %get3A_138 = arith.constant 0 : index
    %get3A_139 = vector.load %arg8[%get3A_137, %get3A_138] : memref<512x1536xf32, #tpu.memory_space<vmem>>, vector<512x1536xf32>
    %get3A_140 = arith.constant 0 : index
    %get3A_141 = arith.constant 0 : index
    %get3A_142 = vector.load %arg9[%get3A_140, %get3A_141] : memref<1x512xf32, #tpu.memory_space<vmem>>, vector<1x512xf32>
    %get3A_143 = arith.constant 0 : index
    %get3A_144 = arith.constant 0 : index
    %get3A_145 = vector.load %arg10[%get3A_143, %get3A_144] : memref<512x512xf32, #tpu.memory_space<vmem>>, vector<512x512xf32>
    %get3A_146 = arith.constant 0 : index
    %get3A_147 = arith.constant 0 : index
    %get3A_148 = vector.load %arg11[%get3A_146, %get3A_147] : memref<1x512xf32, #tpu.memory_space<vmem>>, vector<1x512xf32>
    %max3A_149 = arith.constant 0.000000e+00 : f32
    %max3A_150 = vector.broadcast %max3A_149 : f32 to vector<1024x512xf32>
    %max3A_151 = arith.maximumf %add3A_136, %max3A_150 : vector<1024x512xf32>
    %broadcast_in_dim3A_152 = arith.constant 0.000000e+00 : f32
    %broadcast_in_dim3A_153 = vector.broadcast %broadcast_in_dim3A_152 : f32 to vector<3x512xf32>
    %slice3A_154 = vector.extract_strided_slice %max3A_151 {offsets = [0, 0], sizes = [1021, 512], strides = [1, 1]} : vector<1024x512xf32> to vector<1021x512xf32>
    %concatenate3A_155 = tpu.concatenate %broadcast_in_dim3A_153, %slice3A_154 in 0 : vector<3x512xf32>, vector<1021x512xf32> -> vector<1024x512xf32>
    %iota3A_156 = tpu.iota {dimensions = array<i32: 0>} : vector<1024x1xi32>
    %and3A_157 = arith.constant 31 : i32
    %and3A_158 = vector.broadcast %and3A_157 : i32 to vector<1024x1xi32>
    %and3A_159 = arith.andi %iota3A_156, %and3A_158 : vector<1024x1xi32>
    %add3A_160 = arith.constant -3 : i32
    %add3A_161 = vector.broadcast %add3A_160 : i32 to vector<1024x1xi32>
    %add3A_162 = arith.addi %and3A_159, %add3A_161 : vector<1024x1xi32>
    %ge3A_163 = arith.constant 0 : i32
    %ge3A_164 = vector.broadcast %ge3A_163 : i32 to vector<1024x1xi32>
    %ge3A_165 = arith.cmpi sge, %add3A_162, %ge3A_164 : vector<1024x1xi32>
    %add3A_166 = arith.constant -3 : i32
    %add3A_167 = vector.broadcast %add3A_166 : i32 to vector<1024x1xi32>
    %add3A_168 = arith.addi %and3A_159, %add3A_167 : vector<1024x1xi32>
    %lt3A_169 = arith.constant 32 : i32
    %lt3A_170 = vector.broadcast %lt3A_169 : i32 to vector<1024x1xi32>
    %lt3A_171 = arith.cmpi slt, %add3A_168, %lt3A_170 : vector<1024x1xi32>
    %and3A_172 = arith.andi %ge3A_165, %lt3A_171 : vector<1024x1xi1>
    %broadcast_in_dim3A_173 = arith.constant 0.000000e+00 : f32
    %broadcast_in_dim3A_174 = vector.broadcast %broadcast_in_dim3A_173 : f32 to vector<1024x512xf32>
    %broadcast_in_dim3A_175 = vector.shape_cast %and3A_172 : vector<1024x1xi1> to vector<1024x1xi1>
    %broadcast_in_dim3A_176 = vector.broadcast %broadcast_in_dim3A_175 : vector<1024x1xi1> to vector<1024x512xi1>
    %select_n3A_177 = arith.select %broadcast_in_dim3A_176, %concatenate3A_155, %broadcast_in_dim3A_174 : vector<1024x512xi1>, vector<1024x512xf32>
    %broadcast_in_dim3A_178 = arith.constant 0.000000e+00 : f32
    %broadcast_in_dim3A_179 = vector.broadcast %broadcast_in_dim3A_178 : f32 to vector<3x512xf32>
    %slice3A_180 = vector.extract_strided_slice %max3A_151 {offsets = [3, 0], sizes = [1021, 512], strides = [1, 1]} : vector<1024x512xf32> to vector<1021x512xf32>
    %concatenate3A_181 = tpu.concatenate %slice3A_180, %broadcast_in_dim3A_179 in 0 : vector<1021x512xf32>, vector<3x512xf32> -> vector<1024x512xf32>
    %iota3A_182 = tpu.iota {dimensions = array<i32: 0>} : vector<1024x1xi32>
    %and3A_183 = arith.constant 31 : i32
    %and3A_184 = vector.broadcast %and3A_183 : i32 to vector<1024x1xi32>
    %and3A_185 = arith.andi %iota3A_182, %and3A_184 : vector<1024x1xi32>
    %add3A_186 = arith.constant 3 : i32
    %add3A_187 = vector.broadcast %add3A_186 : i32 to vector<1024x1xi32>
    %add3A_188 = arith.addi %and3A_185, %add3A_187 : vector<1024x1xi32>
    %ge3A_189 = arith.constant 0 : i32
    %ge3A_190 = vector.broadcast %ge3A_189 : i32 to vector<1024x1xi32>
    %ge3A_191 = arith.cmpi sge, %add3A_188, %ge3A_190 : vector<1024x1xi32>
    %add3A_192 = arith.constant 3 : i32
    %add3A_193 = vector.broadcast %add3A_192 : i32 to vector<1024x1xi32>
    %add3A_194 = arith.addi %and3A_185, %add3A_193 : vector<1024x1xi32>
    %lt3A_195 = arith.constant 32 : i32
    %lt3A_196 = vector.broadcast %lt3A_195 : i32 to vector<1024x1xi32>
    %lt3A_197 = arith.cmpi slt, %add3A_194, %lt3A_196 : vector<1024x1xi32>
    %and3A_198 = arith.andi %ge3A_191, %lt3A_197 : vector<1024x1xi1>
    %broadcast_in_dim3A_199 = arith.constant 0.000000e+00 : f32
    %broadcast_in_dim3A_200 = vector.broadcast %broadcast_in_dim3A_199 : f32 to vector<1024x512xf32>
    %broadcast_in_dim3A_201 = vector.shape_cast %and3A_198 : vector<1024x1xi1> to vector<1024x1xi1>
    %broadcast_in_dim3A_202 = vector.broadcast %broadcast_in_dim3A_201 : vector<1024x1xi1> to vector<1024x512xi1>
    %select_n3A_203 = arith.select %broadcast_in_dim3A_202, %concatenate3A_181, %broadcast_in_dim3A_200 : vector<1024x512xi1>, vector<1024x512xf32>
    %concatenate3A_204 = tpu.concatenate %select_n3A_177, %max3A_151, %select_n3A_203 in 1 : vector<1024x512xf32>, vector<1024x512xf32>, vector<1024x512xf32> -> vector<1024x1536xf32>
    %dot_general3A_205 = arith.constant dense<0.000000e+00> : vector<1024x512xf32>
    %dot_general3A_206 = tpu.matmul %concatenate3A_204, %get3A_139, %dot_general3A_205 {dimension_numbers = #tpu.dot_dimension_numbers<[1], [1], [0], [0], [0, 0, 1, 0], [], []>, transpose_lhs_hint = false} : vector<1024x1536xf32>, vector<512x1536xf32>, vector<1024x512xf32> -> vector<1024x512xf32>
    %add3A_207 = vector.broadcast %get3A_142 : vector<1x512xf32> to vector<1024x512xf32>
    %add3A_208 = arith.addf %dot_general3A_206, %add3A_207 : vector<1024x512xf32>
    %max3A_209 = arith.constant 0.000000e+00 : f32
    %max3A_210 = vector.broadcast %max3A_209 : f32 to vector<1024x512xf32>
    %max3A_211 = arith.maximumf %add3A_208, %max3A_210 : vector<1024x512xf32>
    %dot_general3A_212 = arith.constant dense<0.000000e+00> : vector<1024x512xf32>
    %dot_general3A_213 = tpu.matmul %max3A_211, %get3A_145, %dot_general3A_212 {dimension_numbers = #tpu.dot_dimension_numbers<[1], [1], [0], [0], [0, 0, 1, 0], [], []>, transpose_lhs_hint = false} : vector<1024x512xf32>, vector<512x512xf32>, vector<1024x512xf32> -> vector<1024x512xf32>
    %add3A_214 = arith.addf %add3A_136, %dot_general3A_213 : vector<1024x512xf32>
    %add3A_215 = vector.broadcast %get3A_148 : vector<1x512xf32> to vector<1024x512xf32>
    %add3A_216 = arith.addf %add3A_214, %add3A_215 : vector<1024x512xf32>
    %get3A_217 = arith.constant 0 : index
    %get3A_218 = arith.constant 0 : index
    %get3A_219 = vector.load %arg12[%get3A_217, %get3A_218] : memref<512x1536xf32, #tpu.memory_space<vmem>>, vector<512x1536xf32>
    %get3A_220 = arith.constant 0 : index
    %get3A_221 = arith.constant 0 : index
    %get3A_222 = vector.load %arg13[%get3A_220, %get3A_221] : memref<1x512xf32, #tpu.memory_space<vmem>>, vector<1x512xf32>
    %get3A_223 = arith.constant 0 : index
    %get3A_224 = arith.constant 0 : index
    %get3A_225 = vector.load %arg14[%get3A_223, %get3A_224] : memref<512x512xf32, #tpu.memory_space<vmem>>, vector<512x512xf32>
    %get3A_226 = arith.constant 0 : index
    %get3A_227 = arith.constant 0 : index
    %get3A_228 = vector.load %arg15[%get3A_226, %get3A_227] : memref<1x512xf32, #tpu.memory_space<vmem>>, vector<1x512xf32>
    %max3A_229 = arith.constant 0.000000e+00 : f32
    %max3A_230 = vector.broadcast %max3A_229 : f32 to vector<1024x512xf32>
    %max3A_231 = arith.maximumf %add3A_216, %max3A_230 : vector<1024x512xf32>
    %broadcast_in_dim3A_232 = arith.constant 0.000000e+00 : f32
    %broadcast_in_dim3A_233 = vector.broadcast %broadcast_in_dim3A_232 : f32 to vector<9x512xf32>
    %slice3A_234 = vector.extract_strided_slice %max3A_231 {offsets = [0, 0], sizes = [1015, 512], strides = [1, 1]} : vector<1024x512xf32> to vector<1015x512xf32>
    %concatenate3A_235 = tpu.concatenate %broadcast_in_dim3A_233, %slice3A_234 in 0 : vector<9x512xf32>, vector<1015x512xf32> -> vector<1024x512xf32>
    %iota3A_236 = tpu.iota {dimensions = array<i32: 0>} : vector<1024x1xi32>
    %and3A_237 = arith.constant 31 : i32
    %and3A_238 = vector.broadcast %and3A_237 : i32 to vector<1024x1xi32>
    %and3A_239 = arith.andi %iota3A_236, %and3A_238 : vector<1024x1xi32>
    %add3A_240 = arith.constant -9 : i32
    %add3A_241 = vector.broadcast %add3A_240 : i32 to vector<1024x1xi32>
    %add3A_242 = arith.addi %and3A_239, %add3A_241 : vector<1024x1xi32>
    %ge3A_243 = arith.constant 0 : i32
    %ge3A_244 = vector.broadcast %ge3A_243 : i32 to vector<1024x1xi32>
    %ge3A_245 = arith.cmpi sge, %add3A_242, %ge3A_244 : vector<1024x1xi32>
    %add3A_246 = arith.constant -9 : i32
    %add3A_247 = vector.broadcast %add3A_246 : i32 to vector<1024x1xi32>
    %add3A_248 = arith.addi %and3A_239, %add3A_247 : vector<1024x1xi32>
    %lt3A_249 = arith.constant 32 : i32
    %lt3A_250 = vector.broadcast %lt3A_249 : i32 to vector<1024x1xi32>
    %lt3A_251 = arith.cmpi slt, %add3A_248, %lt3A_250 : vector<1024x1xi32>
    %and3A_252 = arith.andi %ge3A_245, %lt3A_251 : vector<1024x1xi1>
    %broadcast_in_dim3A_253 = arith.constant 0.000000e+00 : f32
    %broadcast_in_dim3A_254 = vector.broadcast %broadcast_in_dim3A_253 : f32 to vector<1024x512xf32>
    %broadcast_in_dim3A_255 = vector.shape_cast %and3A_252 : vector<1024x1xi1> to vector<1024x1xi1>
    %broadcast_in_dim3A_256 = vector.broadcast %broadcast_in_dim3A_255 : vector<1024x1xi1> to vector<1024x512xi1>
    %select_n3A_257 = arith.select %broadcast_in_dim3A_256, %concatenate3A_235, %broadcast_in_dim3A_254 : vector<1024x512xi1>, vector<1024x512xf32>
    %broadcast_in_dim3A_258 = arith.constant 0.000000e+00 : f32
    %broadcast_in_dim3A_259 = vector.broadcast %broadcast_in_dim3A_258 : f32 to vector<9x512xf32>
    %slice3A_260 = vector.extract_strided_slice %max3A_231 {offsets = [9, 0], sizes = [1015, 512], strides = [1, 1]} : vector<1024x512xf32> to vector<1015x512xf32>
    %concatenate3A_261 = tpu.concatenate %slice3A_260, %broadcast_in_dim3A_259 in 0 : vector<1015x512xf32>, vector<9x512xf32> -> vector<1024x512xf32>
    %iota3A_262 = tpu.iota {dimensions = array<i32: 0>} : vector<1024x1xi32>
    %and3A_263 = arith.constant 31 : i32
    %and3A_264 = vector.broadcast %and3A_263 : i32 to vector<1024x1xi32>
    %and3A_265 = arith.andi %iota3A_262, %and3A_264 : vector<1024x1xi32>
    %add3A_266 = arith.constant 9 : i32
    %add3A_267 = vector.broadcast %add3A_266 : i32 to vector<1024x1xi32>
    %add3A_268 = arith.addi %and3A_265, %add3A_267 : vector<1024x1xi32>
    %ge3A_269 = arith.constant 0 : i32
    %ge3A_270 = vector.broadcast %ge3A_269 : i32 to vector<1024x1xi32>
    %ge3A_271 = arith.cmpi sge, %add3A_268, %ge3A_270 : vector<1024x1xi32>
    %add3A_272 = arith.constant 9 : i32
    %add3A_273 = vector.broadcast %add3A_272 : i32 to vector<1024x1xi32>
    %add3A_274 = arith.addi %and3A_265, %add3A_273 : vector<1024x1xi32>
    %lt3A_275 = arith.constant 32 : i32
    %lt3A_276 = vector.broadcast %lt3A_275 : i32 to vector<1024x1xi32>
    %lt3A_277 = arith.cmpi slt, %add3A_274, %lt3A_276 : vector<1024x1xi32>
    %and3A_278 = arith.andi %ge3A_271, %lt3A_277 : vector<1024x1xi1>
    %broadcast_in_dim3A_279 = arith.constant 0.000000e+00 : f32
    %broadcast_in_dim3A_280 = vector.broadcast %broadcast_in_dim3A_279 : f32 to vector<1024x512xf32>
    %broadcast_in_dim3A_281 = vector.shape_cast %and3A_278 : vector<1024x1xi1> to vector<1024x1xi1>
    %broadcast_in_dim3A_282 = vector.broadcast %broadcast_in_dim3A_281 : vector<1024x1xi1> to vector<1024x512xi1>
    %select_n3A_283 = arith.select %broadcast_in_dim3A_282, %concatenate3A_261, %broadcast_in_dim3A_280 : vector<1024x512xi1>, vector<1024x512xf32>
    %concatenate3A_284 = tpu.concatenate %select_n3A_257, %max3A_231, %select_n3A_283 in 1 : vector<1024x512xf32>, vector<1024x512xf32>, vector<1024x512xf32> -> vector<1024x1536xf32>
    %dot_general3A_285 = arith.constant dense<0.000000e+00> : vector<1024x512xf32>
    %dot_general3A_286 = tpu.matmul %concatenate3A_284, %get3A_219, %dot_general3A_285 {dimension_numbers = #tpu.dot_dimension_numbers<[1], [1], [0], [0], [0, 0, 1, 0], [], []>, transpose_lhs_hint = false} : vector<1024x1536xf32>, vector<512x1536xf32>, vector<1024x512xf32> -> vector<1024x512xf32>
    %add3A_287 = vector.broadcast %get3A_222 : vector<1x512xf32> to vector<1024x512xf32>
    %add3A_288 = arith.addf %dot_general3A_286, %add3A_287 : vector<1024x512xf32>
    %max3A_289 = arith.constant 0.000000e+00 : f32
    %max3A_290 = vector.broadcast %max3A_289 : f32 to vector<1024x512xf32>
    %max3A_291 = arith.maximumf %add3A_288, %max3A_290 : vector<1024x512xf32>
    %dot_general3A_292 = arith.constant dense<0.000000e+00> : vector<1024x512xf32>
    %dot_general3A_293 = tpu.matmul %max3A_291, %get3A_225, %dot_general3A_292 {dimension_numbers = #tpu.dot_dimension_numbers<[1], [1], [0], [0], [0, 0, 1, 0], [], []>, transpose_lhs_hint = false} : vector<1024x512xf32>, vector<512x512xf32>, vector<1024x512xf32> -> vector<1024x512xf32>
    %add3A_294 = arith.addf %add3A_216, %dot_general3A_293 : vector<1024x512xf32>
    %add3A_295 = vector.broadcast %get3A_228 : vector<1x512xf32> to vector<1024x512xf32>
    %add3A_296 = arith.addf %add3A_294, %add3A_295 : vector<1024x512xf32>
    %swap3A = arith.constant 0 : index
    %swap3A_297 = arith.constant 0 : index
    %swap3A_298 = vector.load %arg16[%swap3A, %swap3A_297] : memref<1024x512xf32, #tpu.memory_space<vmem>>, vector<1024x512xf32>
    tpu.vector_store %arg16[%swap3A, %swap3A_297], %add3A_296 {strides = array<i32>} : memref<1024x512xf32, #tpu.memory_space<vmem>>, vector<1024x512xf32>,
    return
  }
}

module attributes {stable_mosaic.version = 14 : i64} {
  func.func @body(%arg0: memref<512x512xf32, #tpu.memory_space<vmem>>, %arg1: memref<512x512xf32, #tpu.memory_space<vmem>>, %arg2: memref<512x2048xf32, #tpu.memory_space<vmem>>, %arg3: memref<1x512xf32, #tpu.memory_space<vmem>>, %arg4: memref<512x1536xf32, #tpu.memory_space<vmem>>, %arg5: memref<1x512xf32, #tpu.memory_space<vmem>>, %arg6: memref<512x512xf32, #tpu.memory_space<vmem>>, %arg7: memref<1x512xf32, #tpu.memory_space<vmem>>, %arg8: memref<512x1536xf32, #tpu.memory_space<vmem>>, %arg9: memref<1x512xf32, #tpu.memory_space<vmem>>, %arg10: memref<512x512xf32, #tpu.memory_space<vmem>>, %arg11: memref<1x512xf32, #tpu.memory_space<vmem>>, %arg12: memref<512x1536xf32, #tpu.memory_space<vmem>>, %arg13: memref<1x512xf32, #tpu.memory_space<vmem>>, %arg14: memref<512x512xf32, #tpu.memory_space<vmem>>, %arg15: memref<1x512xf32, #tpu.memory_space<vmem>>, %arg16: memref<512x512xf32, #tpu.memory_space<vmem>>) attributes {dimension_semantics = [], scalar_prefetch = 0 : i64, scratch_operands = 0 : i64, tpu.core_type = #tpu.core_type<tc>} {
    %get3A = arith.constant 0 : index
    %get3A_0 = arith.constant 0 : index
    %get3A_1 = vector.load %arg0[%get3A, %get3A_0] : memref<512x512xf32, #tpu.memory_space<vmem>>, vector<512x512xf32>
    %get3A_2 = arith.constant 0 : index
    %get3A_3 = arith.constant 0 : index
    %get3A_4 = vector.load %arg1[%get3A_2, %get3A_3] : memref<512x512xf32, #tpu.memory_space<vmem>>, vector<512x512xf32>
    %get3A_5 = arith.constant 0 : index
    %get3A_6 = arith.constant 0 : index
    %get3A_7 = vector.load %arg2[%get3A_5, %get3A_6] : memref<512x2048xf32, #tpu.memory_space<vmem>>, vector<512x2048xf32>
    %get3A_8 = arith.constant 0 : index
    %get3A_9 = arith.constant 0 : index
    %get3A_10 = vector.load %arg3[%get3A_8, %get3A_9] : memref<1x512xf32, #tpu.memory_space<vmem>>, vector<1x512xf32>
    %broadcast_in_dim3A = arith.constant 0.000000e+00 : f32
    %broadcast_in_dim3A_11 = vector.broadcast %broadcast_in_dim3A : f32 to vector<1x512xf32>
    %slice3A = vector.extract_strided_slice %get3A_4 {offsets = [0, 0], sizes = [511, 512], strides = [1, 1]} : vector<512x512xf32> to vector<511x512xf32>
    %concatenate3A = tpu.concatenate %broadcast_in_dim3A_11, %slice3A in 0 : vector<1x512xf32>, vector<511x512xf32> -> vector<512x512xf32>
    %iota3A = tpu.iota {dimensions = array<i32: 0>} : vector<512x1xi32>
    %and3A = arith.constant 15 : i32
    %and3A_12 = vector.broadcast %and3A : i32 to vector<512x1xi32>
    %and3A_13 = arith.andi %iota3A, %and3A_12 : vector<512x1xi32>
    %add3A = arith.constant -1 : i32
    %add3A_14 = vector.broadcast %add3A : i32 to vector<512x1xi32>
    %add3A_15 = arith.addi %and3A_13, %add3A_14 : vector<512x1xi32>
    %ge3A = arith.constant 0 : i32
    %ge3A_16 = vector.broadcast %ge3A : i32 to vector<512x1xi32>
    %ge3A_17 = arith.cmpi sge, %add3A_15, %ge3A_16 : vector<512x1xi32>
    %add3A_18 = arith.constant -1 : i32
    %add3A_19 = vector.broadcast %add3A_18 : i32 to vector<512x1xi32>
    %add3A_20 = arith.addi %and3A_13, %add3A_19 : vector<512x1xi32>
    %lt3A = arith.constant 16 : i32
    %lt3A_21 = vector.broadcast %lt3A : i32 to vector<512x1xi32>
    %lt3A_22 = arith.cmpi slt, %add3A_20, %lt3A_21 : vector<512x1xi32>
    %and3A_23 = arith.andi %ge3A_17, %lt3A_22 : vector<512x1xi1>
    %broadcast_in_dim3A_24 = arith.constant 0.000000e+00 : f32
    %broadcast_in_dim3A_25 = vector.broadcast %broadcast_in_dim3A_24 : f32 to vector<512x512xf32>
    %broadcast_in_dim3A_26 = vector.shape_cast %and3A_23 : vector<512x1xi1> to vector<512x1xi1>
    %broadcast_in_dim3A_27 = vector.broadcast %broadcast_in_dim3A_26 : vector<512x1xi1> to vector<512x512xi1>
    %select_n3A = arith.select %broadcast_in_dim3A_27, %concatenate3A, %broadcast_in_dim3A_25 : vector<512x512xi1>, vector<512x512xf32>
    %broadcast_in_dim3A_28 = arith.constant 0.000000e+00 : f32
    %broadcast_in_dim3A_29 = vector.broadcast %broadcast_in_dim3A_28 : f32 to vector<1x512xf32>
    %slice3A_30 = vector.extract_strided_slice %get3A_1 {offsets = [1, 0], sizes = [511, 512], strides = [1, 1]} : vector<512x512xf32> to vector<511x512xf32>
    %concatenate3A_31 = tpu.concatenate %slice3A_30, %broadcast_in_dim3A_29 in 0 : vector<511x512xf32>, vector<1x512xf32> -> vector<512x512xf32>
    %iota3A_32 = tpu.iota {dimensions = array<i32: 0>} : vector<512x1xi32>
    %and3A_33 = arith.constant 15 : i32
    %and3A_34 = vector.broadcast %and3A_33 : i32 to vector<512x1xi32>
    %and3A_35 = arith.andi %iota3A_32, %and3A_34 : vector<512x1xi32>
    %add3A_36 = arith.constant 1 : i32
    %add3A_37 = vector.broadcast %add3A_36 : i32 to vector<512x1xi32>
    %add3A_38 = arith.addi %and3A_35, %add3A_37 : vector<512x1xi32>
    %ge3A_39 = arith.constant 0 : i32
    %ge3A_40 = vector.broadcast %ge3A_39 : i32 to vector<512x1xi32>
    %ge3A_41 = arith.cmpi sge, %add3A_38, %ge3A_40 : vector<512x1xi32>
    %add3A_42 = arith.constant 1 : i32
    %add3A_43 = vector.broadcast %add3A_42 : i32 to vector<512x1xi32>
    %add3A_44 = arith.addi %and3A_35, %add3A_43 : vector<512x1xi32>
    %lt3A_45 = arith.constant 16 : i32
    %lt3A_46 = vector.broadcast %lt3A_45 : i32 to vector<512x1xi32>
    %lt3A_47 = arith.cmpi slt, %add3A_44, %lt3A_46 : vector<512x1xi32>
    %and3A_48 = arith.andi %ge3A_41, %lt3A_47 : vector<512x1xi1>
    %broadcast_in_dim3A_49 = arith.constant 0.000000e+00 : f32
    %broadcast_in_dim3A_50 = vector.broadcast %broadcast_in_dim3A_49 : f32 to vector<512x512xf32>
    %broadcast_in_dim3A_51 = vector.shape_cast %and3A_48 : vector<512x1xi1> to vector<512x1xi1>
    %broadcast_in_dim3A_52 = vector.broadcast %broadcast_in_dim3A_51 : vector<512x1xi1> to vector<512x512xi1>
    %select_n3A_53 = arith.select %broadcast_in_dim3A_52, %concatenate3A_31, %broadcast_in_dim3A_50 : vector<512x512xi1>, vector<512x512xf32>
    %concatenate3A_54 = tpu.concatenate %select_n3A, %get3A_1, %get3A_4, %select_n3A_53 in 1 : vector<512x512xf32>, vector<512x512xf32>, vector<512x512xf32>, vector<512x512xf32> -> vector<512x2048xf32>
    %dot_general3A = arith.constant dense<0.000000e+00> : vector<512x512xf32>
    %dot_general3A_55 = tpu.matmul %concatenate3A_54, %get3A_7, %dot_general3A {dimension_numbers = #tpu.dot_dimension_numbers<[1], [1], [0], [0], [0, 0, 1, 0], [], []>, transpose_lhs_hint = false} : vector<512x2048xf32>, vector<512x2048xf32>, vector<512x512xf32> -> vector<512x512xf32>
    %add3A_56 = vector.broadcast %get3A_10 : vector<1x512xf32> to vector<512x512xf32>
    %add3A_57 = arith.addf %dot_general3A_55, %add3A_56 : vector<512x512xf32>
    %get3A_58 = arith.constant 0 : index
    %get3A_59 = arith.constant 0 : index
    %get3A_60 = vector.load %arg4[%get3A_58, %get3A_59] : memref<512x1536xf32, #tpu.memory_space<vmem>>, vector<512x1536xf32>
    %get3A_61 = arith.constant 0 : index
    %get3A_62 = arith.constant 0 : index
    %get3A_63 = vector.load %arg5[%get3A_61, %get3A_62] : memref<1x512xf32, #tpu.memory_space<vmem>>, vector<1x512xf32>
    %get3A_64 = arith.constant 0 : index
    %get3A_65 = arith.constant 0 : index
    %get3A_66 = vector.load %arg6[%get3A_64, %get3A_65] : memref<512x512xf32, #tpu.memory_space<vmem>>, vector<512x512xf32>
    %get3A_67 = arith.constant 0 : index
    %get3A_68 = arith.constant 0 : index
    %get3A_69 = vector.load %arg7[%get3A_67, %get3A_68] : memref<1x512xf32, #tpu.memory_space<vmem>>, vector<1x512xf32>
    %max3A = arith.constant 0.000000e+00 : f32
    %max3A_70 = vector.broadcast %max3A : f32 to vector<512x512xf32>
    %max3A_71 = arith.maximumf %add3A_57, %max3A_70 : vector<512x512xf32>
    %broadcast_in_dim3A_72 = arith.constant 0.000000e+00 : f32
    %broadcast_in_dim3A_73 = vector.broadcast %broadcast_in_dim3A_72 : f32 to vector<1x512xf32>
    %slice3A_74 = vector.extract_strided_slice %max3A_71 {offsets = [0, 0], sizes = [511, 512], strides = [1, 1]} : vector<512x512xf32> to vector<511x512xf32>
    %concatenate3A_75 = tpu.concatenate %broadcast_in_dim3A_73, %slice3A_74 in 0 : vector<1x512xf32>, vector<511x512xf32> -> vector<512x512xf32>
    %iota3A_76 = tpu.iota {dimensions = array<i32: 0>} : vector<512x1xi32>
    %and3A_77 = arith.constant 15 : i32
    %and3A_78 = vector.broadcast %and3A_77 : i32 to vector<512x1xi32>
    %and3A_79 = arith.andi %iota3A_76, %and3A_78 : vector<512x1xi32>
    %add3A_80 = arith.constant -1 : i32
    %add3A_81 = vector.broadcast %add3A_80 : i32 to vector<512x1xi32>
    %add3A_82 = arith.addi %and3A_79, %add3A_81 : vector<512x1xi32>
    %ge3A_83 = arith.constant 0 : i32
    %ge3A_84 = vector.broadcast %ge3A_83 : i32 to vector<512x1xi32>
    %ge3A_85 = arith.cmpi sge, %add3A_82, %ge3A_84 : vector<512x1xi32>
    %add3A_86 = arith.constant -1 : i32
    %add3A_87 = vector.broadcast %add3A_86 : i32 to vector<512x1xi32>
    %add3A_88 = arith.addi %and3A_79, %add3A_87 : vector<512x1xi32>
    %lt3A_89 = arith.constant 16 : i32
    %lt3A_90 = vector.broadcast %lt3A_89 : i32 to vector<512x1xi32>
    %lt3A_91 = arith.cmpi slt, %add3A_88, %lt3A_90 : vector<512x1xi32>
    %and3A_92 = arith.andi %ge3A_85, %lt3A_91 : vector<512x1xi1>
    %broadcast_in_dim3A_93 = arith.constant 0.000000e+00 : f32
    %broadcast_in_dim3A_94 = vector.broadcast %broadcast_in_dim3A_93 : f32 to vector<512x512xf32>
    %broadcast_in_dim3A_95 = vector.shape_cast %and3A_92 : vector<512x1xi1> to vector<512x1xi1>
    %broadcast_in_dim3A_96 = vector.broadcast %broadcast_in_dim3A_95 : vector<512x1xi1> to vector<512x512xi1>
    %select_n3A_97 = arith.select %broadcast_in_dim3A_96, %concatenate3A_75, %broadcast_in_dim3A_94 : vector<512x512xi1>, vector<512x512xf32>
    %broadcast_in_dim3A_98 = arith.constant 0.000000e+00 : f32
    %broadcast_in_dim3A_99 = vector.broadcast %broadcast_in_dim3A_98 : f32 to vector<1x512xf32>
    %slice3A_100 = vector.extract_strided_slice %max3A_71 {offsets = [1, 0], sizes = [511, 512], strides = [1, 1]} : vector<512x512xf32> to vector<511x512xf32>
    %concatenate3A_101 = tpu.concatenate %slice3A_100, %broadcast_in_dim3A_99 in 0 : vector<511x512xf32>, vector<1x512xf32> -> vector<512x512xf32>
    %iota3A_102 = tpu.iota {dimensions = array<i32: 0>} : vector<512x1xi32>
    %and3A_103 = arith.constant 15 : i32
    %and3A_104 = vector.broadcast %and3A_103 : i32 to vector<512x1xi32>
    %and3A_105 = arith.andi %iota3A_102, %and3A_104 : vector<512x1xi32>
    %add3A_106 = arith.constant 1 : i32
    %add3A_107 = vector.broadcast %add3A_106 : i32 to vector<512x1xi32>
    %add3A_108 = arith.addi %and3A_105, %add3A_107 : vector<512x1xi32>
    %ge3A_109 = arith.constant 0 : i32
    %ge3A_110 = vector.broadcast %ge3A_109 : i32 to vector<512x1xi32>
    %ge3A_111 = arith.cmpi sge, %add3A_108, %ge3A_110 : vector<512x1xi32>
    %add3A_112 = arith.constant 1 : i32
    %add3A_113 = vector.broadcast %add3A_112 : i32 to vector<512x1xi32>
    %add3A_114 = arith.addi %and3A_105, %add3A_113 : vector<512x1xi32>
    %lt3A_115 = arith.constant 16 : i32
    %lt3A_116 = vector.broadcast %lt3A_115 : i32 to vector<512x1xi32>
    %lt3A_117 = arith.cmpi slt, %add3A_114, %lt3A_116 : vector<512x1xi32>
    %and3A_118 = arith.andi %ge3A_111, %lt3A_117 : vector<512x1xi1>
    %broadcast_in_dim3A_119 = arith.constant 0.000000e+00 : f32
    %broadcast_in_dim3A_120 = vector.broadcast %broadcast_in_dim3A_119 : f32 to vector<512x512xf32>
    %broadcast_in_dim3A_121 = vector.shape_cast %and3A_118 : vector<512x1xi1> to vector<512x1xi1>
    %broadcast_in_dim3A_122 = vector.broadcast %broadcast_in_dim3A_121 : vector<512x1xi1> to vector<512x512xi1>
    %select_n3A_123 = arith.select %broadcast_in_dim3A_122, %concatenate3A_101, %broadcast_in_dim3A_120 : vector<512x512xi1>, vector<512x512xf32>
    %concatenate3A_124 = tpu.concatenate %select_n3A_97, %max3A_71, %select_n3A_123 in 1 : vector<512x512xf32>, vector<512x512xf32>, vector<512x512xf32> -> vector<512x1536xf32>
    %dot_general3A_125 = arith.constant dense<0.000000e+00> : vector<512x512xf32>
    %dot_general3A_126 = tpu.matmul %concatenate3A_124, %get3A_60, %dot_general3A_125 {dimension_numbers = #tpu.dot_dimension_numbers<[1], [1], [0], [0], [0, 0, 1, 0], [], []>, transpose_lhs_hint = false} : vector<512x1536xf32>, vector<512x1536xf32>, vector<512x512xf32> -> vector<512x512xf32>
    %add3A_127 = vector.broadcast %get3A_63 : vector<1x512xf32> to vector<512x512xf32>
    %add3A_128 = arith.addf %dot_general3A_126, %add3A_127 : vector<512x512xf32>
    %max3A_129 = arith.constant 0.000000e+00 : f32
    %max3A_130 = vector.broadcast %max3A_129 : f32 to vector<512x512xf32>
    %max3A_131 = arith.maximumf %add3A_128, %max3A_130 : vector<512x512xf32>
    %dot_general3A_132 = arith.constant dense<0.000000e+00> : vector<512x512xf32>
    %dot_general3A_133 = tpu.matmul %max3A_131, %get3A_66, %dot_general3A_132 {dimension_numbers = #tpu.dot_dimension_numbers<[1], [1], [0], [0], [0, 0, 1, 0], [], []>, transpose_lhs_hint = false} : vector<512x512xf32>, vector<512x512xf32>, vector<512x512xf32> -> vector<512x512xf32>
    %add3A_134 = arith.addf %add3A_57, %dot_general3A_133 : vector<512x512xf32>
    %add3A_135 = vector.broadcast %get3A_69 : vector<1x512xf32> to vector<512x512xf32>
    %add3A_136 = arith.addf %add3A_134, %add3A_135 : vector<512x512xf32>
    %get3A_137 = arith.constant 0 : index
    %get3A_138 = arith.constant 0 : index
    %get3A_139 = vector.load %arg8[%get3A_137, %get3A_138] : memref<512x1536xf32, #tpu.memory_space<vmem>>, vector<512x1536xf32>
    %get3A_140 = arith.constant 0 : index
    %get3A_141 = arith.constant 0 : index
    %get3A_142 = vector.load %arg9[%get3A_140, %get3A_141] : memref<1x512xf32, #tpu.memory_space<vmem>>, vector<1x512xf32>
    %get3A_143 = arith.constant 0 : index
    %get3A_144 = arith.constant 0 : index
    %get3A_145 = vector.load %arg10[%get3A_143, %get3A_144] : memref<512x512xf32, #tpu.memory_space<vmem>>, vector<512x512xf32>
    %get3A_146 = arith.constant 0 : index
    %get3A_147 = arith.constant 0 : index
    %get3A_148 = vector.load %arg11[%get3A_146, %get3A_147] : memref<1x512xf32, #tpu.memory_space<vmem>>, vector<1x512xf32>
    %max3A_149 = arith.constant 0.000000e+00 : f32
    %max3A_150 = vector.broadcast %max3A_149 : f32 to vector<512x512xf32>
    %max3A_151 = arith.maximumf %add3A_136, %max3A_150 : vector<512x512xf32>
    %broadcast_in_dim3A_152 = arith.constant 0.000000e+00 : f32
    %broadcast_in_dim3A_153 = vector.broadcast %broadcast_in_dim3A_152 : f32 to vector<3x512xf32>
    %slice3A_154 = vector.extract_strided_slice %max3A_151 {offsets = [0, 0], sizes = [509, 512], strides = [1, 1]} : vector<512x512xf32> to vector<509x512xf32>
    %concatenate3A_155 = tpu.concatenate %broadcast_in_dim3A_153, %slice3A_154 in 0 : vector<3x512xf32>, vector<509x512xf32> -> vector<512x512xf32>
    %iota3A_156 = tpu.iota {dimensions = array<i32: 0>} : vector<512x1xi32>
    %and3A_157 = arith.constant 15 : i32
    %and3A_158 = vector.broadcast %and3A_157 : i32 to vector<512x1xi32>
    %and3A_159 = arith.andi %iota3A_156, %and3A_158 : vector<512x1xi32>
    %add3A_160 = arith.constant -3 : i32
    %add3A_161 = vector.broadcast %add3A_160 : i32 to vector<512x1xi32>
    %add3A_162 = arith.addi %and3A_159, %add3A_161 : vector<512x1xi32>
    %ge3A_163 = arith.constant 0 : i32
    %ge3A_164 = vector.broadcast %ge3A_163 : i32 to vector<512x1xi32>
    %ge3A_165 = arith.cmpi sge, %add3A_162, %ge3A_164 : vector<512x1xi32>
    %add3A_166 = arith.constant -3 : i32
    %add3A_167 = vector.broadcast %add3A_166 : i32 to vector<512x1xi32>
    %add3A_168 = arith.addi %and3A_159, %add3A_167 : vector<512x1xi32>
    %lt3A_169 = arith.constant 16 : i32
    %lt3A_170 = vector.broadcast %lt3A_169 : i32 to vector<512x1xi32>
    %lt3A_171 = arith.cmpi slt, %add3A_168, %lt3A_170 : vector<512x1xi32>
    %and3A_172 = arith.andi %ge3A_165, %lt3A_171 : vector<512x1xi1>
    %broadcast_in_dim3A_173 = arith.constant 0.000000e+00 : f32
    %broadcast_in_dim3A_174 = vector.broadcast %broadcast_in_dim3A_173 : f32 to vector<512x512xf32>
    %broadcast_in_dim3A_175 = vector.shape_cast %and3A_172 : vector<512x1xi1> to vector<512x1xi1>
    %broadcast_in_dim3A_176 = vector.broadcast %broadcast_in_dim3A_175 : vector<512x1xi1> to vector<512x512xi1>
    %select_n3A_177 = arith.select %broadcast_in_dim3A_176, %concatenate3A_155, %broadcast_in_dim3A_174 : vector<512x512xi1>, vector<512x512xf32>
    %broadcast_in_dim3A_178 = arith.constant 0.000000e+00 : f32
    %broadcast_in_dim3A_179 = vector.broadcast %broadcast_in_dim3A_178 : f32 to vector<3x512xf32>
    %slice3A_180 = vector.extract_strided_slice %max3A_151 {offsets = [3, 0], sizes = [509, 512], strides = [1, 1]} : vector<512x512xf32> to vector<509x512xf32>
    %concatenate3A_181 = tpu.concatenate %slice3A_180, %broadcast_in_dim3A_179 in 0 : vector<509x512xf32>, vector<3x512xf32> -> vector<512x512xf32>
    %iota3A_182 = tpu.iota {dimensions = array<i32: 0>} : vector<512x1xi32>
    %and3A_183 = arith.constant 15 : i32
    %and3A_184 = vector.broadcast %and3A_183 : i32 to vector<512x1xi32>
    %and3A_185 = arith.andi %iota3A_182, %and3A_184 : vector<512x1xi32>
    %add3A_186 = arith.constant 3 : i32
    %add3A_187 = vector.broadcast %add3A_186 : i32 to vector<512x1xi32>
    %add3A_188 = arith.addi %and3A_185, %add3A_187 : vector<512x1xi32>
    %ge3A_189 = arith.constant 0 : i32
    %ge3A_190 = vector.broadcast %ge3A_189 : i32 to vector<512x1xi32>
    %ge3A_191 = arith.cmpi sge, %add3A_188, %ge3A_190 : vector<512x1xi32>
    %add3A_192 = arith.constant 3 : i32
    %add3A_193 = vector.broadcast %add3A_192 : i32 to vector<512x1xi32>
    %add3A_194 = arith.addi %and3A_185, %add3A_193 : vector<512x1xi32>
    %lt3A_195 = arith.constant 16 : i32
    %lt3A_196 = vector.broadcast %lt3A_195 : i32 to vector<512x1xi32>
    %lt3A_197 = arith.cmpi slt, %add3A_194, %lt3A_196 : vector<512x1xi32>
    %and3A_198 = arith.andi %ge3A_191, %lt3A_197 : vector<512x1xi1>
    %broadcast_in_dim3A_199 = arith.constant 0.000000e+00 : f32
    %broadcast_in_dim3A_200 = vector.broadcast %broadcast_in_dim3A_199 : f32 to vector<512x512xf32>
    %broadcast_in_dim3A_201 = vector.shape_cast %and3A_198 : vector<512x1xi1> to vector<512x1xi1>
    %broadcast_in_dim3A_202 = vector.broadcast %broadcast_in_dim3A_201 : vector<512x1xi1> to vector<512x512xi1>
    %select_n3A_203 = arith.select %broadcast_in_dim3A_202, %concatenate3A_181, %broadcast_in_dim3A_200 : vector<512x512xi1>, vector<512x512xf32>
    %concatenate3A_204 = tpu.concatenate %select_n3A_177, %max3A_151, %select_n3A_203 in 1 : vector<512x512xf32>, vector<512x512xf32>, vector<512x512xf32> -> vector<512x1536xf32>
    %dot_general3A_205 = arith.constant dense<0.000000e+00> : vector<512x512xf32>
    %dot_general3A_206 = tpu.matmul %concatenate3A_204, %get3A_139, %dot_general3A_205 {dimension_numbers = #tpu.dot_dimension_numbers<[1], [1], [0], [0], [0, 0, 1, 0], [], []>, transpose_lhs_hint = false} : vector<512x1536xf32>, vector<512x1536xf32>, vector<512x512xf32> -> vector<512x512xf32>
    %add3A_207 = vector.broadcast %get3A_142 : vector<1x512xf32> to vector<512x512xf32>
    %add3A_208 = arith.addf %dot_general3A_206, %add3A_207 : vector<512x512xf32>
    %max3A_209 = arith.constant 0.000000e+00 : f32
    %max3A_210 = vector.broadcast %max3A_209 : f32 to vector<512x512xf32>
    %max3A_211 = arith.maximumf %add3A_208, %max3A_210 : vector<512x512xf32>
    %dot_general3A_212 = arith.constant dense<0.000000e+00> : vector<512x512xf32>
    %dot_general3A_213 = tpu.matmul %max3A_211, %get3A_145, %dot_general3A_212 {dimension_numbers = #tpu.dot_dimension_numbers<[1], [1], [0], [0], [0, 0, 1, 0], [], []>, transpose_lhs_hint = false} : vector<512x512xf32>, vector<512x512xf32>, vector<512x512xf32> -> vector<512x512xf32>
    %add3A_214 = arith.addf %add3A_136, %dot_general3A_213 : vector<512x512xf32>
    %add3A_215 = vector.broadcast %get3A_148 : vector<1x512xf32> to vector<512x512xf32>
    %add3A_216 = arith.addf %add3A_214, %add3A_215 : vector<512x512xf32>
    %get3A_217 = arith.constant 0 : index
    %get3A_218 = arith.constant 0 : index
    %get3A_219 = vector.load %arg12[%get3A_217, %get3A_218] : memref<512x1536xf32, #tpu.memory_space<vmem>>, vector<512x1536xf32>
    %get3A_220 = arith.constant 0 : index
    %get3A_221 = arith.constant 0 : index
    %get3A_222 = vector.load %arg13[%get3A_220, %get3A_221] : memref<1x512xf32, #tpu.memory_space<vmem>>, vector<1x512xf32>
    %get3A_223 = arith.constant 0 : index
    %get3A_224 = arith.constant 0 : index
    %get3A_225 = vector.load %arg14[%get3A_223, %get3A_224] : memref<512x512xf32, #tpu.memory_space<vmem>>, vector<512x512xf32>
    %get3A_226 = arith.constant 0 : index
    %get3A_227 = arith.constant 0 : index
    %get3A_228 = vector.load %arg15[%get3A_226, %get3A_227] : memref<1x512xf32, #tpu.memory_space<vmem>>, vector<1x512xf32>
    %max3A_229 = arith.constant 0.000000e+00 : f32
    %max3A_230 = vector.broadcast %max3A_229 : f32 to vector<512x512xf32>
    %max3A_231 = arith.maximumf %add3A_216, %max3A_230 : vector<512x512xf32>
    %broadcast_in_dim3A_232 = arith.constant 0.000000e+00 : f32
    %broadcast_in_dim3A_233 = vector.broadcast %broadcast_in_dim3A_232 : f32 to vector<9x512xf32>
    %slice3A_234 = vector.extract_strided_slice %max3A_231 {offsets = [0, 0], sizes = [503, 512], strides = [1, 1]} : vector<512x512xf32> to vector<503x512xf32>
    %concatenate3A_235 = tpu.concatenate %broadcast_in_dim3A_233, %slice3A_234 in 0 : vector<9x512xf32>, vector<503x512xf32> -> vector<512x512xf32>
    %iota3A_236 = tpu.iota {dimensions = array<i32: 0>} : vector<512x1xi32>
    %and3A_237 = arith.constant 15 : i32
    %and3A_238 = vector.broadcast %and3A_237 : i32 to vector<512x1xi32>
    %and3A_239 = arith.andi %iota3A_236, %and3A_238 : vector<512x1xi32>
    %add3A_240 = arith.constant -9 : i32
    %add3A_241 = vector.broadcast %add3A_240 : i32 to vector<512x1xi32>
    %add3A_242 = arith.addi %and3A_239, %add3A_241 : vector<512x1xi32>
    %ge3A_243 = arith.constant 0 : i32
    %ge3A_244 = vector.broadcast %ge3A_243 : i32 to vector<512x1xi32>
    %ge3A_245 = arith.cmpi sge, %add3A_242, %ge3A_244 : vector<512x1xi32>
    %add3A_246 = arith.constant -9 : i32
    %add3A_247 = vector.broadcast %add3A_246 : i32 to vector<512x1xi32>
    %add3A_248 = arith.addi %and3A_239, %add3A_247 : vector<512x1xi32>
    %lt3A_249 = arith.constant 16 : i32
    %lt3A_250 = vector.broadcast %lt3A_249 : i32 to vector<512x1xi32>
    %lt3A_251 = arith.cmpi slt, %add3A_248, %lt3A_250 : vector<512x1xi32>
    %and3A_252 = arith.andi %ge3A_245, %lt3A_251 : vector<512x1xi1>
    %broadcast_in_dim3A_253 = arith.constant 0.000000e+00 : f32
    %broadcast_in_dim3A_254 = vector.broadcast %broadcast_in_dim3A_253 : f32 to vector<512x512xf32>
    %broadcast_in_dim3A_255 = vector.shape_cast %and3A_252 : vector<512x1xi1> to vector<512x1xi1>
    %broadcast_in_dim3A_256 = vector.broadcast %broadcast_in_dim3A_255 : vector<512x1xi1> to vector<512x512xi1>
    %select_n3A_257 = arith.select %broadcast_in_dim3A_256, %concatenate3A_235, %broadcast_in_dim3A_254 : vector<512x512xi1>, vector<512x512xf32>
    %broadcast_in_dim3A_258 = arith.constant 0.000000e+00 : f32
    %broadcast_in_dim3A_259 = vector.broadcast %broadcast_in_dim3A_258 : f32 to vector<9x512xf32>
    %slice3A_260 = vector.extract_strided_slice %max3A_231 {offsets = [9, 0], sizes = [503, 512], strides = [1, 1]} : vector<512x512xf32> to vector<503x512xf32>
    %concatenate3A_261 = tpu.concatenate %slice3A_260, %broadcast_in_dim3A_259 in 0 : vector<503x512xf32>, vector<9x512xf32> -> vector<512x512xf32>
    %iota3A_262 = tpu.iota {dimensions = array<i32: 0>} : vector<512x1xi32>
    %and3A_263 = arith.constant 15 : i32
    %and3A_264 = vector.broadcast %and3A_263 : i32 to vector<512x1xi32>
    %and3A_265 = arith.andi %iota3A_262, %and3A_264 : vector<512x1xi32>
    %add3A_266 = arith.constant 9 : i32
    %add3A_267 = vector.broadcast %add3A_266 : i32 to vector<512x1xi32>
    %add3A_268 = arith.addi %and3A_265, %add3A_267 : vector<512x1xi32>
    %ge3A_269 = arith.constant 0 : i32
    %ge3A_270 = vector.broadcast %ge3A_269 : i32 to vector<512x1xi32>
    %ge3A_271 = arith.cmpi sge, %add3A_268, %ge3A_270 : vector<512x1xi32>
    %add3A_272 = arith.constant 9 : i32
    %add3A_273 = vector.broadcast %add3A_272 : i32 to vector<512x1xi32>
    %add3A_274 = arith.addi %and3A_265, %add3A_273 : vector<512x1xi32>
    %lt3A_275 = arith.constant 16 : i32
    %lt3A_276 = vector.broadcast %lt3A_275 : i32 to vector<512x1xi32>
    %lt3A_277 = arith.cmpi slt, %add3A_274, %lt3A_276 : vector<512x1xi32>
    %and3A_278 = arith.andi %ge3A_271, %lt3A_277 : vector<512x1xi1>
    %broadcast_in_dim3A_279 = arith.constant 0.000000e+00 : f32
    %broadcast_in_dim3A_280 = vector.broadcast %broadcast_in_dim3A_279 : f32 to vector<512x512xf32>
    %broadcast_in_dim3A_281 = vector.shape_cast %and3A_278 : vector<512x1xi1> to vector<512x1xi1>
    %broadcast_in_dim3A_282 = vector.broadcast %broadcast_in_dim3A_281 : vector<512x1xi1> to vector<512x512xi1>
    %select_n3A_283 = arith.select %broadcast_in_dim3A_282, %concatenate3A_261, %broadcast_in_dim3A_280 : vector<512x512xi1>, vector<512x512xf32>
    %concatenate3A_284 = tpu.concatenate %select_n3A_257, %max3A_231, %select_n3A_283 in 1 : vector<512x512xf32>, vector<512x512xf32>, vector<512x512xf32> -> vector<512x1536xf32>
    %dot_general3A_285 = arith.constant dense<0.000000e+00> : vector<512x512xf32>
    %dot_general3A_286 = tpu.matmul %concatenate3A_284, %get3A_219, %dot_general3A_285 {dimension_numbers = #tpu.dot_dimension_numbers<[1], [1], [0], [0], [0, 0, 1, 0], [], []>, transpose_lhs_hint = false} : vector<512x1536xf32>, vector<512x1536xf32>, vector<512x512xf32> -> vector<512x512xf32>
    %add3A_287 = vector.broadcast %get3A_222 : vector<1x512xf32> to vector<512x512xf32>
    %add3A_288 = arith.addf %dot_general3A_286, %add3A_287 : vector<512x512xf32>
    %max3A_289 = arith.constant 0.000000e+00 : f32
    %max3A_290 = vector.broadcast %max3A_289 : f32 to vector<512x512xf32>
    %max3A_291 = arith.maximumf %add3A_288, %max3A_290 : vector<512x512xf32>
    %dot_general3A_292 = arith.constant dense<0.000000e+00> : vector<512x512xf32>
    %dot_general3A_293 = tpu.matmul %max3A_291, %get3A_225, %dot_general3A_292 {dimension_numbers = #tpu.dot_dimension_numbers<[1], [1], [0], [0], [0, 0, 1, 0], [], []>, transpose_lhs_hint = false} : vector<512x512xf32>, vector<512x512xf32>, vector<512x512xf32> -> vector<512x512xf32>
    %add3A_294 = arith.addf %add3A_216, %dot_general3A_293 : vector<512x512xf32>
    %add3A_295 = vector.broadcast %get3A_228 : vector<1x512xf32> to vector<512x512xf32>
    %add3A_296 = arith.addf %add3A_294, %add3A_295 : vector<512x512xf32>
    %swap3A = arith.constant 0 : index
    %swap3A_297 = arith.constant 0 : index
    %swap3A_298 = vector.load %arg16[%swap3A, %swap3A_297] : memref<512x512xf32, #tpu.memory_space<vmem>>, vector<512x512xf32>
    tpu.vector_store %arg16[%swap3A, %swap3A_297], %add3A_296 {strides = array<i32>} : memref<512x512xf32, #tpu.memory_space<vmem>>, vector<512x512xf32>,
    return
  }
}

module attributes {stable_mosaic.version = 14 : i64} {
  func.func @body(%arg0: memref<256x512xf32, #tpu.memory_space<vmem>>, %arg1: memref<256x512xf32, #tpu.memory_space<vmem>>, %arg2: memref<512x2048xf32, #tpu.memory_space<vmem>>, %arg3: memref<1x512xf32, #tpu.memory_space<vmem>>, %arg4: memref<512x1536xf32, #tpu.memory_space<vmem>>, %arg5: memref<1x512xf32, #tpu.memory_space<vmem>>, %arg6: memref<512x512xf32, #tpu.memory_space<vmem>>, %arg7: memref<1x512xf32, #tpu.memory_space<vmem>>, %arg8: memref<512x1536xf32, #tpu.memory_space<vmem>>, %arg9: memref<1x512xf32, #tpu.memory_space<vmem>>, %arg10: memref<512x512xf32, #tpu.memory_space<vmem>>, %arg11: memref<1x512xf32, #tpu.memory_space<vmem>>, %arg12: memref<512x1536xf32, #tpu.memory_space<vmem>>, %arg13: memref<1x512xf32, #tpu.memory_space<vmem>>, %arg14: memref<512x512xf32, #tpu.memory_space<vmem>>, %arg15: memref<1x512xf32, #tpu.memory_space<vmem>>, %arg16: memref<64x1536xf32, #tpu.memory_space<vmem>>, %arg17: memref<1x64xf32, #tpu.memory_space<vmem>>, %arg18: memref<64x8192xf32, #tpu.memory_space<vmem>>, %arg19: memref<256x1xi32, #tpu.memory_space<vmem>>, %arg20: memref<1x1xf32, #tpu.memory_space<vmem>>, %arg21: memref<1x1xf32, #tpu.memory_space<vmem>>) attributes {dimension_semantics = [], scalar_prefetch = 0 : i64, scratch_operands = 0 : i64, tpu.core_type = #tpu.core_type<tc>} {
    %get3A = arith.constant 0 : index
    %get3A_0 = arith.constant 0 : index
    %get3A_1 = vector.load %arg0[%get3A, %get3A_0] : memref<256x512xf32, #tpu.memory_space<vmem>>, vector<256x512xf32>
    %get3A_2 = arith.constant 0 : index
    %get3A_3 = arith.constant 0 : index
    %get3A_4 = vector.load %arg1[%get3A_2, %get3A_3] : memref<256x512xf32, #tpu.memory_space<vmem>>, vector<256x512xf32>
    %get3A_5 = arith.constant 0 : index
    %get3A_6 = arith.constant 0 : index
    %get3A_7 = vector.load %arg2[%get3A_5, %get3A_6] : memref<512x2048xf32, #tpu.memory_space<vmem>>, vector<512x2048xf32>
    %get3A_8 = arith.constant 0 : index
    %get3A_9 = arith.constant 0 : index
    %get3A_10 = vector.load %arg3[%get3A_8, %get3A_9] : memref<1x512xf32, #tpu.memory_space<vmem>>, vector<1x512xf32>
    %broadcast_in_dim3A = arith.constant 0.000000e+00 : f32
    %broadcast_in_dim3A_11 = vector.broadcast %broadcast_in_dim3A : f32 to vector<1x512xf32>
    %slice3A = vector.extract_strided_slice %get3A_4 {offsets = [0, 0], sizes = [255, 512], strides = [1, 1]} : vector<256x512xf32> to vector<255x512xf32>
    %concatenate3A = tpu.concatenate %broadcast_in_dim3A_11, %slice3A in 0 : vector<1x512xf32>, vector<255x512xf32> -> vector<256x512xf32>
    %iota3A = tpu.iota {dimensions = array<i32: 0>} : vector<256x1xi32>
    %and3A = arith.constant 7 : i32
    %and3A_12 = vector.broadcast %and3A : i32 to vector<256x1xi32>
    %and3A_13 = arith.andi %iota3A, %and3A_12 : vector<256x1xi32>
    %add3A = arith.constant -1 : i32
    %add3A_14 = vector.broadcast %add3A : i32 to vector<256x1xi32>
    %add3A_15 = arith.addi %and3A_13, %add3A_14 : vector<256x1xi32>
    %ge3A = arith.constant 0 : i32
    %ge3A_16 = vector.broadcast %ge3A : i32 to vector<256x1xi32>
    %ge3A_17 = arith.cmpi sge, %add3A_15, %ge3A_16 : vector<256x1xi32>
    %add3A_18 = arith.constant -1 : i32
    %add3A_19 = vector.broadcast %add3A_18 : i32 to vector<256x1xi32>
    %add3A_20 = arith.addi %and3A_13, %add3A_19 : vector<256x1xi32>
    %lt3A = arith.constant 8 : i32
    %lt3A_21 = vector.broadcast %lt3A : i32 to vector<256x1xi32>
    %lt3A_22 = arith.cmpi slt, %add3A_20, %lt3A_21 : vector<256x1xi32>
    %and3A_23 = arith.andi %ge3A_17, %lt3A_22 : vector<256x1xi1>
    %broadcast_in_dim3A_24 = arith.constant 0.000000e+00 : f32
    %broadcast_in_dim3A_25 = vector.broadcast %broadcast_in_dim3A_24 : f32 to vector<256x512xf32>
    %broadcast_in_dim3A_26 = vector.shape_cast %and3A_23 : vector<256x1xi1> to vector<256x1xi1>
    %broadcast_in_dim3A_27 = vector.broadcast %broadcast_in_dim3A_26 : vector<256x1xi1> to vector<256x512xi1>
    %select_n3A = arith.select %broadcast_in_dim3A_27, %concatenate3A, %broadcast_in_dim3A_25 : vector<256x512xi1>, vector<256x512xf32>
    %broadcast_in_dim3A_28 = arith.constant 0.000000e+00 : f32
    %broadcast_in_dim3A_29 = vector.broadcast %broadcast_in_dim3A_28 : f32 to vector<1x512xf32>
    %slice3A_30 = vector.extract_strided_slice %get3A_1 {offsets = [1, 0], sizes = [255, 512], strides = [1, 1]} : vector<256x512xf32> to vector<255x512xf32>
    %concatenate3A_31 = tpu.concatenate %slice3A_30, %broadcast_in_dim3A_29 in 0 : vector<255x512xf32>, vector<1x512xf32> -> vector<256x512xf32>
    %iota3A_32 = tpu.iota {dimensions = array<i32: 0>} : vector<256x1xi32>
    %and3A_33 = arith.constant 7 : i32
    %and3A_34 = vector.broadcast %and3A_33 : i32 to vector<256x1xi32>
    %and3A_35 = arith.andi %iota3A_32, %and3A_34 : vector<256x1xi32>
    %add3A_36 = arith.constant 1 : i32
    %add3A_37 = vector.broadcast %add3A_36 : i32 to vector<256x1xi32>
    %add3A_38 = arith.addi %and3A_35, %add3A_37 : vector<256x1xi32>
    %ge3A_39 = arith.constant 0 : i32
    %ge3A_40 = vector.broadcast %ge3A_39 : i32 to vector<256x1xi32>
    %ge3A_41 = arith.cmpi sge, %add3A_38, %ge3A_40 : vector<256x1xi32>
    %add3A_42 = arith.constant 1 : i32
    %add3A_43 = vector.broadcast %add3A_42 : i32 to vector<256x1xi32>
    %add3A_44 = arith.addi %and3A_35, %add3A_43 : vector<256x1xi32>
    %lt3A_45 = arith.constant 8 : i32
    %lt3A_46 = vector.broadcast %lt3A_45 : i32 to vector<256x1xi32>
    %lt3A_47 = arith.cmpi slt, %add3A_44, %lt3A_46 : vector<256x1xi32>
    %and3A_48 = arith.andi %ge3A_41, %lt3A_47 : vector<256x1xi1>
    %broadcast_in_dim3A_49 = arith.constant 0.000000e+00 : f32
    %broadcast_in_dim3A_50 = vector.broadcast %broadcast_in_dim3A_49 : f32 to vector<256x512xf32>
    %broadcast_in_dim3A_51 = vector.shape_cast %and3A_48 : vector<256x1xi1> to vector<256x1xi1>
    %broadcast_in_dim3A_52 = vector.broadcast %broadcast_in_dim3A_51 : vector<256x1xi1> to vector<256x512xi1>
    %select_n3A_53 = arith.select %broadcast_in_dim3A_52, %concatenate3A_31, %broadcast_in_dim3A_50 : vector<256x512xi1>, vector<256x512xf32>
    %concatenate3A_54 = tpu.concatenate %select_n3A, %get3A_1, %get3A_4, %select_n3A_53 in 1 : vector<256x512xf32>, vector<256x512xf32>, vector<256x512xf32>, vector<256x512xf32> -> vector<256x2048xf32>
    %dot_general3A = arith.constant dense<0.000000e+00> : vector<256x512xf32>
    %dot_general3A_55 = tpu.matmul %concatenate3A_54, %get3A_7, %dot_general3A {dimension_numbers = #tpu.dot_dimension_numbers<[1], [1], [0], [0], [0, 0, 1, 0], [], []>, transpose_lhs_hint = false} : vector<256x2048xf32>, vector<512x2048xf32>, vector<256x512xf32> -> vector<256x512xf32>
    %add3A_56 = vector.broadcast %get3A_10 : vector<1x512xf32> to vector<256x512xf32>
    %add3A_57 = arith.addf %dot_general3A_55, %add3A_56 : vector<256x512xf32>
    %get3A_58 = arith.constant 0 : index
    %get3A_59 = arith.constant 0 : index
    %get3A_60 = vector.load %arg4[%get3A_58, %get3A_59] : memref<512x1536xf32, #tpu.memory_space<vmem>>, vector<512x1536xf32>
    %get3A_61 = arith.constant 0 : index
    %get3A_62 = arith.constant 0 : index
    %get3A_63 = vector.load %arg5[%get3A_61, %get3A_62] : memref<1x512xf32, #tpu.memory_space<vmem>>, vector<1x512xf32>
    %get3A_64 = arith.constant 0 : index
    %get3A_65 = arith.constant 0 : index
    %get3A_66 = vector.load %arg6[%get3A_64, %get3A_65] : memref<512x512xf32, #tpu.memory_space<vmem>>, vector<512x512xf32>
    %get3A_67 = arith.constant 0 : index
    %get3A_68 = arith.constant 0 : index
    %get3A_69 = vector.load %arg7[%get3A_67, %get3A_68] : memref<1x512xf32, #tpu.memory_space<vmem>>, vector<1x512xf32>
    %max3A = arith.constant 0.000000e+00 : f32
    %max3A_70 = vector.broadcast %max3A : f32 to vector<256x512xf32>
    %max3A_71 = arith.maximumf %add3A_57, %max3A_70 : vector<256x512xf32>
    %broadcast_in_dim3A_72 = arith.constant 0.000000e+00 : f32
    %broadcast_in_dim3A_73 = vector.broadcast %broadcast_in_dim3A_72 : f32 to vector<1x512xf32>
    %slice3A_74 = vector.extract_strided_slice %max3A_71 {offsets = [0, 0], sizes = [255, 512], strides = [1, 1]} : vector<256x512xf32> to vector<255x512xf32>
    %concatenate3A_75 = tpu.concatenate %broadcast_in_dim3A_73, %slice3A_74 in 0 : vector<1x512xf32>, vector<255x512xf32> -> vector<256x512xf32>
    %iota3A_76 = tpu.iota {dimensions = array<i32: 0>} : vector<256x1xi32>
    %and3A_77 = arith.constant 7 : i32
    %and3A_78 = vector.broadcast %and3A_77 : i32 to vector<256x1xi32>
    %and3A_79 = arith.andi %iota3A_76, %and3A_78 : vector<256x1xi32>
    %add3A_80 = arith.constant -1 : i32
    %add3A_81 = vector.broadcast %add3A_80 : i32 to vector<256x1xi32>
    %add3A_82 = arith.addi %and3A_79, %add3A_81 : vector<256x1xi32>
    %ge3A_83 = arith.constant 0 : i32
    %ge3A_84 = vector.broadcast %ge3A_83 : i32 to vector<256x1xi32>
    %ge3A_85 = arith.cmpi sge, %add3A_82, %ge3A_84 : vector<256x1xi32>
    %add3A_86 = arith.constant -1 : i32
    %add3A_87 = vector.broadcast %add3A_86 : i32 to vector<256x1xi32>
    %add3A_88 = arith.addi %and3A_79, %add3A_87 : vector<256x1xi32>
    %lt3A_89 = arith.constant 8 : i32
    %lt3A_90 = vector.broadcast %lt3A_89 : i32 to vector<256x1xi32>
    %lt3A_91 = arith.cmpi slt, %add3A_88, %lt3A_90 : vector<256x1xi32>
    %and3A_92 = arith.andi %ge3A_85, %lt3A_91 : vector<256x1xi1>
    %broadcast_in_dim3A_93 = arith.constant 0.000000e+00 : f32
    %broadcast_in_dim3A_94 = vector.broadcast %broadcast_in_dim3A_93 : f32 to vector<256x512xf32>
    %broadcast_in_dim3A_95 = vector.shape_cast %and3A_92 : vector<256x1xi1> to vector<256x1xi1>
    %broadcast_in_dim3A_96 = vector.broadcast %broadcast_in_dim3A_95 : vector<256x1xi1> to vector<256x512xi1>
    %select_n3A_97 = arith.select %broadcast_in_dim3A_96, %concatenate3A_75, %broadcast_in_dim3A_94 : vector<256x512xi1>, vector<256x512xf32>
    %broadcast_in_dim3A_98 = arith.constant 0.000000e+00 : f32
    %broadcast_in_dim3A_99 = vector.broadcast %broadcast_in_dim3A_98 : f32 to vector<1x512xf32>
    %slice3A_100 = vector.extract_strided_slice %max3A_71 {offsets = [1, 0], sizes = [255, 512], strides = [1, 1]} : vector<256x512xf32> to vector<255x512xf32>
    %concatenate3A_101 = tpu.concatenate %slice3A_100, %broadcast_in_dim3A_99 in 0 : vector<255x512xf32>, vector<1x512xf32> -> vector<256x512xf32>
    %iota3A_102 = tpu.iota {dimensions = array<i32: 0>} : vector<256x1xi32>
    %and3A_103 = arith.constant 7 : i32
    %and3A_104 = vector.broadcast %and3A_103 : i32 to vector<256x1xi32>
    %and3A_105 = arith.andi %iota3A_102, %and3A_104 : vector<256x1xi32>
    %add3A_106 = arith.constant 1 : i32
    %add3A_107 = vector.broadcast %add3A_106 : i32 to vector<256x1xi32>
    %add3A_108 = arith.addi %and3A_105, %add3A_107 : vector<256x1xi32>
    %ge3A_109 = arith.constant 0 : i32
    %ge3A_110 = vector.broadcast %ge3A_109 : i32 to vector<256x1xi32>
    %ge3A_111 = arith.cmpi sge, %add3A_108, %ge3A_110 : vector<256x1xi32>
    %add3A_112 = arith.constant 1 : i32
    %add3A_113 = vector.broadcast %add3A_112 : i32 to vector<256x1xi32>
    %add3A_114 = arith.addi %and3A_105, %add3A_113 : vector<256x1xi32>
    %lt3A_115 = arith.constant 8 : i32
    %lt3A_116 = vector.broadcast %lt3A_115 : i32 to vector<256x1xi32>
    %lt3A_117 = arith.cmpi slt, %add3A_114, %lt3A_116 : vector<256x1xi32>
    %and3A_118 = arith.andi %ge3A_111, %lt3A_117 : vector<256x1xi1>
    %broadcast_in_dim3A_119 = arith.constant 0.000000e+00 : f32
    %broadcast_in_dim3A_120 = vector.broadcast %broadcast_in_dim3A_119 : f32 to vector<256x512xf32>
    %broadcast_in_dim3A_121 = vector.shape_cast %and3A_118 : vector<256x1xi1> to vector<256x1xi1>
    %broadcast_in_dim3A_122 = vector.broadcast %broadcast_in_dim3A_121 : vector<256x1xi1> to vector<256x512xi1>
    %select_n3A_123 = arith.select %broadcast_in_dim3A_122, %concatenate3A_101, %broadcast_in_dim3A_120 : vector<256x512xi1>, vector<256x512xf32>
    %concatenate3A_124 = tpu.concatenate %select_n3A_97, %max3A_71, %select_n3A_123 in 1 : vector<256x512xf32>, vector<256x512xf32>, vector<256x512xf32> -> vector<256x1536xf32>
    %dot_general3A_125 = arith.constant dense<0.000000e+00> : vector<256x512xf32>
    %dot_general3A_126 = tpu.matmul %concatenate3A_124, %get3A_60, %dot_general3A_125 {dimension_numbers = #tpu.dot_dimension_numbers<[1], [1], [0], [0], [0, 0, 1, 0], [], []>, transpose_lhs_hint = false} : vector<256x1536xf32>, vector<512x1536xf32>, vector<256x512xf32> -> vector<256x512xf32>
    %add3A_127 = vector.broadcast %get3A_63 : vector<1x512xf32> to vector<256x512xf32>
    %add3A_128 = arith.addf %dot_general3A_126, %add3A_127 : vector<256x512xf32>
    %max3A_129 = arith.constant 0.000000e+00 : f32
    %max3A_130 = vector.broadcast %max3A_129 : f32 to vector<256x512xf32>
    %max3A_131 = arith.maximumf %add3A_128, %max3A_130 : vector<256x512xf32>
    %dot_general3A_132 = arith.constant dense<0.000000e+00> : vector<256x512xf32>
    %dot_general3A_133 = tpu.matmul %max3A_131, %get3A_66, %dot_general3A_132 {dimension_numbers = #tpu.dot_dimension_numbers<[1], [1], [0], [0], [0, 0, 1, 0], [], []>, transpose_lhs_hint = false} : vector<256x512xf32>, vector<512x512xf32>, vector<256x512xf32> -> vector<256x512xf32>
    %add3A_134 = arith.addf %add3A_57, %dot_general3A_133 : vector<256x512xf32>
    %add3A_135 = vector.broadcast %get3A_69 : vector<1x512xf32> to vector<256x512xf32>
    %add3A_136 = arith.addf %add3A_134, %add3A_135 : vector<256x512xf32>
    %get3A_137 = arith.constant 0 : index
    %get3A_138 = arith.constant 0 : index
    %get3A_139 = vector.load %arg8[%get3A_137, %get3A_138] : memref<512x1536xf32, #tpu.memory_space<vmem>>, vector<512x1536xf32>
    %get3A_140 = arith.constant 0 : index
    %get3A_141 = arith.constant 0 : index
    %get3A_142 = vector.load %arg9[%get3A_140, %get3A_141] : memref<1x512xf32, #tpu.memory_space<vmem>>, vector<1x512xf32>
    %get3A_143 = arith.constant 0 : index
    %get3A_144 = arith.constant 0 : index
    %get3A_145 = vector.load %arg10[%get3A_143, %get3A_144] : memref<512x512xf32, #tpu.memory_space<vmem>>, vector<512x512xf32>
    %get3A_146 = arith.constant 0 : index
    %get3A_147 = arith.constant 0 : index
    %get3A_148 = vector.load %arg11[%get3A_146, %get3A_147] : memref<1x512xf32, #tpu.memory_space<vmem>>, vector<1x512xf32>
    %max3A_149 = arith.constant 0.000000e+00 : f32
    %max3A_150 = vector.broadcast %max3A_149 : f32 to vector<256x512xf32>
    %max3A_151 = arith.maximumf %add3A_136, %max3A_150 : vector<256x512xf32>
    %broadcast_in_dim3A_152 = arith.constant 0.000000e+00 : f32
    %broadcast_in_dim3A_153 = vector.broadcast %broadcast_in_dim3A_152 : f32 to vector<3x512xf32>
    %slice3A_154 = vector.extract_strided_slice %max3A_151 {offsets = [0, 0], sizes = [253, 512], strides = [1, 1]} : vector<256x512xf32> to vector<253x512xf32>
    %concatenate3A_155 = tpu.concatenate %broadcast_in_dim3A_153, %slice3A_154 in 0 : vector<3x512xf32>, vector<253x512xf32> -> vector<256x512xf32>
    %iota3A_156 = tpu.iota {dimensions = array<i32: 0>} : vector<256x1xi32>
    %and3A_157 = arith.constant 7 : i32
    %and3A_158 = vector.broadcast %and3A_157 : i32 to vector<256x1xi32>
    %and3A_159 = arith.andi %iota3A_156, %and3A_158 : vector<256x1xi32>
    %add3A_160 = arith.constant -3 : i32
    %add3A_161 = vector.broadcast %add3A_160 : i32 to vector<256x1xi32>
    %add3A_162 = arith.addi %and3A_159, %add3A_161 : vector<256x1xi32>
    %ge3A_163 = arith.constant 0 : i32
    %ge3A_164 = vector.broadcast %ge3A_163 : i32 to vector<256x1xi32>
    %ge3A_165 = arith.cmpi sge, %add3A_162, %ge3A_164 : vector<256x1xi32>
    %add3A_166 = arith.constant -3 : i32
    %add3A_167 = vector.broadcast %add3A_166 : i32 to vector<256x1xi32>
    %add3A_168 = arith.addi %and3A_159, %add3A_167 : vector<256x1xi32>
    %lt3A_169 = arith.constant 8 : i32
    %lt3A_170 = vector.broadcast %lt3A_169 : i32 to vector<256x1xi32>
    %lt3A_171 = arith.cmpi slt, %add3A_168, %lt3A_170 : vector<256x1xi32>
    %and3A_172 = arith.andi %ge3A_165, %lt3A_171 : vector<256x1xi1>
    %broadcast_in_dim3A_173 = arith.constant 0.000000e+00 : f32
    %broadcast_in_dim3A_174 = vector.broadcast %broadcast_in_dim3A_173 : f32 to vector<256x512xf32>
    %broadcast_in_dim3A_175 = vector.shape_cast %and3A_172 : vector<256x1xi1> to vector<256x1xi1>
    %broadcast_in_dim3A_176 = vector.broadcast %broadcast_in_dim3A_175 : vector<256x1xi1> to vector<256x512xi1>
    %select_n3A_177 = arith.select %broadcast_in_dim3A_176, %concatenate3A_155, %broadcast_in_dim3A_174 : vector<256x512xi1>, vector<256x512xf32>
    %broadcast_in_dim3A_178 = arith.constant 0.000000e+00 : f32
    %broadcast_in_dim3A_179 = vector.broadcast %broadcast_in_dim3A_178 : f32 to vector<3x512xf32>
    %slice3A_180 = vector.extract_strided_slice %max3A_151 {offsets = [3, 0], sizes = [253, 512], strides = [1, 1]} : vector<256x512xf32> to vector<253x512xf32>
    %concatenate3A_181 = tpu.concatenate %slice3A_180, %broadcast_in_dim3A_179 in 0 : vector<253x512xf32>, vector<3x512xf32> -> vector<256x512xf32>
    %iota3A_182 = tpu.iota {dimensions = array<i32: 0>} : vector<256x1xi32>
    %and3A_183 = arith.constant 7 : i32
    %and3A_184 = vector.broadcast %and3A_183 : i32 to vector<256x1xi32>
    %and3A_185 = arith.andi %iota3A_182, %and3A_184 : vector<256x1xi32>
    %add3A_186 = arith.constant 3 : i32
    %add3A_187 = vector.broadcast %add3A_186 : i32 to vector<256x1xi32>
    %add3A_188 = arith.addi %and3A_185, %add3A_187 : vector<256x1xi32>
    %ge3A_189 = arith.constant 0 : i32
    %ge3A_190 = vector.broadcast %ge3A_189 : i32 to vector<256x1xi32>
    %ge3A_191 = arith.cmpi sge, %add3A_188, %ge3A_190 : vector<256x1xi32>
    %add3A_192 = arith.constant 3 : i32
    %add3A_193 = vector.broadcast %add3A_192 : i32 to vector<256x1xi32>
    %add3A_194 = arith.addi %and3A_185, %add3A_193 : vector<256x1xi32>
    %lt3A_195 = arith.constant 8 : i32
    %lt3A_196 = vector.broadcast %lt3A_195 : i32 to vector<256x1xi32>
    %lt3A_197 = arith.cmpi slt, %add3A_194, %lt3A_196 : vector<256x1xi32>
    %and3A_198 = arith.andi %ge3A_191, %lt3A_197 : vector<256x1xi1>
    %broadcast_in_dim3A_199 = arith.constant 0.000000e+00 : f32
    %broadcast_in_dim3A_200 = vector.broadcast %broadcast_in_dim3A_199 : f32 to vector<256x512xf32>
    %broadcast_in_dim3A_201 = vector.shape_cast %and3A_198 : vector<256x1xi1> to vector<256x1xi1>
    %broadcast_in_dim3A_202 = vector.broadcast %broadcast_in_dim3A_201 : vector<256x1xi1> to vector<256x512xi1>
    %select_n3A_203 = arith.select %broadcast_in_dim3A_202, %concatenate3A_181, %broadcast_in_dim3A_200 : vector<256x512xi1>, vector<256x512xf32>
    %concatenate3A_204 = tpu.concatenate %select_n3A_177, %max3A_151, %select_n3A_203 in 1 : vector<256x512xf32>, vector<256x512xf32>, vector<256x512xf32> -> vector<256x1536xf32>
    %dot_general3A_205 = arith.constant dense<0.000000e+00> : vector<256x512xf32>
    %dot_general3A_206 = tpu.matmul %concatenate3A_204, %get3A_139, %dot_general3A_205 {dimension_numbers = #tpu.dot_dimension_numbers<[1], [1], [0], [0], [0, 0, 1, 0], [], []>, transpose_lhs_hint = false} : vector<256x1536xf32>, vector<512x1536xf32>, vector<256x512xf32> -> vector<256x512xf32>
    %add3A_207 = vector.broadcast %get3A_142 : vector<1x512xf32> to vector<256x512xf32>
    %add3A_208 = arith.addf %dot_general3A_206, %add3A_207 : vector<256x512xf32>
    %max3A_209 = arith.constant 0.000000e+00 : f32
    %max3A_210 = vector.broadcast %max3A_209 : f32 to vector<256x512xf32>
    %max3A_211 = arith.maximumf %add3A_208, %max3A_210 : vector<256x512xf32>
    %dot_general3A_212 = arith.constant dense<0.000000e+00> : vector<256x512xf32>
    %dot_general3A_213 = tpu.matmul %max3A_211, %get3A_145, %dot_general3A_212 {dimension_numbers = #tpu.dot_dimension_numbers<[1], [1], [0], [0], [0, 0, 1, 0], [], []>, transpose_lhs_hint = false} : vector<256x512xf32>, vector<512x512xf32>, vector<256x512xf32> -> vector<256x512xf32>
    %add3A_214 = arith.addf %add3A_136, %dot_general3A_213 : vector<256x512xf32>
    %add3A_215 = vector.broadcast %get3A_148 : vector<1x512xf32> to vector<256x512xf32>
    %add3A_216 = arith.addf %add3A_214, %add3A_215 : vector<256x512xf32>
    %get3A_217 = arith.constant 0 : index
    %get3A_218 = arith.constant 0 : index
    %get3A_219 = vector.load %arg12[%get3A_217, %get3A_218] : memref<512x1536xf32, #tpu.memory_space<vmem>>, vector<512x1536xf32>
    %get3A_220 = arith.constant 0 : index
    %get3A_221 = arith.constant 0 : index
    %get3A_222 = vector.load %arg13[%get3A_220, %get3A_221] : memref<1x512xf32, #tpu.memory_space<vmem>>, vector<1x512xf32>
    %get3A_223 = arith.constant 0 : index
    %get3A_224 = arith.constant 0 : index
    %get3A_225 = vector.load %arg14[%get3A_223, %get3A_224] : memref<512x512xf32, #tpu.memory_space<vmem>>, vector<512x512xf32>
    %get3A_226 = arith.constant 0 : index
    %get3A_227 = arith.constant 0 : index
    %get3A_228 = vector.load %arg15[%get3A_226, %get3A_227] : memref<1x512xf32, #tpu.memory_space<vmem>>, vector<1x512xf32>
    %max3A_229 = arith.constant 0.000000e+00 : f32
    %max3A_230 = vector.broadcast %max3A_229 : f32 to vector<256x512xf32>
    %max3A_231 = arith.maximumf %add3A_216, %max3A_230 : vector<256x512xf32>
    %broadcast_in_dim3A_232 = arith.constant 0.000000e+00 : f32
    %broadcast_in_dim3A_233 = vector.broadcast %broadcast_in_dim3A_232 : f32 to vector<9x512xf32>
    %slice3A_234 = vector.extract_strided_slice %max3A_231 {offsets = [0, 0], sizes = [247, 512], strides = [1, 1]} : vector<256x512xf32> to vector<247x512xf32>
    %concatenate3A_235 = tpu.concatenate %broadcast_in_dim3A_233, %slice3A_234 in 0 : vector<9x512xf32>, vector<247x512xf32> -> vector<256x512xf32>
    %iota3A_236 = tpu.iota {dimensions = array<i32: 0>} : vector<256x1xi32>
    %and3A_237 = arith.constant 7 : i32
    %and3A_238 = vector.broadcast %and3A_237 : i32 to vector<256x1xi32>
    %and3A_239 = arith.andi %iota3A_236, %and3A_238 : vector<256x1xi32>
    %add3A_240 = arith.constant -9 : i32
    %add3A_241 = vector.broadcast %add3A_240 : i32 to vector<256x1xi32>
    %add3A_242 = arith.addi %and3A_239, %add3A_241 : vector<256x1xi32>
    %ge3A_243 = arith.constant 0 : i32
    %ge3A_244 = vector.broadcast %ge3A_243 : i32 to vector<256x1xi32>
    %ge3A_245 = arith.cmpi sge, %add3A_242, %ge3A_244 : vector<256x1xi32>
    %add3A_246 = arith.constant -9 : i32
    %add3A_247 = vector.broadcast %add3A_246 : i32 to vector<256x1xi32>
    %add3A_248 = arith.addi %and3A_239, %add3A_247 : vector<256x1xi32>
    %lt3A_249 = arith.constant 8 : i32
    %lt3A_250 = vector.broadcast %lt3A_249 : i32 to vector<256x1xi32>
    %lt3A_251 = arith.cmpi slt, %add3A_248, %lt3A_250 : vector<256x1xi32>
    %and3A_252 = arith.andi %ge3A_245, %lt3A_251 : vector<256x1xi1>
    %broadcast_in_dim3A_253 = arith.constant 0.000000e+00 : f32
    %broadcast_in_dim3A_254 = vector.broadcast %broadcast_in_dim3A_253 : f32 to vector<256x512xf32>
    %broadcast_in_dim3A_255 = vector.shape_cast %and3A_252 : vector<256x1xi1> to vector<256x1xi1>
    %broadcast_in_dim3A_256 = vector.broadcast %broadcast_in_dim3A_255 : vector<256x1xi1> to vector<256x512xi1>
    %select_n3A_257 = arith.select %broadcast_in_dim3A_256, %concatenate3A_235, %broadcast_in_dim3A_254 : vector<256x512xi1>, vector<256x512xf32>
    %broadcast_in_dim3A_258 = arith.constant 0.000000e+00 : f32
    %broadcast_in_dim3A_259 = vector.broadcast %broadcast_in_dim3A_258 : f32 to vector<9x512xf32>
    %slice3A_260 = vector.extract_strided_slice %max3A_231 {offsets = [9, 0], sizes = [247, 512], strides = [1, 1]} : vector<256x512xf32> to vector<247x512xf32>
    %concatenate3A_261 = tpu.concatenate %slice3A_260, %broadcast_in_dim3A_259 in 0 : vector<247x512xf32>, vector<9x512xf32> -> vector<256x512xf32>
    %iota3A_262 = tpu.iota {dimensions = array<i32: 0>} : vector<256x1xi32>
    %and3A_263 = arith.constant 7 : i32
    %and3A_264 = vector.broadcast %and3A_263 : i32 to vector<256x1xi32>
    %and3A_265 = arith.andi %iota3A_262, %and3A_264 : vector<256x1xi32>
    %add3A_266 = arith.constant 9 : i32
    %add3A_267 = vector.broadcast %add3A_266 : i32 to vector<256x1xi32>
    %add3A_268 = arith.addi %and3A_265, %add3A_267 : vector<256x1xi32>
    %ge3A_269 = arith.constant 0 : i32
    %ge3A_270 = vector.broadcast %ge3A_269 : i32 to vector<256x1xi32>
    %ge3A_271 = arith.cmpi sge, %add3A_268, %ge3A_270 : vector<256x1xi32>
    %add3A_272 = arith.constant 9 : i32
    %add3A_273 = vector.broadcast %add3A_272 : i32 to vector<256x1xi32>
    %add3A_274 = arith.addi %and3A_265, %add3A_273 : vector<256x1xi32>
    %lt3A_275 = arith.constant 8 : i32
    %lt3A_276 = vector.broadcast %lt3A_275 : i32 to vector<256x1xi32>
    %lt3A_277 = arith.cmpi slt, %add3A_274, %lt3A_276 : vector<256x1xi32>
    %and3A_278 = arith.andi %ge3A_271, %lt3A_277 : vector<256x1xi1>
    %broadcast_in_dim3A_279 = arith.constant 0.000000e+00 : f32
    %broadcast_in_dim3A_280 = vector.broadcast %broadcast_in_dim3A_279 : f32 to vector<256x512xf32>
    %broadcast_in_dim3A_281 = vector.shape_cast %and3A_278 : vector<256x1xi1> to vector<256x1xi1>
    %broadcast_in_dim3A_282 = vector.broadcast %broadcast_in_dim3A_281 : vector<256x1xi1> to vector<256x512xi1>
    %select_n3A_283 = arith.select %broadcast_in_dim3A_282, %concatenate3A_261, %broadcast_in_dim3A_280 : vector<256x512xi1>, vector<256x512xf32>
    %concatenate3A_284 = tpu.concatenate %select_n3A_257, %max3A_231, %select_n3A_283 in 1 : vector<256x512xf32>, vector<256x512xf32>, vector<256x512xf32> -> vector<256x1536xf32>
    %dot_general3A_285 = arith.constant dense<0.000000e+00> : vector<256x512xf32>
    %dot_general3A_286 = tpu.matmul %concatenate3A_284, %get3A_219, %dot_general3A_285 {dimension_numbers = #tpu.dot_dimension_numbers<[1], [1], [0], [0], [0, 0, 1, 0], [], []>, transpose_lhs_hint = false} : vector<256x1536xf32>, vector<512x1536xf32>, vector<256x512xf32> -> vector<256x512xf32>
    %add3A_287 = vector.broadcast %get3A_222 : vector<1x512xf32> to vector<256x512xf32>
    %add3A_288 = arith.addf %dot_general3A_286, %add3A_287 : vector<256x512xf32>
    %max3A_289 = arith.constant 0.000000e+00 : f32
    %max3A_290 = vector.broadcast %max3A_289 : f32 to vector<256x512xf32>
    %max3A_291 = arith.maximumf %add3A_288, %max3A_290 : vector<256x512xf32>
    %dot_general3A_292 = arith.constant dense<0.000000e+00> : vector<256x512xf32>
    %dot_general3A_293 = tpu.matmul %max3A_291, %get3A_225, %dot_general3A_292 {dimension_numbers = #tpu.dot_dimension_numbers<[1], [1], [0], [0], [0, 0, 1, 0], [], []>, transpose_lhs_hint = false} : vector<256x512xf32>, vector<512x512xf32>, vector<256x512xf32> -> vector<256x512xf32>
    %add3A_294 = arith.addf %add3A_216, %dot_general3A_293 : vector<256x512xf32>
    %add3A_295 = vector.broadcast %get3A_228 : vector<1x512xf32> to vector<256x512xf32>
    %add3A_296 = arith.addf %add3A_294, %add3A_295 : vector<256x512xf32>
    %get3A_297 = arith.constant 0 : index
    %get3A_298 = arith.constant 0 : index
    %get3A_299 = vector.load %arg16[%get3A_297, %get3A_298] : memref<64x1536xf32, #tpu.memory_space<vmem>>, vector<64x1536xf32>
    %get3A_300 = arith.constant 0 : index
    %get3A_301 = arith.constant 0 : index
    %get3A_302 = vector.load %arg17[%get3A_300, %get3A_301] : memref<1x64xf32, #tpu.memory_space<vmem>>, vector<1x64xf32>
    %broadcast_in_dim3A_303 = arith.constant 0.000000e+00 : f32
    %broadcast_in_dim3A_304 = vector.broadcast %broadcast_in_dim3A_303 : f32 to vector<1x512xf32>
    %slice3A_305 = vector.extract_strided_slice %add3A_296 {offsets = [0, 0], sizes = [255, 512], strides = [1, 1]} : vector<256x512xf32> to vector<255x512xf32>
    %concatenate3A_306 = tpu.concatenate %broadcast_in_dim3A_304, %slice3A_305 in 0 : vector<1x512xf32>, vector<255x512xf32> -> vector<256x512xf32>
    %iota3A_307 = tpu.iota {dimensions = array<i32: 0>} : vector<256x1xi32>
    %and3A_308 = arith.constant 7 : i32
    %and3A_309 = vector.broadcast %and3A_308 : i32 to vector<256x1xi32>
    %and3A_310 = arith.andi %iota3A_307, %and3A_309 : vector<256x1xi32>
    %add3A_311 = arith.constant -1 : i32
    %add3A_312 = vector.broadcast %add3A_311 : i32 to vector<256x1xi32>
    %add3A_313 = arith.addi %and3A_310, %add3A_312 : vector<256x1xi32>
    %ge3A_314 = arith.constant 0 : i32
    %ge3A_315 = vector.broadcast %ge3A_314 : i32 to vector<256x1xi32>
    %ge3A_316 = arith.cmpi sge, %add3A_313, %ge3A_315 : vector<256x1xi32>
    %add3A_317 = arith.constant -1 : i32
    %add3A_318 = vector.broadcast %add3A_317 : i32 to vector<256x1xi32>
    %add3A_319 = arith.addi %and3A_310, %add3A_318 : vector<256x1xi32>
    %lt3A_320 = arith.constant 8 : i32
    %lt3A_321 = vector.broadcast %lt3A_320 : i32 to vector<256x1xi32>
    %lt3A_322 = arith.cmpi slt, %add3A_319, %lt3A_321 : vector<256x1xi32>
    %and3A_323 = arith.andi %ge3A_316, %lt3A_322 : vector<256x1xi1>
    %broadcast_in_dim3A_324 = arith.constant 0.000000e+00 : f32
    %broadcast_in_dim3A_325 = vector.broadcast %broadcast_in_dim3A_324 : f32 to vector<256x512xf32>
    %broadcast_in_dim3A_326 = vector.shape_cast %and3A_323 : vector<256x1xi1> to vector<256x1xi1>
    %broadcast_in_dim3A_327 = vector.broadcast %broadcast_in_dim3A_326 : vector<256x1xi1> to vector<256x512xi1>
    %select_n3A_328 = arith.select %broadcast_in_dim3A_327, %concatenate3A_306, %broadcast_in_dim3A_325 : vector<256x512xi1>, vector<256x512xf32>
    %broadcast_in_dim3A_329 = arith.constant 0.000000e+00 : f32
    %broadcast_in_dim3A_330 = vector.broadcast %broadcast_in_dim3A_329 : f32 to vector<1x512xf32>
    %slice3A_331 = vector.extract_strided_slice %add3A_296 {offsets = [1, 0], sizes = [255, 512], strides = [1, 1]} : vector<256x512xf32> to vector<255x512xf32>
    %concatenate3A_332 = tpu.concatenate %slice3A_331, %broadcast_in_dim3A_330 in 0 : vector<255x512xf32>, vector<1x512xf32> -> vector<256x512xf32>
    %iota3A_333 = tpu.iota {dimensions = array<i32: 0>} : vector<256x1xi32>
    %and3A_334 = arith.constant 7 : i32
    %and3A_335 = vector.broadcast %and3A_334 : i32 to vector<256x1xi32>
    %and3A_336 = arith.andi %iota3A_333, %and3A_335 : vector<256x1xi32>
    %add3A_337 = arith.constant 1 : i32
    %add3A_338 = vector.broadcast %add3A_337 : i32 to vector<256x1xi32>
    %add3A_339 = arith.addi %and3A_336, %add3A_338 : vector<256x1xi32>
    %ge3A_340 = arith.constant 0 : i32
    %ge3A_341 = vector.broadcast %ge3A_340 : i32 to vector<256x1xi32>
    %ge3A_342 = arith.cmpi sge, %add3A_339, %ge3A_341 : vector<256x1xi32>
    %add3A_343 = arith.constant 1 : i32
    %add3A_344 = vector.broadcast %add3A_343 : i32 to vector<256x1xi32>
    %add3A_345 = arith.addi %and3A_336, %add3A_344 : vector<256x1xi32>
    %lt3A_346 = arith.constant 8 : i32
    %lt3A_347 = vector.broadcast %lt3A_346 : i32 to vector<256x1xi32>
    %lt3A_348 = arith.cmpi slt, %add3A_345, %lt3A_347 : vector<256x1xi32>
    %and3A_349 = arith.andi %ge3A_342, %lt3A_348 : vector<256x1xi1>
    %broadcast_in_dim3A_350 = arith.constant 0.000000e+00 : f32
    %broadcast_in_dim3A_351 = vector.broadcast %broadcast_in_dim3A_350 : f32 to vector<256x512xf32>
    %broadcast_in_dim3A_352 = vector.shape_cast %and3A_349 : vector<256x1xi1> to vector<256x1xi1>
    %broadcast_in_dim3A_353 = vector.broadcast %broadcast_in_dim3A_352 : vector<256x1xi1> to vector<256x512xi1>
    %select_n3A_354 = arith.select %broadcast_in_dim3A_353, %concatenate3A_332, %broadcast_in_dim3A_351 : vector<256x512xi1>, vector<256x512xf32>
    %concatenate3A_355 = tpu.concatenate %select_n3A_328, %add3A_296, %select_n3A_354 in 1 : vector<256x512xf32>, vector<256x512xf32>, vector<256x512xf32> -> vector<256x1536xf32>
    %dot_general3A_356 = arith.constant dense<0.000000e+00> : vector<256x64xf32>
    %dot_general3A_357 = tpu.matmul %concatenate3A_355, %get3A_299, %dot_general3A_356 {dimension_numbers = #tpu.dot_dimension_numbers<[1], [1], [0], [0], [0, 0, 1, 0], [], []>, transpose_lhs_hint = false} : vector<256x1536xf32>, vector<64x1536xf32>, vector<256x64xf32> -> vector<256x64xf32>
    %add3A_358 = vector.broadcast %get3A_302 : vector<1x64xf32> to vector<256x64xf32>
    %add3A_359 = arith.addf %dot_general3A_357, %add3A_358 : vector<256x64xf32>
    %get3A_360 = arith.constant 0 : index
    %get3A_361 = arith.constant 0 : index
    %get3A_362 = vector.load %arg18[%get3A_360, %get3A_361] : memref<64x8192xf32, #tpu.memory_space<vmem>>, vector<64x8192xf32>
    %dot_general3A_363 = arith.constant dense<0.000000e+00> : vector<256x8192xf32>
    %dot_general3A_364 = tpu.matmul %add3A_359, %get3A_362, %dot_general3A_363 {dimension_numbers = #tpu.dot_dimension_numbers<[1], [0], [0], [1], [0, 0, 1, 1], [], []>, transpose_lhs_hint = false} : vector<256x64xf32>, vector<64x8192xf32>, vector<256x8192xf32> -> vector<256x8192xf32>
    %mul3A = arith.mulf %add3A_359, %add3A_359 : vector<256x64xf32>
    %reduce_sum3A = arith.constant dense<0.000000e+00> : vector<256xf32>
    %reduce_sum3A_365 = vector.multi_reduction <add>, %mul3A, %reduce_sum3A [1] : vector<256x64xf32> to vector<256xf32>
    %broadcast_in_dim3A_366 = vector.shape_cast %reduce_sum3A_365 : vector<256xf32> to vector<256x1xf32>
    %mul3A_367 = arith.mulf %get3A_362, %get3A_362 : vector<64x8192xf32>
    %reduce_sum3A_368 = arith.constant dense<0.000000e+00> : vector<8192xf32>
    %reduce_sum3A_369 = vector.multi_reduction <add>, %mul3A_367, %reduce_sum3A_368 [0] : vector<64x8192xf32> to vector<8192xf32>
    %broadcast_in_dim3A_370 = vector.shape_cast %reduce_sum3A_369 : vector<8192xf32> to vector<1x8192xf32>
    %mul3A_371 = arith.constant 2.000000e+00 : f32
    %mul3A_372 = vector.broadcast %mul3A_371 : f32 to vector<256x8192xf32>
    %mul3A_373 = arith.mulf %mul3A_372, %dot_general3A_364 : vector<256x8192xf32>
    %sub3A = vector.broadcast %broadcast_in_dim3A_366 : vector<256x1xf32> to vector<256x8192xf32>
    %sub3A_374 = arith.subf %sub3A, %mul3A_373 : vector<256x8192xf32>
    %add3A_375 = vector.broadcast %broadcast_in_dim3A_370 : vector<1x8192xf32> to vector<256x8192xf32>
    %add3A_376 = arith.addf %sub3A_374, %add3A_375 : vector<256x8192xf32>
    %reduce_min3A = arith.constant dense<0x7F800000> : vector<256xf32>
    %reduce_min3A_377 = vector.multi_reduction <minimumf>, %add3A_376, %reduce_min3A [1] : vector<256x8192xf32> to vector<256xf32>
    %broadcast_in_dim3A_378 = vector.shape_cast %reduce_min3A_377 : vector<256xf32> to vector<256x1xf32>
    %iota3A_379 = tpu.iota {dimensions = array<i32: 1>} : vector<256x8192xi32>
    %eq3A = vector.broadcast %broadcast_in_dim3A_378 : vector<256x1xf32> to vector<256x8192xf32>
    %eq3A_380 = arith.cmpf oeq, %add3A_376, %eq3A : vector<256x8192xf32>
    %jit3A = arith.constant 8192 : i32
    %broadcast_in_dim3A_381 = vector.broadcast %jit3A : i32 to vector<256x8192xi32>
    %select_n3A_382 = arith.select %eq3A_380, %iota3A_379, %broadcast_in_dim3A_381 : vector<256x8192xi1>, vector<256x8192xi32>
    %reduce_min3A_383 = arith.constant dense<2147483647> : vector<256xi32>
    %reduce_min3A_384 = vector.multi_reduction <minsi>, %select_n3A_382, %reduce_min3A_383 [1] : vector<256x8192xi32> to vector<256xi32>
    %broadcast_in_dim3A_385 = vector.shape_cast %reduce_min3A_384 : vector<256xi32> to vector<256x1xi32>
    %swap3A = arith.constant 0 : index
    %swap3A_386 = arith.constant 0 : index
    %swap3A_387 = vector.load %arg19[%swap3A, %swap3A_386] : memref<256x1xi32, #tpu.memory_space<vmem>>, vector<256x1xi32>
    tpu.vector_store %arg19[%swap3A, %swap3A_386], %broadcast_in_dim3A_385 {strides = array<i32>} : memref<256x1xi32, #tpu.memory_space<vmem>>, vector<256x1xi32>,
    %eq3A_388 = vector.broadcast %broadcast_in_dim3A_385 : vector<256x1xi32> to vector<256x8192xi32>
    %eq3A_389 = arith.cmpi eq, %iota3A_379, %eq3A_388 : vector<256x8192xi32>
    %convert_element_type3A = arith.extui %eq3A_389 : vector<256x8192xi1> to vector<256x8192xi32>
    %convert_element_type3A_390 = arith.sitofp %convert_element_type3A : vector<256x8192xi32> to vector<256x8192xf32>
    %reduce_sum3A_391 = arith.constant dense<0.000000e+00> : vector<8192xf32>
    %reduce_sum3A_392 = vector.multi_reduction <add>, %convert_element_type3A_390, %reduce_sum3A_391 [0] : vector<256x8192xf32> to vector<8192xf32>
    %broadcast_in_dim3A_393 = vector.shape_cast %reduce_sum3A_392 : vector<8192xf32> to vector<1x8192xf32>
    %mul3A_394 = arith.constant 3.906250e-03 : f32
    %mul3A_395 = vector.broadcast %mul3A_394 : f32 to vector<1x8192xf32>
    %mul3A_396 = arith.mulf %broadcast_in_dim3A_393, %mul3A_395 : vector<1x8192xf32>
    %add3A_397 = arith.constant 1.000000e-10 : f32
    %add3A_398 = vector.broadcast %add3A_397 : f32 to vector<1x8192xf32>
    %add3A_399 = arith.addf %mul3A_396, %add3A_398 : vector<1x8192xf32>
    %log3A = math.log %add3A_399 : vector<1x8192xf32>
    %mul3A_400 = arith.mulf %mul3A_396, %log3A : vector<1x8192xf32>
    %reduce_sum3A_401 = vector.shape_cast %mul3A_400 : vector<1x8192xf32> to vector<1x1x8192xf32>
    %reduce_sum3A_402 = arith.constant dense<0.000000e+00> : vector<1xf32>
    %reduce_sum3A_403 = vector.multi_reduction <add>, %reduce_sum3A_401, %reduce_sum3A_402 [1, 2] : vector<1x1x8192xf32> to vector<1xf32>
    %reduce_sum3A_404 = vector.shape_cast %reduce_sum3A_403 : vector<1xf32> to vector<1x1x1xf32>
    %reduce_sum3A_405 = vector.extract %reduce_sum3A_404[0, 0, 0] : f32 from vector<1x1x1xf32>
    %neg3A = arith.constant 0.000000e+00 : f32
    %neg3A_406 = arith.subf %neg3A, %reduce_sum3A_405 : f32
    %exp3A = math.exp %neg3A_406 : f32
    %reshape3A = vector.broadcast %exp3A : f32 to vector<1x1xf32>
    %swap3A_407 = arith.constant 0 : index
    %swap3A_408 = arith.constant 0 : index
    %swap3A_409 = vector.load %arg21[%swap3A_407, %swap3A_408] : memref<1x1xf32, #tpu.memory_space<vmem>>, vector<1x1xf32>
    tpu.vector_store %arg21[%swap3A_407, %swap3A_408], %reshape3A {strides = array<i32>} : memref<1x1xf32, #tpu.memory_space<vmem>>, vector<1x1xf32>,
    %reduce_sum3A_410 = vector.shape_cast %broadcast_in_dim3A_378 : vector<256x1xf32> to vector<1x256x1xf32>
    %reduce_sum3A_411 = arith.constant dense<0.000000e+00> : vector<1xf32>
    %reduce_sum3A_412 = vector.multi_reduction <add>, %reduce_sum3A_410, %reduce_sum3A_411 [1, 2] : vector<1x256x1xf32> to vector<1xf32>
    %reduce_sum3A_413 = vector.shape_cast %reduce_sum3A_412 : vector<1xf32> to vector<1x1x1xf32>
    %reduce_sum3A_414 = vector.extract %reduce_sum3A_413[0, 0, 0] : f32 from vector<1x1x1xf32>
    %mul3A_415 = arith.constant 6.10351563E-5 : f32
    %mul3A_416 = arith.mulf %reduce_sum3A_414, %mul3A_415 : f32
    %reshape3A_417 = vector.broadcast %mul3A_416 : f32 to vector<1x1xf32>
    %swap3A_418 = arith.constant 0 : index
    %swap3A_419 = arith.constant 0 : index
    %swap3A_420 = vector.load %arg20[%swap3A_418, %swap3A_419] : memref<1x1xf32, #tpu.memory_space<vmem>>, vector<1x1xf32>
    tpu.vector_store %arg20[%swap3A_418, %swap3A_419], %reshape3A_417 {strides = array<i32>} : memref<1x1xf32, #tpu.memory_space<vmem>>, vector<1x1xf32>,
    return
  }
}

module attributes {stable_mosaic.version = 14 : i64} {
  func.func @body(%arg0: memref<256x64xf32, #tpu.memory_space<vmem>>, %arg1: memref<512x192xf32, #tpu.memory_space<vmem>>, %arg2: memref<1x512xf32, #tpu.memory_space<vmem>>, %arg3: memref<512x1536xf32, #tpu.memory_space<vmem>>, %arg4: memref<1x512xf32, #tpu.memory_space<vmem>>, %arg5: memref<512x512xf32, #tpu.memory_space<vmem>>, %arg6: memref<1x512xf32, #tpu.memory_space<vmem>>, %arg7: memref<512x1536xf32, #tpu.memory_space<vmem>>, %arg8: memref<1x512xf32, #tpu.memory_space<vmem>>, %arg9: memref<512x512xf32, #tpu.memory_space<vmem>>, %arg10: memref<1x512xf32, #tpu.memory_space<vmem>>, %arg11: memref<512x1536xf32, #tpu.memory_space<vmem>>, %arg12: memref<1x512xf32, #tpu.memory_space<vmem>>, %arg13: memref<512x512xf32, #tpu.memory_space<vmem>>, %arg14: memref<1x512xf32, #tpu.memory_space<vmem>>, %arg15: memref<512x1536xf32, #tpu.memory_space<vmem>>, %arg16: memref<1x512xf32, #tpu.memory_space<vmem>>, %arg17: memref<256x512xf32, #tpu.memory_space<vmem>>, %arg18: memref<256x512xf32, #tpu.memory_space<vmem>>) attributes {dimension_semantics = [], scalar_prefetch = 0 : i64, scratch_operands = 0 : i64, tpu.core_type = #tpu.core_type<tc>} {
    %get3A = arith.constant 0 : index
    %get3A_0 = arith.constant 0 : index
    %get3A_1 = vector.load %arg0[%get3A, %get3A_0] : memref<256x64xf32, #tpu.memory_space<vmem>>, vector<256x64xf32>
    %get3A_2 = arith.constant 0 : index
    %get3A_3 = arith.constant 0 : index
    %get3A_4 = vector.load %arg1[%get3A_2, %get3A_3] : memref<512x192xf32, #tpu.memory_space<vmem>>, vector<512x192xf32>
    %get3A_5 = arith.constant 0 : index
    %get3A_6 = arith.constant 0 : index
    %get3A_7 = vector.load %arg2[%get3A_5, %get3A_6] : memref<1x512xf32, #tpu.memory_space<vmem>>, vector<1x512xf32>
    %broadcast_in_dim3A = arith.constant 0.000000e+00 : f32
    %broadcast_in_dim3A_8 = vector.broadcast %broadcast_in_dim3A : f32 to vector<1x64xf32>
    %slice3A = vector.extract_strided_slice %get3A_1 {offsets = [0, 0], sizes = [255, 64], strides = [1, 1]} : vector<256x64xf32> to vector<255x64xf32>
    %concatenate3A = tpu.concatenate %broadcast_in_dim3A_8, %slice3A in 0 : vector<1x64xf32>, vector<255x64xf32> -> vector<256x64xf32>
    %iota3A = tpu.iota {dimensions = array<i32: 0>} : vector<256x1xi32>
    %and3A = arith.constant 7 : i32
    %and3A_9 = vector.broadcast %and3A : i32 to vector<256x1xi32>
    %and3A_10 = arith.andi %iota3A, %and3A_9 : vector<256x1xi32>
    %add3A = arith.constant -1 : i32
    %add3A_11 = vector.broadcast %add3A : i32 to vector<256x1xi32>
    %add3A_12 = arith.addi %and3A_10, %add3A_11 : vector<256x1xi32>
    %ge3A = arith.constant 0 : i32
    %ge3A_13 = vector.broadcast %ge3A : i32 to vector<256x1xi32>
    %ge3A_14 = arith.cmpi sge, %add3A_12, %ge3A_13 : vector<256x1xi32>
    %add3A_15 = arith.constant -1 : i32
    %add3A_16 = vector.broadcast %add3A_15 : i32 to vector<256x1xi32>
    %add3A_17 = arith.addi %and3A_10, %add3A_16 : vector<256x1xi32>
    %lt3A = arith.constant 8 : i32
    %lt3A_18 = vector.broadcast %lt3A : i32 to vector<256x1xi32>
    %lt3A_19 = arith.cmpi slt, %add3A_17, %lt3A_18 : vector<256x1xi32>
    %and3A_20 = arith.andi %ge3A_14, %lt3A_19 : vector<256x1xi1>
    %broadcast_in_dim3A_21 = arith.constant 0.000000e+00 : f32
    %broadcast_in_dim3A_22 = vector.broadcast %broadcast_in_dim3A_21 : f32 to vector<256x64xf32>
    %broadcast_in_dim3A_23 = vector.shape_cast %and3A_20 : vector<256x1xi1> to vector<256x1xi1>
    %broadcast_in_dim3A_24 = vector.broadcast %broadcast_in_dim3A_23 : vector<256x1xi1> to vector<256x64xi1>
    %select_n3A = arith.select %broadcast_in_dim3A_24, %concatenate3A, %broadcast_in_dim3A_22 : vector<256x64xi1>, vector<256x64xf32>
    %broadcast_in_dim3A_25 = arith.constant 0.000000e+00 : f32
    %broadcast_in_dim3A_26 = vector.broadcast %broadcast_in_dim3A_25 : f32 to vector<1x64xf32>
    %slice3A_27 = vector.extract_strided_slice %get3A_1 {offsets = [1, 0], sizes = [255, 64], strides = [1, 1]} : vector<256x64xf32> to vector<255x64xf32>
    %concatenate3A_28 = tpu.concatenate %slice3A_27, %broadcast_in_dim3A_26 in 0 : vector<255x64xf32>, vector<1x64xf32> -> vector<256x64xf32>
    %iota3A_29 = tpu.iota {dimensions = array<i32: 0>} : vector<256x1xi32>
    %and3A_30 = arith.constant 7 : i32
    %and3A_31 = vector.broadcast %and3A_30 : i32 to vector<256x1xi32>
    %and3A_32 = arith.andi %iota3A_29, %and3A_31 : vector<256x1xi32>
    %add3A_33 = arith.constant 1 : i32
    %add3A_34 = vector.broadcast %add3A_33 : i32 to vector<256x1xi32>
    %add3A_35 = arith.addi %and3A_32, %add3A_34 : vector<256x1xi32>
    %ge3A_36 = arith.constant 0 : i32
    %ge3A_37 = vector.broadcast %ge3A_36 : i32 to vector<256x1xi32>
    %ge3A_38 = arith.cmpi sge, %add3A_35, %ge3A_37 : vector<256x1xi32>
    %add3A_39 = arith.constant 1 : i32
    %add3A_40 = vector.broadcast %add3A_39 : i32 to vector<256x1xi32>
    %add3A_41 = arith.addi %and3A_32, %add3A_40 : vector<256x1xi32>
    %lt3A_42 = arith.constant 8 : i32
    %lt3A_43 = vector.broadcast %lt3A_42 : i32 to vector<256x1xi32>
    %lt3A_44 = arith.cmpi slt, %add3A_41, %lt3A_43 : vector<256x1xi32>
    %and3A_45 = arith.andi %ge3A_38, %lt3A_44 : vector<256x1xi1>
    %broadcast_in_dim3A_46 = arith.constant 0.000000e+00 : f32
    %broadcast_in_dim3A_47 = vector.broadcast %broadcast_in_dim3A_46 : f32 to vector<256x64xf32>
    %broadcast_in_dim3A_48 = vector.shape_cast %and3A_45 : vector<256x1xi1> to vector<256x1xi1>
    %broadcast_in_dim3A_49 = vector.broadcast %broadcast_in_dim3A_48 : vector<256x1xi1> to vector<256x64xi1>
    %select_n3A_50 = arith.select %broadcast_in_dim3A_49, %concatenate3A_28, %broadcast_in_dim3A_47 : vector<256x64xi1>, vector<256x64xf32>
    %concatenate3A_51 = tpu.concatenate %select_n3A, %get3A_1, %select_n3A_50 in 1 : vector<256x64xf32>, vector<256x64xf32>, vector<256x64xf32> -> vector<256x192xf32>
    %dot_general3A = arith.constant dense<0.000000e+00> : vector<256x512xf32>
    %dot_general3A_52 = tpu.matmul %concatenate3A_51, %get3A_4, %dot_general3A {dimension_numbers = #tpu.dot_dimension_numbers<[1], [1], [0], [0], [0, 0, 1, 0], [], []>, transpose_lhs_hint = false} : vector<256x192xf32>, vector<512x192xf32>, vector<256x512xf32> -> vector<256x512xf32>
    %add3A_53 = vector.broadcast %get3A_7 : vector<1x512xf32> to vector<256x512xf32>
    %add3A_54 = arith.addf %dot_general3A_52, %add3A_53 : vector<256x512xf32>
    %max3A = arith.constant 0.000000e+00 : f32
    %max3A_55 = vector.broadcast %max3A : f32 to vector<256x512xf32>
    %max3A_56 = arith.maximumf %add3A_54, %max3A_55 : vector<256x512xf32>
    %get3A_57 = arith.constant 0 : index
    %get3A_58 = arith.constant 0 : index
    %get3A_59 = vector.load %arg3[%get3A_57, %get3A_58] : memref<512x1536xf32, #tpu.memory_space<vmem>>, vector<512x1536xf32>
    %get3A_60 = arith.constant 0 : index
    %get3A_61 = arith.constant 0 : index
    %get3A_62 = vector.load %arg4[%get3A_60, %get3A_61] : memref<1x512xf32, #tpu.memory_space<vmem>>, vector<1x512xf32>
    %get3A_63 = arith.constant 0 : index
    %get3A_64 = arith.constant 0 : index
    %get3A_65 = vector.load %arg5[%get3A_63, %get3A_64] : memref<512x512xf32, #tpu.memory_space<vmem>>, vector<512x512xf32>
    %get3A_66 = arith.constant 0 : index
    %get3A_67 = arith.constant 0 : index
    %get3A_68 = vector.load %arg6[%get3A_66, %get3A_67] : memref<1x512xf32, #tpu.memory_space<vmem>>, vector<1x512xf32>
    %max3A_69 = arith.constant 0.000000e+00 : f32
    %max3A_70 = vector.broadcast %max3A_69 : f32 to vector<256x512xf32>
    %max3A_71 = arith.maximumf %max3A_56, %max3A_70 : vector<256x512xf32>
    %broadcast_in_dim3A_72 = arith.constant 0.000000e+00 : f32
    %broadcast_in_dim3A_73 = vector.broadcast %broadcast_in_dim3A_72 : f32 to vector<9x512xf32>
    %slice3A_74 = vector.extract_strided_slice %max3A_71 {offsets = [0, 0], sizes = [247, 512], strides = [1, 1]} : vector<256x512xf32> to vector<247x512xf32>
    %concatenate3A_75 = tpu.concatenate %broadcast_in_dim3A_73, %slice3A_74 in 0 : vector<9x512xf32>, vector<247x512xf32> -> vector<256x512xf32>
    %iota3A_76 = tpu.iota {dimensions = array<i32: 0>} : vector<256x1xi32>
    %and3A_77 = arith.constant 7 : i32
    %and3A_78 = vector.broadcast %and3A_77 : i32 to vector<256x1xi32>
    %and3A_79 = arith.andi %iota3A_76, %and3A_78 : vector<256x1xi32>
    %add3A_80 = arith.constant -9 : i32
    %add3A_81 = vector.broadcast %add3A_80 : i32 to vector<256x1xi32>
    %add3A_82 = arith.addi %and3A_79, %add3A_81 : vector<256x1xi32>
    %ge3A_83 = arith.constant 0 : i32
    %ge3A_84 = vector.broadcast %ge3A_83 : i32 to vector<256x1xi32>
    %ge3A_85 = arith.cmpi sge, %add3A_82, %ge3A_84 : vector<256x1xi32>
    %add3A_86 = arith.constant -9 : i32
    %add3A_87 = vector.broadcast %add3A_86 : i32 to vector<256x1xi32>
    %add3A_88 = arith.addi %and3A_79, %add3A_87 : vector<256x1xi32>
    %lt3A_89 = arith.constant 8 : i32
    %lt3A_90 = vector.broadcast %lt3A_89 : i32 to vector<256x1xi32>
    %lt3A_91 = arith.cmpi slt, %add3A_88, %lt3A_90 : vector<256x1xi32>
    %and3A_92 = arith.andi %ge3A_85, %lt3A_91 : vector<256x1xi1>
    %broadcast_in_dim3A_93 = arith.constant 0.000000e+00 : f32
    %broadcast_in_dim3A_94 = vector.broadcast %broadcast_in_dim3A_93 : f32 to vector<256x512xf32>
    %broadcast_in_dim3A_95 = vector.shape_cast %and3A_92 : vector<256x1xi1> to vector<256x1xi1>
    %broadcast_in_dim3A_96 = vector.broadcast %broadcast_in_dim3A_95 : vector<256x1xi1> to vector<256x512xi1>
    %select_n3A_97 = arith.select %broadcast_in_dim3A_96, %concatenate3A_75, %broadcast_in_dim3A_94 : vector<256x512xi1>, vector<256x512xf32>
    %broadcast_in_dim3A_98 = arith.constant 0.000000e+00 : f32
    %broadcast_in_dim3A_99 = vector.broadcast %broadcast_in_dim3A_98 : f32 to vector<9x512xf32>
    %slice3A_100 = vector.extract_strided_slice %max3A_71 {offsets = [9, 0], sizes = [247, 512], strides = [1, 1]} : vector<256x512xf32> to vector<247x512xf32>
    %concatenate3A_101 = tpu.concatenate %slice3A_100, %broadcast_in_dim3A_99 in 0 : vector<247x512xf32>, vector<9x512xf32> -> vector<256x512xf32>
    %iota3A_102 = tpu.iota {dimensions = array<i32: 0>} : vector<256x1xi32>
    %and3A_103 = arith.constant 7 : i32
    %and3A_104 = vector.broadcast %and3A_103 : i32 to vector<256x1xi32>
    %and3A_105 = arith.andi %iota3A_102, %and3A_104 : vector<256x1xi32>
    %add3A_106 = arith.constant 9 : i32
    %add3A_107 = vector.broadcast %add3A_106 : i32 to vector<256x1xi32>
    %add3A_108 = arith.addi %and3A_105, %add3A_107 : vector<256x1xi32>
    %ge3A_109 = arith.constant 0 : i32
    %ge3A_110 = vector.broadcast %ge3A_109 : i32 to vector<256x1xi32>
    %ge3A_111 = arith.cmpi sge, %add3A_108, %ge3A_110 : vector<256x1xi32>
    %add3A_112 = arith.constant 9 : i32
    %add3A_113 = vector.broadcast %add3A_112 : i32 to vector<256x1xi32>
    %add3A_114 = arith.addi %and3A_105, %add3A_113 : vector<256x1xi32>
    %lt3A_115 = arith.constant 8 : i32
    %lt3A_116 = vector.broadcast %lt3A_115 : i32 to vector<256x1xi32>
    %lt3A_117 = arith.cmpi slt, %add3A_114, %lt3A_116 : vector<256x1xi32>
    %and3A_118 = arith.andi %ge3A_111, %lt3A_117 : vector<256x1xi1>
    %broadcast_in_dim3A_119 = arith.constant 0.000000e+00 : f32
    %broadcast_in_dim3A_120 = vector.broadcast %broadcast_in_dim3A_119 : f32 to vector<256x512xf32>
    %broadcast_in_dim3A_121 = vector.shape_cast %and3A_118 : vector<256x1xi1> to vector<256x1xi1>
    %broadcast_in_dim3A_122 = vector.broadcast %broadcast_in_dim3A_121 : vector<256x1xi1> to vector<256x512xi1>
    %select_n3A_123 = arith.select %broadcast_in_dim3A_122, %concatenate3A_101, %broadcast_in_dim3A_120 : vector<256x512xi1>, vector<256x512xf32>
    %concatenate3A_124 = tpu.concatenate %select_n3A_97, %max3A_71, %select_n3A_123 in 1 : vector<256x512xf32>, vector<256x512xf32>, vector<256x512xf32> -> vector<256x1536xf32>
    %dot_general3A_125 = arith.constant dense<0.000000e+00> : vector<256x512xf32>
    %dot_general3A_126 = tpu.matmul %concatenate3A_124, %get3A_59, %dot_general3A_125 {dimension_numbers = #tpu.dot_dimension_numbers<[1], [1], [0], [0], [0, 0, 1, 0], [], []>, transpose_lhs_hint = false} : vector<256x1536xf32>, vector<512x1536xf32>, vector<256x512xf32> -> vector<256x512xf32>
    %add3A_127 = vector.broadcast %get3A_62 : vector<1x512xf32> to vector<256x512xf32>
    %add3A_128 = arith.addf %dot_general3A_126, %add3A_127 : vector<256x512xf32>
    %max3A_129 = arith.constant 0.000000e+00 : f32
    %max3A_130 = vector.broadcast %max3A_129 : f32 to vector<256x512xf32>
    %max3A_131 = arith.maximumf %add3A_128, %max3A_130 : vector<256x512xf32>
    %dot_general3A_132 = arith.constant dense<0.000000e+00> : vector<256x512xf32>
    %dot_general3A_133 = tpu.matmul %max3A_131, %get3A_65, %dot_general3A_132 {dimension_numbers = #tpu.dot_dimension_numbers<[1], [1], [0], [0], [0, 0, 1, 0], [], []>, transpose_lhs_hint = false} : vector<256x512xf32>, vector<512x512xf32>, vector<256x512xf32> -> vector<256x512xf32>
    %add3A_134 = arith.addf %max3A_56, %dot_general3A_133 : vector<256x512xf32>
    %add3A_135 = vector.broadcast %get3A_68 : vector<1x512xf32> to vector<256x512xf32>
    %add3A_136 = arith.addf %add3A_134, %add3A_135 : vector<256x512xf32>
    %get3A_137 = arith.constant 0 : index
    %get3A_138 = arith.constant 0 : index
    %get3A_139 = vector.load %arg7[%get3A_137, %get3A_138] : memref<512x1536xf32, #tpu.memory_space<vmem>>, vector<512x1536xf32>
    %get3A_140 = arith.constant 0 : index
    %get3A_141 = arith.constant 0 : index
    %get3A_142 = vector.load %arg8[%get3A_140, %get3A_141] : memref<1x512xf32, #tpu.memory_space<vmem>>, vector<1x512xf32>
    %get3A_143 = arith.constant 0 : index
    %get3A_144 = arith.constant 0 : index
    %get3A_145 = vector.load %arg9[%get3A_143, %get3A_144] : memref<512x512xf32, #tpu.memory_space<vmem>>, vector<512x512xf32>
    %get3A_146 = arith.constant 0 : index
    %get3A_147 = arith.constant 0 : index
    %get3A_148 = vector.load %arg10[%get3A_146, %get3A_147] : memref<1x512xf32, #tpu.memory_space<vmem>>, vector<1x512xf32>
    %max3A_149 = arith.constant 0.000000e+00 : f32
    %max3A_150 = vector.broadcast %max3A_149 : f32 to vector<256x512xf32>
    %max3A_151 = arith.maximumf %add3A_136, %max3A_150 : vector<256x512xf32>
    %broadcast_in_dim3A_152 = arith.constant 0.000000e+00 : f32
    %broadcast_in_dim3A_153 = vector.broadcast %broadcast_in_dim3A_152 : f32 to vector<3x512xf32>
    %slice3A_154 = vector.extract_strided_slice %max3A_151 {offsets = [0, 0], sizes = [253, 512], strides = [1, 1]} : vector<256x512xf32> to vector<253x512xf32>
    %concatenate3A_155 = tpu.concatenate %broadcast_in_dim3A_153, %slice3A_154 in 0 : vector<3x512xf32>, vector<253x512xf32> -> vector<256x512xf32>
    %iota3A_156 = tpu.iota {dimensions = array<i32: 0>} : vector<256x1xi32>
    %and3A_157 = arith.constant 7 : i32
    %and3A_158 = vector.broadcast %and3A_157 : i32 to vector<256x1xi32>
    %and3A_159 = arith.andi %iota3A_156, %and3A_158 : vector<256x1xi32>
    %add3A_160 = arith.constant -3 : i32
    %add3A_161 = vector.broadcast %add3A_160 : i32 to vector<256x1xi32>
    %add3A_162 = arith.addi %and3A_159, %add3A_161 : vector<256x1xi32>
    %ge3A_163 = arith.constant 0 : i32
    %ge3A_164 = vector.broadcast %ge3A_163 : i32 to vector<256x1xi32>
    %ge3A_165 = arith.cmpi sge, %add3A_162, %ge3A_164 : vector<256x1xi32>
    %add3A_166 = arith.constant -3 : i32
    %add3A_167 = vector.broadcast %add3A_166 : i32 to vector<256x1xi32>
    %add3A_168 = arith.addi %and3A_159, %add3A_167 : vector<256x1xi32>
    %lt3A_169 = arith.constant 8 : i32
    %lt3A_170 = vector.broadcast %lt3A_169 : i32 to vector<256x1xi32>
    %lt3A_171 = arith.cmpi slt, %add3A_168, %lt3A_170 : vector<256x1xi32>
    %and3A_172 = arith.andi %ge3A_165, %lt3A_171 : vector<256x1xi1>
    %broadcast_in_dim3A_173 = arith.constant 0.000000e+00 : f32
    %broadcast_in_dim3A_174 = vector.broadcast %broadcast_in_dim3A_173 : f32 to vector<256x512xf32>
    %broadcast_in_dim3A_175 = vector.shape_cast %and3A_172 : vector<256x1xi1> to vector<256x1xi1>
    %broadcast_in_dim3A_176 = vector.broadcast %broadcast_in_dim3A_175 : vector<256x1xi1> to vector<256x512xi1>
    %select_n3A_177 = arith.select %broadcast_in_dim3A_176, %concatenate3A_155, %broadcast_in_dim3A_174 : vector<256x512xi1>, vector<256x512xf32>
    %broadcast_in_dim3A_178 = arith.constant 0.000000e+00 : f32
    %broadcast_in_dim3A_179 = vector.broadcast %broadcast_in_dim3A_178 : f32 to vector<3x512xf32>
    %slice3A_180 = vector.extract_strided_slice %max3A_151 {offsets = [3, 0], sizes = [253, 512], strides = [1, 1]} : vector<256x512xf32> to vector<253x512xf32>
    %concatenate3A_181 = tpu.concatenate %slice3A_180, %broadcast_in_dim3A_179 in 0 : vector<253x512xf32>, vector<3x512xf32> -> vector<256x512xf32>
    %iota3A_182 = tpu.iota {dimensions = array<i32: 0>} : vector<256x1xi32>
    %and3A_183 = arith.constant 7 : i32
    %and3A_184 = vector.broadcast %and3A_183 : i32 to vector<256x1xi32>
    %and3A_185 = arith.andi %iota3A_182, %and3A_184 : vector<256x1xi32>
    %add3A_186 = arith.constant 3 : i32
    %add3A_187 = vector.broadcast %add3A_186 : i32 to vector<256x1xi32>
    %add3A_188 = arith.addi %and3A_185, %add3A_187 : vector<256x1xi32>
    %ge3A_189 = arith.constant 0 : i32
    %ge3A_190 = vector.broadcast %ge3A_189 : i32 to vector<256x1xi32>
    %ge3A_191 = arith.cmpi sge, %add3A_188, %ge3A_190 : vector<256x1xi32>
    %add3A_192 = arith.constant 3 : i32
    %add3A_193 = vector.broadcast %add3A_192 : i32 to vector<256x1xi32>
    %add3A_194 = arith.addi %and3A_185, %add3A_193 : vector<256x1xi32>
    %lt3A_195 = arith.constant 8 : i32
    %lt3A_196 = vector.broadcast %lt3A_195 : i32 to vector<256x1xi32>
    %lt3A_197 = arith.cmpi slt, %add3A_194, %lt3A_196 : vector<256x1xi32>
    %and3A_198 = arith.andi %ge3A_191, %lt3A_197 : vector<256x1xi1>
    %broadcast_in_dim3A_199 = arith.constant 0.000000e+00 : f32
    %broadcast_in_dim3A_200 = vector.broadcast %broadcast_in_dim3A_199 : f32 to vector<256x512xf32>
    %broadcast_in_dim3A_201 = vector.shape_cast %and3A_198 : vector<256x1xi1> to vector<256x1xi1>
    %broadcast_in_dim3A_202 = vector.broadcast %broadcast_in_dim3A_201 : vector<256x1xi1> to vector<256x512xi1>
    %select_n3A_203 = arith.select %broadcast_in_dim3A_202, %concatenate3A_181, %broadcast_in_dim3A_200 : vector<256x512xi1>, vector<256x512xf32>
    %concatenate3A_204 = tpu.concatenate %select_n3A_177, %max3A_151, %select_n3A_203 in 1 : vector<256x512xf32>, vector<256x512xf32>, vector<256x512xf32> -> vector<256x1536xf32>
    %dot_general3A_205 = arith.constant dense<0.000000e+00> : vector<256x512xf32>
    %dot_general3A_206 = tpu.matmul %concatenate3A_204, %get3A_139, %dot_general3A_205 {dimension_numbers = #tpu.dot_dimension_numbers<[1], [1], [0], [0], [0, 0, 1, 0], [], []>, transpose_lhs_hint = false} : vector<256x1536xf32>, vector<512x1536xf32>, vector<256x512xf32> -> vector<256x512xf32>
    %add3A_207 = vector.broadcast %get3A_142 : vector<1x512xf32> to vector<256x512xf32>
    %add3A_208 = arith.addf %dot_general3A_206, %add3A_207 : vector<256x512xf32>
    %max3A_209 = arith.constant 0.000000e+00 : f32
    %max3A_210 = vector.broadcast %max3A_209 : f32 to vector<256x512xf32>
    %max3A_211 = arith.maximumf %add3A_208, %max3A_210 : vector<256x512xf32>
    %dot_general3A_212 = arith.constant dense<0.000000e+00> : vector<256x512xf32>
    %dot_general3A_213 = tpu.matmul %max3A_211, %get3A_145, %dot_general3A_212 {dimension_numbers = #tpu.dot_dimension_numbers<[1], [1], [0], [0], [0, 0, 1, 0], [], []>, transpose_lhs_hint = false} : vector<256x512xf32>, vector<512x512xf32>, vector<256x512xf32> -> vector<256x512xf32>
    %add3A_214 = arith.addf %add3A_136, %dot_general3A_213 : vector<256x512xf32>
    %add3A_215 = vector.broadcast %get3A_148 : vector<1x512xf32> to vector<256x512xf32>
    %add3A_216 = arith.addf %add3A_214, %add3A_215 : vector<256x512xf32>
    %get3A_217 = arith.constant 0 : index
    %get3A_218 = arith.constant 0 : index
    %get3A_219 = vector.load %arg11[%get3A_217, %get3A_218] : memref<512x1536xf32, #tpu.memory_space<vmem>>, vector<512x1536xf32>
    %get3A_220 = arith.constant 0 : index
    %get3A_221 = arith.constant 0 : index
    %get3A_222 = vector.load %arg12[%get3A_220, %get3A_221] : memref<1x512xf32, #tpu.memory_space<vmem>>, vector<1x512xf32>
    %get3A_223 = arith.constant 0 : index
    %get3A_224 = arith.constant 0 : index
    %get3A_225 = vector.load %arg13[%get3A_223, %get3A_224] : memref<512x512xf32, #tpu.memory_space<vmem>>, vector<512x512xf32>
    %get3A_226 = arith.constant 0 : index
    %get3A_227 = arith.constant 0 : index
    %get3A_228 = vector.load %arg14[%get3A_226, %get3A_227] : memref<1x512xf32, #tpu.memory_space<vmem>>, vector<1x512xf32>
    %max3A_229 = arith.constant 0.000000e+00 : f32
    %max3A_230 = vector.broadcast %max3A_229 : f32 to vector<256x512xf32>
    %max3A_231 = arith.maximumf %add3A_216, %max3A_230 : vector<256x512xf32>
    %broadcast_in_dim3A_232 = arith.constant 0.000000e+00 : f32
    %broadcast_in_dim3A_233 = vector.broadcast %broadcast_in_dim3A_232 : f32 to vector<1x512xf32>
    %slice3A_234 = vector.extract_strided_slice %max3A_231 {offsets = [0, 0], sizes = [255, 512], strides = [1, 1]} : vector<256x512xf32> to vector<255x512xf32>
    %concatenate3A_235 = tpu.concatenate %broadcast_in_dim3A_233, %slice3A_234 in 0 : vector<1x512xf32>, vector<255x512xf32> -> vector<256x512xf32>
    %iota3A_236 = tpu.iota {dimensions = array<i32: 0>} : vector<256x1xi32>
    %and3A_237 = arith.constant 7 : i32
    %and3A_238 = vector.broadcast %and3A_237 : i32 to vector<256x1xi32>
    %and3A_239 = arith.andi %iota3A_236, %and3A_238 : vector<256x1xi32>
    %add3A_240 = arith.constant -1 : i32
    %add3A_241 = vector.broadcast %add3A_240 : i32 to vector<256x1xi32>
    %add3A_242 = arith.addi %and3A_239, %add3A_241 : vector<256x1xi32>
    %ge3A_243 = arith.constant 0 : i32
    %ge3A_244 = vector.broadcast %ge3A_243 : i32 to vector<256x1xi32>
    %ge3A_245 = arith.cmpi sge, %add3A_242, %ge3A_244 : vector<256x1xi32>
    %add3A_246 = arith.constant -1 : i32
    %add3A_247 = vector.broadcast %add3A_246 : i32 to vector<256x1xi32>
    %add3A_248 = arith.addi %and3A_239, %add3A_247 : vector<256x1xi32>
    %lt3A_249 = arith.constant 8 : i32
    %lt3A_250 = vector.broadcast %lt3A_249 : i32 to vector<256x1xi32>
    %lt3A_251 = arith.cmpi slt, %add3A_248, %lt3A_250 : vector<256x1xi32>
    %and3A_252 = arith.andi %ge3A_245, %lt3A_251 : vector<256x1xi1>
    %broadcast_in_dim3A_253 = arith.constant 0.000000e+00 : f32
    %broadcast_in_dim3A_254 = vector.broadcast %broadcast_in_dim3A_253 : f32 to vector<256x512xf32>
    %broadcast_in_dim3A_255 = vector.shape_cast %and3A_252 : vector<256x1xi1> to vector<256x1xi1>
    %broadcast_in_dim3A_256 = vector.broadcast %broadcast_in_dim3A_255 : vector<256x1xi1> to vector<256x512xi1>
    %select_n3A_257 = arith.select %broadcast_in_dim3A_256, %concatenate3A_235, %broadcast_in_dim3A_254 : vector<256x512xi1>, vector<256x512xf32>
    %broadcast_in_dim3A_258 = arith.constant 0.000000e+00 : f32
    %broadcast_in_dim3A_259 = vector.broadcast %broadcast_in_dim3A_258 : f32 to vector<1x512xf32>
    %slice3A_260 = vector.extract_strided_slice %max3A_231 {offsets = [1, 0], sizes = [255, 512], strides = [1, 1]} : vector<256x512xf32> to vector<255x512xf32>
    %concatenate3A_261 = tpu.concatenate %slice3A_260, %broadcast_in_dim3A_259 in 0 : vector<255x512xf32>, vector<1x512xf32> -> vector<256x512xf32>
    %iota3A_262 = tpu.iota {dimensions = array<i32: 0>} : vector<256x1xi32>
    %and3A_263 = arith.constant 7 : i32
    %and3A_264 = vector.broadcast %and3A_263 : i32 to vector<256x1xi32>
    %and3A_265 = arith.andi %iota3A_262, %and3A_264 : vector<256x1xi32>
    %add3A_266 = arith.constant 1 : i32
    %add3A_267 = vector.broadcast %add3A_266 : i32 to vector<256x1xi32>
    %add3A_268 = arith.addi %and3A_265, %add3A_267 : vector<256x1xi32>
    %ge3A_269 = arith.constant 0 : i32
    %ge3A_270 = vector.broadcast %ge3A_269 : i32 to vector<256x1xi32>
    %ge3A_271 = arith.cmpi sge, %add3A_268, %ge3A_270 : vector<256x1xi32>
    %add3A_272 = arith.constant 1 : i32
    %add3A_273 = vector.broadcast %add3A_272 : i32 to vector<256x1xi32>
    %add3A_274 = arith.addi %and3A_265, %add3A_273 : vector<256x1xi32>
    %lt3A_275 = arith.constant 8 : i32
    %lt3A_276 = vector.broadcast %lt3A_275 : i32 to vector<256x1xi32>
    %lt3A_277 = arith.cmpi slt, %add3A_274, %lt3A_276 : vector<256x1xi32>
    %and3A_278 = arith.andi %ge3A_271, %lt3A_277 : vector<256x1xi1>
    %broadcast_in_dim3A_279 = arith.constant 0.000000e+00 : f32
    %broadcast_in_dim3A_280 = vector.broadcast %broadcast_in_dim3A_279 : f32 to vector<256x512xf32>
    %broadcast_in_dim3A_281 = vector.shape_cast %and3A_278 : vector<256x1xi1> to vector<256x1xi1>
    %broadcast_in_dim3A_282 = vector.broadcast %broadcast_in_dim3A_281 : vector<256x1xi1> to vector<256x512xi1>
    %select_n3A_283 = arith.select %broadcast_in_dim3A_282, %concatenate3A_261, %broadcast_in_dim3A_280 : vector<256x512xi1>, vector<256x512xf32>
    %concatenate3A_284 = tpu.concatenate %select_n3A_257, %max3A_231, %select_n3A_283 in 1 : vector<256x512xf32>, vector<256x512xf32>, vector<256x512xf32> -> vector<256x1536xf32>
    %dot_general3A_285 = arith.constant dense<0.000000e+00> : vector<256x512xf32>
    %dot_general3A_286 = tpu.matmul %concatenate3A_284, %get3A_219, %dot_general3A_285 {dimension_numbers = #tpu.dot_dimension_numbers<[1], [1], [0], [0], [0, 0, 1, 0], [], []>, transpose_lhs_hint = false} : vector<256x1536xf32>, vector<512x1536xf32>, vector<256x512xf32> -> vector<256x512xf32>
    %add3A_287 = vector.broadcast %get3A_222 : vector<1x512xf32> to vector<256x512xf32>
    %add3A_288 = arith.addf %dot_general3A_286, %add3A_287 : vector<256x512xf32>
    %max3A_289 = arith.constant 0.000000e+00 : f32
    %max3A_290 = vector.broadcast %max3A_289 : f32 to vector<256x512xf32>
    %max3A_291 = arith.maximumf %add3A_288, %max3A_290 : vector<256x512xf32>
    %dot_general3A_292 = arith.constant dense<0.000000e+00> : vector<256x512xf32>
    %dot_general3A_293 = tpu.matmul %max3A_291, %get3A_225, %dot_general3A_292 {dimension_numbers = #tpu.dot_dimension_numbers<[1], [1], [0], [0], [0, 0, 1, 0], [], []>, transpose_lhs_hint = false} : vector<256x512xf32>, vector<512x512xf32>, vector<256x512xf32> -> vector<256x512xf32>
    %add3A_294 = arith.addf %add3A_216, %dot_general3A_293 : vector<256x512xf32>
    %add3A_295 = vector.broadcast %get3A_228 : vector<1x512xf32> to vector<256x512xf32>
    %add3A_296 = arith.addf %add3A_294, %add3A_295 : vector<256x512xf32>
    %get3A_297 = arith.constant 0 : index
    %get3A_298 = arith.constant 0 : index
    %get3A_299 = vector.load %arg15[%get3A_297, %get3A_298] : memref<512x1536xf32, #tpu.memory_space<vmem>>, vector<512x1536xf32>
    %get3A_300 = arith.constant 0 : index
    %get3A_301 = arith.constant 0 : index
    %get3A_302 = vector.load %arg16[%get3A_300, %get3A_301] : memref<1x512xf32, #tpu.memory_space<vmem>>, vector<1x512xf32>
    %broadcast_in_dim3A_303 = arith.constant 0.000000e+00 : f32
    %broadcast_in_dim3A_304 = vector.broadcast %broadcast_in_dim3A_303 : f32 to vector<1x512xf32>
    %slice3A_305 = vector.extract_strided_slice %add3A_296 {offsets = [0, 0], sizes = [255, 512], strides = [1, 1]} : vector<256x512xf32> to vector<255x512xf32>
    %concatenate3A_306 = tpu.concatenate %broadcast_in_dim3A_304, %slice3A_305 in 0 : vector<1x512xf32>, vector<255x512xf32> -> vector<256x512xf32>
    %iota3A_307 = tpu.iota {dimensions = array<i32: 0>} : vector<256x1xi32>
    %and3A_308 = arith.constant 7 : i32
    %and3A_309 = vector.broadcast %and3A_308 : i32 to vector<256x1xi32>
    %and3A_310 = arith.andi %iota3A_307, %and3A_309 : vector<256x1xi32>
    %add3A_311 = arith.constant -1 : i32
    %add3A_312 = vector.broadcast %add3A_311 : i32 to vector<256x1xi32>
    %add3A_313 = arith.addi %and3A_310, %add3A_312 : vector<256x1xi32>
    %ge3A_314 = arith.constant 0 : i32
    %ge3A_315 = vector.broadcast %ge3A_314 : i32 to vector<256x1xi32>
    %ge3A_316 = arith.cmpi sge, %add3A_313, %ge3A_315 : vector<256x1xi32>
    %add3A_317 = arith.constant -1 : i32
    %add3A_318 = vector.broadcast %add3A_317 : i32 to vector<256x1xi32>
    %add3A_319 = arith.addi %and3A_310, %add3A_318 : vector<256x1xi32>
    %lt3A_320 = arith.constant 8 : i32
    %lt3A_321 = vector.broadcast %lt3A_320 : i32 to vector<256x1xi32>
    %lt3A_322 = arith.cmpi slt, %add3A_319, %lt3A_321 : vector<256x1xi32>
    %and3A_323 = arith.andi %ge3A_316, %lt3A_322 : vector<256x1xi1>
    %broadcast_in_dim3A_324 = arith.constant 0.000000e+00 : f32
    %broadcast_in_dim3A_325 = vector.broadcast %broadcast_in_dim3A_324 : f32 to vector<256x512xf32>
    %broadcast_in_dim3A_326 = vector.shape_cast %and3A_323 : vector<256x1xi1> to vector<256x1xi1>
    %broadcast_in_dim3A_327 = vector.broadcast %broadcast_in_dim3A_326 : vector<256x1xi1> to vector<256x512xi1>
    %select_n3A_328 = arith.select %broadcast_in_dim3A_327, %concatenate3A_306, %broadcast_in_dim3A_325 : vector<256x512xi1>, vector<256x512xf32>
    %concatenate3A_329 = tpu.concatenate %select_n3A_328, %add3A_296, %add3A_296 in 1 : vector<256x512xf32>, vector<256x512xf32>, vector<256x512xf32> -> vector<256x1536xf32>
    %broadcast_in_dim3A_330 = arith.constant 0.000000e+00 : f32
    %broadcast_in_dim3A_331 = vector.broadcast %broadcast_in_dim3A_330 : f32 to vector<1x512xf32>
    %slice3A_332 = vector.extract_strided_slice %add3A_296 {offsets = [1, 0], sizes = [255, 512], strides = [1, 1]} : vector<256x512xf32> to vector<255x512xf32>
    %concatenate3A_333 = tpu.concatenate %slice3A_332, %broadcast_in_dim3A_331 in 0 : vector<255x512xf32>, vector<1x512xf32> -> vector<256x512xf32>
    %iota3A_334 = tpu.iota {dimensions = array<i32: 0>} : vector<256x1xi32>
    %and3A_335 = arith.constant 7 : i32
    %and3A_336 = vector.broadcast %and3A_335 : i32 to vector<256x1xi32>
    %and3A_337 = arith.andi %iota3A_334, %and3A_336 : vector<256x1xi32>
    %add3A_338 = arith.constant 1 : i32
    %add3A_339 = vector.broadcast %add3A_338 : i32 to vector<256x1xi32>
    %add3A_340 = arith.addi %and3A_337, %add3A_339 : vector<256x1xi32>
    %ge3A_341 = arith.constant 0 : i32
    %ge3A_342 = vector.broadcast %ge3A_341 : i32 to vector<256x1xi32>
    %ge3A_343 = arith.cmpi sge, %add3A_340, %ge3A_342 : vector<256x1xi32>
    %add3A_344 = arith.constant 1 : i32
    %add3A_345 = vector.broadcast %add3A_344 : i32 to vector<256x1xi32>
    %add3A_346 = arith.addi %and3A_337, %add3A_345 : vector<256x1xi32>
    %lt3A_347 = arith.constant 8 : i32
    %lt3A_348 = vector.broadcast %lt3A_347 : i32 to vector<256x1xi32>
    %lt3A_349 = arith.cmpi slt, %add3A_346, %lt3A_348 : vector<256x1xi32>
    %and3A_350 = arith.andi %ge3A_343, %lt3A_349 : vector<256x1xi1>
    %broadcast_in_dim3A_351 = arith.constant 0.000000e+00 : f32
    %broadcast_in_dim3A_352 = vector.broadcast %broadcast_in_dim3A_351 : f32 to vector<256x512xf32>
    %broadcast_in_dim3A_353 = vector.shape_cast %and3A_350 : vector<256x1xi1> to vector<256x1xi1>
    %broadcast_in_dim3A_354 = vector.broadcast %broadcast_in_dim3A_353 : vector<256x1xi1> to vector<256x512xi1>
    %select_n3A_355 = arith.select %broadcast_in_dim3A_354, %concatenate3A_333, %broadcast_in_dim3A_352 : vector<256x512xi1>, vector<256x512xf32>
    %concatenate3A_356 = tpu.concatenate %add3A_296, %add3A_296, %select_n3A_355 in 1 : vector<256x512xf32>, vector<256x512xf32>, vector<256x512xf32> -> vector<256x1536xf32>
    %dot_general3A_357 = arith.constant dense<0.000000e+00> : vector<256x512xf32>
    %dot_general3A_358 = tpu.matmul %concatenate3A_329, %get3A_299, %dot_general3A_357 {dimension_numbers = #tpu.dot_dimension_numbers<[1], [1], [0], [0], [0, 0, 1, 0], [], []>, transpose_lhs_hint = false} : vector<256x1536xf32>, vector<512x1536xf32>, vector<256x512xf32> -> vector<256x512xf32>
    %add3A_359 = vector.broadcast %get3A_302 : vector<1x512xf32> to vector<256x512xf32>
    %add3A_360 = arith.addf %dot_general3A_358, %add3A_359 : vector<256x512xf32>
    %swap3A = arith.constant 0 : index
    %swap3A_361 = arith.constant 0 : index
    %swap3A_362 = vector.load %arg17[%swap3A, %swap3A_361] : memref<256x512xf32, #tpu.memory_space<vmem>>, vector<256x512xf32>
    tpu.vector_store %arg17[%swap3A, %swap3A_361], %add3A_360 {strides = array<i32>} : memref<256x512xf32, #tpu.memory_space<vmem>>, vector<256x512xf32>,
    %dot_general3A_363 = arith.constant dense<0.000000e+00> : vector<256x512xf32>
    %dot_general3A_364 = tpu.matmul %concatenate3A_356, %get3A_299, %dot_general3A_363 {dimension_numbers = #tpu.dot_dimension_numbers<[1], [1], [0], [0], [0, 0, 1, 0], [], []>, transpose_lhs_hint = false} : vector<256x1536xf32>, vector<512x1536xf32>, vector<256x512xf32> -> vector<256x512xf32>
    %add3A_365 = vector.broadcast %get3A_302 : vector<1x512xf32> to vector<256x512xf32>
    %add3A_366 = arith.addf %dot_general3A_364, %add3A_365 : vector<256x512xf32>
    %swap3A_367 = arith.constant 0 : index
    %swap3A_368 = arith.constant 0 : index
    %swap3A_369 = vector.load %arg18[%swap3A_367, %swap3A_368] : memref<256x512xf32, #tpu.memory_space<vmem>>, vector<256x512xf32>
    tpu.vector_store %arg18[%swap3A_367, %swap3A_368], %add3A_366 {strides = array<i32>} : memref<256x512xf32, #tpu.memory_space<vmem>>, vector<256x512xf32>,
    return
  }
}

module attributes {stable_mosaic.version = 14 : i64} {
  func.func @body(%arg0: memref<512x512xf32, #tpu.memory_space<vmem>>, %arg1: memref<512x1536xf32, #tpu.memory_space<vmem>>, %arg2: memref<1x512xf32, #tpu.memory_space<vmem>>, %arg3: memref<512x512xf32, #tpu.memory_space<vmem>>, %arg4: memref<1x512xf32, #tpu.memory_space<vmem>>, %arg5: memref<512x1536xf32, #tpu.memory_space<vmem>>, %arg6: memref<1x512xf32, #tpu.memory_space<vmem>>, %arg7: memref<512x512xf32, #tpu.memory_space<vmem>>, %arg8: memref<1x512xf32, #tpu.memory_space<vmem>>, %arg9: memref<512x1536xf32, #tpu.memory_space<vmem>>, %arg10: memref<1x512xf32, #tpu.memory_space<vmem>>, %arg11: memref<512x512xf32, #tpu.memory_space<vmem>>, %arg12: memref<1x512xf32, #tpu.memory_space<vmem>>, %arg13: memref<512x1536xf32, #tpu.memory_space<vmem>>, %arg14: memref<1x512xf32, #tpu.memory_space<vmem>>, %arg15: memref<512x512xf32, #tpu.memory_space<vmem>>, %arg16: memref<512x512xf32, #tpu.memory_space<vmem>>) attributes {dimension_semantics = [], scalar_prefetch = 0 : i64, scratch_operands = 0 : i64, tpu.core_type = #tpu.core_type<tc>} {
    %get3A = arith.constant 0 : index
    %get3A_0 = arith.constant 0 : index
    %get3A_1 = vector.load %arg0[%get3A, %get3A_0] : memref<512x512xf32, #tpu.memory_space<vmem>>, vector<512x512xf32>
    %get3A_2 = arith.constant 0 : index
    %get3A_3 = arith.constant 0 : index
    %get3A_4 = vector.load %arg1[%get3A_2, %get3A_3] : memref<512x1536xf32, #tpu.memory_space<vmem>>, vector<512x1536xf32>
    %get3A_5 = arith.constant 0 : index
    %get3A_6 = arith.constant 0 : index
    %get3A_7 = vector.load %arg2[%get3A_5, %get3A_6] : memref<1x512xf32, #tpu.memory_space<vmem>>, vector<1x512xf32>
    %get3A_8 = arith.constant 0 : index
    %get3A_9 = arith.constant 0 : index
    %get3A_10 = vector.load %arg3[%get3A_8, %get3A_9] : memref<512x512xf32, #tpu.memory_space<vmem>>, vector<512x512xf32>
    %get3A_11 = arith.constant 0 : index
    %get3A_12 = arith.constant 0 : index
    %get3A_13 = vector.load %arg4[%get3A_11, %get3A_12] : memref<1x512xf32, #tpu.memory_space<vmem>>, vector<1x512xf32>
    %max3A = arith.constant 0.000000e+00 : f32
    %max3A_14 = vector.broadcast %max3A : f32 to vector<512x512xf32>
    %max3A_15 = arith.maximumf %get3A_1, %max3A_14 : vector<512x512xf32>
    %broadcast_in_dim3A = arith.constant 0.000000e+00 : f32
    %broadcast_in_dim3A_16 = vector.broadcast %broadcast_in_dim3A : f32 to vector<9x512xf32>
    %slice3A = vector.extract_strided_slice %max3A_15 {offsets = [0, 0], sizes = [503, 512], strides = [1, 1]} : vector<512x512xf32> to vector<503x512xf32>
    %concatenate3A = tpu.concatenate %broadcast_in_dim3A_16, %slice3A in 0 : vector<9x512xf32>, vector<503x512xf32> -> vector<512x512xf32>
    %iota3A = tpu.iota {dimensions = array<i32: 0>} : vector<512x1xi32>
    %and3A = arith.constant 15 : i32
    %and3A_17 = vector.broadcast %and3A : i32 to vector<512x1xi32>
    %and3A_18 = arith.andi %iota3A, %and3A_17 : vector<512x1xi32>
    %add3A = arith.constant -9 : i32
    %add3A_19 = vector.broadcast %add3A : i32 to vector<512x1xi32>
    %add3A_20 = arith.addi %and3A_18, %add3A_19 : vector<512x1xi32>
    %ge3A = arith.constant 0 : i32
    %ge3A_21 = vector.broadcast %ge3A : i32 to vector<512x1xi32>
    %ge3A_22 = arith.cmpi sge, %add3A_20, %ge3A_21 : vector<512x1xi32>
    %add3A_23 = arith.constant -9 : i32
    %add3A_24 = vector.broadcast %add3A_23 : i32 to vector<512x1xi32>
    %add3A_25 = arith.addi %and3A_18, %add3A_24 : vector<512x1xi32>
    %lt3A = arith.constant 16 : i32
    %lt3A_26 = vector.broadcast %lt3A : i32 to vector<512x1xi32>
    %lt3A_27 = arith.cmpi slt, %add3A_25, %lt3A_26 : vector<512x1xi32>
    %and3A_28 = arith.andi %ge3A_22, %lt3A_27 : vector<512x1xi1>
    %broadcast_in_dim3A_29 = arith.constant 0.000000e+00 : f32
    %broadcast_in_dim3A_30 = vector.broadcast %broadcast_in_dim3A_29 : f32 to vector<512x512xf32>
    %broadcast_in_dim3A_31 = vector.shape_cast %and3A_28 : vector<512x1xi1> to vector<512x1xi1>
    %broadcast_in_dim3A_32 = vector.broadcast %broadcast_in_dim3A_31 : vector<512x1xi1> to vector<512x512xi1>
    %select_n3A = arith.select %broadcast_in_dim3A_32, %concatenate3A, %broadcast_in_dim3A_30 : vector<512x512xi1>, vector<512x512xf32>
    %broadcast_in_dim3A_33 = arith.constant 0.000000e+00 : f32
    %broadcast_in_dim3A_34 = vector.broadcast %broadcast_in_dim3A_33 : f32 to vector<9x512xf32>
    %slice3A_35 = vector.extract_strided_slice %max3A_15 {offsets = [9, 0], sizes = [503, 512], strides = [1, 1]} : vector<512x512xf32> to vector<503x512xf32>
    %concatenate3A_36 = tpu.concatenate %slice3A_35, %broadcast_in_dim3A_34 in 0 : vector<503x512xf32>, vector<9x512xf32> -> vector<512x512xf32>
    %iota3A_37 = tpu.iota {dimensions = array<i32: 0>} : vector<512x1xi32>
    %and3A_38 = arith.constant 15 : i32
    %and3A_39 = vector.broadcast %and3A_38 : i32 to vector<512x1xi32>
    %and3A_40 = arith.andi %iota3A_37, %and3A_39 : vector<512x1xi32>
    %add3A_41 = arith.constant 9 : i32
    %add3A_42 = vector.broadcast %add3A_41 : i32 to vector<512x1xi32>
    %add3A_43 = arith.addi %and3A_40, %add3A_42 : vector<512x1xi32>
    %ge3A_44 = arith.constant 0 : i32
    %ge3A_45 = vector.broadcast %ge3A_44 : i32 to vector<512x1xi32>
    %ge3A_46 = arith.cmpi sge, %add3A_43, %ge3A_45 : vector<512x1xi32>
    %add3A_47 = arith.constant 9 : i32
    %add3A_48 = vector.broadcast %add3A_47 : i32 to vector<512x1xi32>
    %add3A_49 = arith.addi %and3A_40, %add3A_48 : vector<512x1xi32>
    %lt3A_50 = arith.constant 16 : i32
    %lt3A_51 = vector.broadcast %lt3A_50 : i32 to vector<512x1xi32>
    %lt3A_52 = arith.cmpi slt, %add3A_49, %lt3A_51 : vector<512x1xi32>
    %and3A_53 = arith.andi %ge3A_46, %lt3A_52 : vector<512x1xi1>
    %broadcast_in_dim3A_54 = arith.constant 0.000000e+00 : f32
    %broadcast_in_dim3A_55 = vector.broadcast %broadcast_in_dim3A_54 : f32 to vector<512x512xf32>
    %broadcast_in_dim3A_56 = vector.shape_cast %and3A_53 : vector<512x1xi1> to vector<512x1xi1>
    %broadcast_in_dim3A_57 = vector.broadcast %broadcast_in_dim3A_56 : vector<512x1xi1> to vector<512x512xi1>
    %select_n3A_58 = arith.select %broadcast_in_dim3A_57, %concatenate3A_36, %broadcast_in_dim3A_55 : vector<512x512xi1>, vector<512x512xf32>
    %concatenate3A_59 = tpu.concatenate %select_n3A, %max3A_15, %select_n3A_58 in 1 : vector<512x512xf32>, vector<512x512xf32>, vector<512x512xf32> -> vector<512x1536xf32>
    %dot_general3A = arith.constant dense<0.000000e+00> : vector<512x512xf32>
    %dot_general3A_60 = tpu.matmul %concatenate3A_59, %get3A_4, %dot_general3A {dimension_numbers = #tpu.dot_dimension_numbers<[1], [1], [0], [0], [0, 0, 1, 0], [], []>, transpose_lhs_hint = false} : vector<512x1536xf32>, vector<512x1536xf32>, vector<512x512xf32> -> vector<512x512xf32>
    %add3A_61 = vector.broadcast %get3A_7 : vector<1x512xf32> to vector<512x512xf32>
    %add3A_62 = arith.addf %dot_general3A_60, %add3A_61 : vector<512x512xf32>
    %max3A_63 = arith.constant 0.000000e+00 : f32
    %max3A_64 = vector.broadcast %max3A_63 : f32 to vector<512x512xf32>
    %max3A_65 = arith.maximumf %add3A_62, %max3A_64 : vector<512x512xf32>
    %dot_general3A_66 = arith.constant dense<0.000000e+00> : vector<512x512xf32>
    %dot_general3A_67 = tpu.matmul %max3A_65, %get3A_10, %dot_general3A_66 {dimension_numbers = #tpu.dot_dimension_numbers<[1], [1], [0], [0], [0, 0, 1, 0], [], []>, transpose_lhs_hint = false} : vector<512x512xf32>, vector<512x512xf32>, vector<512x512xf32> -> vector<512x512xf32>
    %add3A_68 = arith.addf %get3A_1, %dot_general3A_67 : vector<512x512xf32>
    %add3A_69 = vector.broadcast %get3A_13 : vector<1x512xf32> to vector<512x512xf32>
    %add3A_70 = arith.addf %add3A_68, %add3A_69 : vector<512x512xf32>
    %get3A_71 = arith.constant 0 : index
    %get3A_72 = arith.constant 0 : index
    %get3A_73 = vector.load %arg5[%get3A_71, %get3A_72] : memref<512x1536xf32, #tpu.memory_space<vmem>>, vector<512x1536xf32>
    %get3A_74 = arith.constant 0 : index
    %get3A_75 = arith.constant 0 : index
    %get3A_76 = vector.load %arg6[%get3A_74, %get3A_75] : memref<1x512xf32, #tpu.memory_space<vmem>>, vector<1x512xf32>
    %get3A_77 = arith.constant 0 : index
    %get3A_78 = arith.constant 0 : index
    %get3A_79 = vector.load %arg7[%get3A_77, %get3A_78] : memref<512x512xf32, #tpu.memory_space<vmem>>, vector<512x512xf32>
    %get3A_80 = arith.constant 0 : index
    %get3A_81 = arith.constant 0 : index
    %get3A_82 = vector.load %arg8[%get3A_80, %get3A_81] : memref<1x512xf32, #tpu.memory_space<vmem>>, vector<1x512xf32>
    %max3A_83 = arith.constant 0.000000e+00 : f32
    %max3A_84 = vector.broadcast %max3A_83 : f32 to vector<512x512xf32>
    %max3A_85 = arith.maximumf %add3A_70, %max3A_84 : vector<512x512xf32>
    %broadcast_in_dim3A_86 = arith.constant 0.000000e+00 : f32
    %broadcast_in_dim3A_87 = vector.broadcast %broadcast_in_dim3A_86 : f32 to vector<3x512xf32>
    %slice3A_88 = vector.extract_strided_slice %max3A_85 {offsets = [0, 0], sizes = [509, 512], strides = [1, 1]} : vector<512x512xf32> to vector<509x512xf32>
    %concatenate3A_89 = tpu.concatenate %broadcast_in_dim3A_87, %slice3A_88 in 0 : vector<3x512xf32>, vector<509x512xf32> -> vector<512x512xf32>
    %iota3A_90 = tpu.iota {dimensions = array<i32: 0>} : vector<512x1xi32>
    %and3A_91 = arith.constant 15 : i32
    %and3A_92 = vector.broadcast %and3A_91 : i32 to vector<512x1xi32>
    %and3A_93 = arith.andi %iota3A_90, %and3A_92 : vector<512x1xi32>
    %add3A_94 = arith.constant -3 : i32
    %add3A_95 = vector.broadcast %add3A_94 : i32 to vector<512x1xi32>
    %add3A_96 = arith.addi %and3A_93, %add3A_95 : vector<512x1xi32>
    %ge3A_97 = arith.constant 0 : i32
    %ge3A_98 = vector.broadcast %ge3A_97 : i32 to vector<512x1xi32>
    %ge3A_99 = arith.cmpi sge, %add3A_96, %ge3A_98 : vector<512x1xi32>
    %add3A_100 = arith.constant -3 : i32
    %add3A_101 = vector.broadcast %add3A_100 : i32 to vector<512x1xi32>
    %add3A_102 = arith.addi %and3A_93, %add3A_101 : vector<512x1xi32>
    %lt3A_103 = arith.constant 16 : i32
    %lt3A_104 = vector.broadcast %lt3A_103 : i32 to vector<512x1xi32>
    %lt3A_105 = arith.cmpi slt, %add3A_102, %lt3A_104 : vector<512x1xi32>
    %and3A_106 = arith.andi %ge3A_99, %lt3A_105 : vector<512x1xi1>
    %broadcast_in_dim3A_107 = arith.constant 0.000000e+00 : f32
    %broadcast_in_dim3A_108 = vector.broadcast %broadcast_in_dim3A_107 : f32 to vector<512x512xf32>
    %broadcast_in_dim3A_109 = vector.shape_cast %and3A_106 : vector<512x1xi1> to vector<512x1xi1>
    %broadcast_in_dim3A_110 = vector.broadcast %broadcast_in_dim3A_109 : vector<512x1xi1> to vector<512x512xi1>
    %select_n3A_111 = arith.select %broadcast_in_dim3A_110, %concatenate3A_89, %broadcast_in_dim3A_108 : vector<512x512xi1>, vector<512x512xf32>
    %broadcast_in_dim3A_112 = arith.constant 0.000000e+00 : f32
    %broadcast_in_dim3A_113 = vector.broadcast %broadcast_in_dim3A_112 : f32 to vector<3x512xf32>
    %slice3A_114 = vector.extract_strided_slice %max3A_85 {offsets = [3, 0], sizes = [509, 512], strides = [1, 1]} : vector<512x512xf32> to vector<509x512xf32>
    %concatenate3A_115 = tpu.concatenate %slice3A_114, %broadcast_in_dim3A_113 in 0 : vector<509x512xf32>, vector<3x512xf32> -> vector<512x512xf32>
    %iota3A_116 = tpu.iota {dimensions = array<i32: 0>} : vector<512x1xi32>
    %and3A_117 = arith.constant 15 : i32
    %and3A_118 = vector.broadcast %and3A_117 : i32 to vector<512x1xi32>
    %and3A_119 = arith.andi %iota3A_116, %and3A_118 : vector<512x1xi32>
    %add3A_120 = arith.constant 3 : i32
    %add3A_121 = vector.broadcast %add3A_120 : i32 to vector<512x1xi32>
    %add3A_122 = arith.addi %and3A_119, %add3A_121 : vector<512x1xi32>
    %ge3A_123 = arith.constant 0 : i32
    %ge3A_124 = vector.broadcast %ge3A_123 : i32 to vector<512x1xi32>
    %ge3A_125 = arith.cmpi sge, %add3A_122, %ge3A_124 : vector<512x1xi32>
    %add3A_126 = arith.constant 3 : i32
    %add3A_127 = vector.broadcast %add3A_126 : i32 to vector<512x1xi32>
    %add3A_128 = arith.addi %and3A_119, %add3A_127 : vector<512x1xi32>
    %lt3A_129 = arith.constant 16 : i32
    %lt3A_130 = vector.broadcast %lt3A_129 : i32 to vector<512x1xi32>
    %lt3A_131 = arith.cmpi slt, %add3A_128, %lt3A_130 : vector<512x1xi32>
    %and3A_132 = arith.andi %ge3A_125, %lt3A_131 : vector<512x1xi1>
    %broadcast_in_dim3A_133 = arith.constant 0.000000e+00 : f32
    %broadcast_in_dim3A_134 = vector.broadcast %broadcast_in_dim3A_133 : f32 to vector<512x512xf32>
    %broadcast_in_dim3A_135 = vector.shape_cast %and3A_132 : vector<512x1xi1> to vector<512x1xi1>
    %broadcast_in_dim3A_136 = vector.broadcast %broadcast_in_dim3A_135 : vector<512x1xi1> to vector<512x512xi1>
    %select_n3A_137 = arith.select %broadcast_in_dim3A_136, %concatenate3A_115, %broadcast_in_dim3A_134 : vector<512x512xi1>, vector<512x512xf32>
    %concatenate3A_138 = tpu.concatenate %select_n3A_111, %max3A_85, %select_n3A_137 in 1 : vector<512x512xf32>, vector<512x512xf32>, vector<512x512xf32> -> vector<512x1536xf32>
    %dot_general3A_139 = arith.constant dense<0.000000e+00> : vector<512x512xf32>
    %dot_general3A_140 = tpu.matmul %concatenate3A_138, %get3A_73, %dot_general3A_139 {dimension_numbers = #tpu.dot_dimension_numbers<[1], [1], [0], [0], [0, 0, 1, 0], [], []>, transpose_lhs_hint = false} : vector<512x1536xf32>, vector<512x1536xf32>, vector<512x512xf32> -> vector<512x512xf32>
    %add3A_141 = vector.broadcast %get3A_76 : vector<1x512xf32> to vector<512x512xf32>
    %add3A_142 = arith.addf %dot_general3A_140, %add3A_141 : vector<512x512xf32>
    %max3A_143 = arith.constant 0.000000e+00 : f32
    %max3A_144 = vector.broadcast %max3A_143 : f32 to vector<512x512xf32>
    %max3A_145 = arith.maximumf %add3A_142, %max3A_144 : vector<512x512xf32>
    %dot_general3A_146 = arith.constant dense<0.000000e+00> : vector<512x512xf32>
    %dot_general3A_147 = tpu.matmul %max3A_145, %get3A_79, %dot_general3A_146 {dimension_numbers = #tpu.dot_dimension_numbers<[1], [1], [0], [0], [0, 0, 1, 0], [], []>, transpose_lhs_hint = false} : vector<512x512xf32>, vector<512x512xf32>, vector<512x512xf32> -> vector<512x512xf32>
    %add3A_148 = arith.addf %add3A_70, %dot_general3A_147 : vector<512x512xf32>
    %add3A_149 = vector.broadcast %get3A_82 : vector<1x512xf32> to vector<512x512xf32>
    %add3A_150 = arith.addf %add3A_148, %add3A_149 : vector<512x512xf32>
    %get3A_151 = arith.constant 0 : index
    %get3A_152 = arith.constant 0 : index
    %get3A_153 = vector.load %arg9[%get3A_151, %get3A_152] : memref<512x1536xf32, #tpu.memory_space<vmem>>, vector<512x1536xf32>
    %get3A_154 = arith.constant 0 : index
    %get3A_155 = arith.constant 0 : index
    %get3A_156 = vector.load %arg10[%get3A_154, %get3A_155] : memref<1x512xf32, #tpu.memory_space<vmem>>, vector<1x512xf32>
    %get3A_157 = arith.constant 0 : index
    %get3A_158 = arith.constant 0 : index
    %get3A_159 = vector.load %arg11[%get3A_157, %get3A_158] : memref<512x512xf32, #tpu.memory_space<vmem>>, vector<512x512xf32>
    %get3A_160 = arith.constant 0 : index
    %get3A_161 = arith.constant 0 : index
    %get3A_162 = vector.load %arg12[%get3A_160, %get3A_161] : memref<1x512xf32, #tpu.memory_space<vmem>>, vector<1x512xf32>
    %max3A_163 = arith.constant 0.000000e+00 : f32
    %max3A_164 = vector.broadcast %max3A_163 : f32 to vector<512x512xf32>
    %max3A_165 = arith.maximumf %add3A_150, %max3A_164 : vector<512x512xf32>
    %broadcast_in_dim3A_166 = arith.constant 0.000000e+00 : f32
    %broadcast_in_dim3A_167 = vector.broadcast %broadcast_in_dim3A_166 : f32 to vector<1x512xf32>
    %slice3A_168 = vector.extract_strided_slice %max3A_165 {offsets = [0, 0], sizes = [511, 512], strides = [1, 1]} : vector<512x512xf32> to vector<511x512xf32>
    %concatenate3A_169 = tpu.concatenate %broadcast_in_dim3A_167, %slice3A_168 in 0 : vector<1x512xf32>, vector<511x512xf32> -> vector<512x512xf32>
    %iota3A_170 = tpu.iota {dimensions = array<i32: 0>} : vector<512x1xi32>
    %and3A_171 = arith.constant 15 : i32
    %and3A_172 = vector.broadcast %and3A_171 : i32 to vector<512x1xi32>
    %and3A_173 = arith.andi %iota3A_170, %and3A_172 : vector<512x1xi32>
    %add3A_174 = arith.constant -1 : i32
    %add3A_175 = vector.broadcast %add3A_174 : i32 to vector<512x1xi32>
    %add3A_176 = arith.addi %and3A_173, %add3A_175 : vector<512x1xi32>
    %ge3A_177 = arith.constant 0 : i32
    %ge3A_178 = vector.broadcast %ge3A_177 : i32 to vector<512x1xi32>
    %ge3A_179 = arith.cmpi sge, %add3A_176, %ge3A_178 : vector<512x1xi32>
    %add3A_180 = arith.constant -1 : i32
    %add3A_181 = vector.broadcast %add3A_180 : i32 to vector<512x1xi32>
    %add3A_182 = arith.addi %and3A_173, %add3A_181 : vector<512x1xi32>
    %lt3A_183 = arith.constant 16 : i32
    %lt3A_184 = vector.broadcast %lt3A_183 : i32 to vector<512x1xi32>
    %lt3A_185 = arith.cmpi slt, %add3A_182, %lt3A_184 : vector<512x1xi32>
    %and3A_186 = arith.andi %ge3A_179, %lt3A_185 : vector<512x1xi1>
    %broadcast_in_dim3A_187 = arith.constant 0.000000e+00 : f32
    %broadcast_in_dim3A_188 = vector.broadcast %broadcast_in_dim3A_187 : f32 to vector<512x512xf32>
    %broadcast_in_dim3A_189 = vector.shape_cast %and3A_186 : vector<512x1xi1> to vector<512x1xi1>
    %broadcast_in_dim3A_190 = vector.broadcast %broadcast_in_dim3A_189 : vector<512x1xi1> to vector<512x512xi1>
    %select_n3A_191 = arith.select %broadcast_in_dim3A_190, %concatenate3A_169, %broadcast_in_dim3A_188 : vector<512x512xi1>, vector<512x512xf32>
    %broadcast_in_dim3A_192 = arith.constant 0.000000e+00 : f32
    %broadcast_in_dim3A_193 = vector.broadcast %broadcast_in_dim3A_192 : f32 to vector<1x512xf32>
    %slice3A_194 = vector.extract_strided_slice %max3A_165 {offsets = [1, 0], sizes = [511, 512], strides = [1, 1]} : vector<512x512xf32> to vector<511x512xf32>
    %concatenate3A_195 = tpu.concatenate %slice3A_194, %broadcast_in_dim3A_193 in 0 : vector<511x512xf32>, vector<1x512xf32> -> vector<512x512xf32>
    %iota3A_196 = tpu.iota {dimensions = array<i32: 0>} : vector<512x1xi32>
    %and3A_197 = arith.constant 15 : i32
    %and3A_198 = vector.broadcast %and3A_197 : i32 to vector<512x1xi32>
    %and3A_199 = arith.andi %iota3A_196, %and3A_198 : vector<512x1xi32>
    %add3A_200 = arith.constant 1 : i32
    %add3A_201 = vector.broadcast %add3A_200 : i32 to vector<512x1xi32>
    %add3A_202 = arith.addi %and3A_199, %add3A_201 : vector<512x1xi32>
    %ge3A_203 = arith.constant 0 : i32
    %ge3A_204 = vector.broadcast %ge3A_203 : i32 to vector<512x1xi32>
    %ge3A_205 = arith.cmpi sge, %add3A_202, %ge3A_204 : vector<512x1xi32>
    %add3A_206 = arith.constant 1 : i32
    %add3A_207 = vector.broadcast %add3A_206 : i32 to vector<512x1xi32>
    %add3A_208 = arith.addi %and3A_199, %add3A_207 : vector<512x1xi32>
    %lt3A_209 = arith.constant 16 : i32
    %lt3A_210 = vector.broadcast %lt3A_209 : i32 to vector<512x1xi32>
    %lt3A_211 = arith.cmpi slt, %add3A_208, %lt3A_210 : vector<512x1xi32>
    %and3A_212 = arith.andi %ge3A_205, %lt3A_211 : vector<512x1xi1>
    %broadcast_in_dim3A_213 = arith.constant 0.000000e+00 : f32
    %broadcast_in_dim3A_214 = vector.broadcast %broadcast_in_dim3A_213 : f32 to vector<512x512xf32>
    %broadcast_in_dim3A_215 = vector.shape_cast %and3A_212 : vector<512x1xi1> to vector<512x1xi1>
    %broadcast_in_dim3A_216 = vector.broadcast %broadcast_in_dim3A_215 : vector<512x1xi1> to vector<512x512xi1>
    %select_n3A_217 = arith.select %broadcast_in_dim3A_216, %concatenate3A_195, %broadcast_in_dim3A_214 : vector<512x512xi1>, vector<512x512xf32>
    %concatenate3A_218 = tpu.concatenate %select_n3A_191, %max3A_165, %select_n3A_217 in 1 : vector<512x512xf32>, vector<512x512xf32>, vector<512x512xf32> -> vector<512x1536xf32>
    %dot_general3A_219 = arith.constant dense<0.000000e+00> : vector<512x512xf32>
    %dot_general3A_220 = tpu.matmul %concatenate3A_218, %get3A_153, %dot_general3A_219 {dimension_numbers = #tpu.dot_dimension_numbers<[1], [1], [0], [0], [0, 0, 1, 0], [], []>, transpose_lhs_hint = false} : vector<512x1536xf32>, vector<512x1536xf32>, vector<512x512xf32> -> vector<512x512xf32>
    %add3A_221 = vector.broadcast %get3A_156 : vector<1x512xf32> to vector<512x512xf32>
    %add3A_222 = arith.addf %dot_general3A_220, %add3A_221 : vector<512x512xf32>
    %max3A_223 = arith.constant 0.000000e+00 : f32
    %max3A_224 = vector.broadcast %max3A_223 : f32 to vector<512x512xf32>
    %max3A_225 = arith.maximumf %add3A_222, %max3A_224 : vector<512x512xf32>
    %dot_general3A_226 = arith.constant dense<0.000000e+00> : vector<512x512xf32>
    %dot_general3A_227 = tpu.matmul %max3A_225, %get3A_159, %dot_general3A_226 {dimension_numbers = #tpu.dot_dimension_numbers<[1], [1], [0], [0], [0, 0, 1, 0], [], []>, transpose_lhs_hint = false} : vector<512x512xf32>, vector<512x512xf32>, vector<512x512xf32> -> vector<512x512xf32>
    %add3A_228 = arith.addf %add3A_150, %dot_general3A_227 : vector<512x512xf32>
    %add3A_229 = vector.broadcast %get3A_162 : vector<1x512xf32> to vector<512x512xf32>
    %add3A_230 = arith.addf %add3A_228, %add3A_229 : vector<512x512xf32>
    %get3A_231 = arith.constant 0 : index
    %get3A_232 = arith.constant 0 : index
    %get3A_233 = vector.load %arg13[%get3A_231, %get3A_232] : memref<512x1536xf32, #tpu.memory_space<vmem>>, vector<512x1536xf32>
    %get3A_234 = arith.constant 0 : index
    %get3A_235 = arith.constant 0 : index
    %get3A_236 = vector.load %arg14[%get3A_234, %get3A_235] : memref<1x512xf32, #tpu.memory_space<vmem>>, vector<1x512xf32>
    %broadcast_in_dim3A_237 = arith.constant 0.000000e+00 : f32
    %broadcast_in_dim3A_238 = vector.broadcast %broadcast_in_dim3A_237 : f32 to vector<1x512xf32>
    %slice3A_239 = vector.extract_strided_slice %add3A_230 {offsets = [0, 0], sizes = [511, 512], strides = [1, 1]} : vector<512x512xf32> to vector<511x512xf32>
    %concatenate3A_240 = tpu.concatenate %broadcast_in_dim3A_238, %slice3A_239 in 0 : vector<1x512xf32>, vector<511x512xf32> -> vector<512x512xf32>
    %iota3A_241 = tpu.iota {dimensions = array<i32: 0>} : vector<512x1xi32>
    %and3A_242 = arith.constant 15 : i32
    %and3A_243 = vector.broadcast %and3A_242 : i32 to vector<512x1xi32>
    %and3A_244 = arith.andi %iota3A_241, %and3A_243 : vector<512x1xi32>
    %add3A_245 = arith.constant -1 : i32
    %add3A_246 = vector.broadcast %add3A_245 : i32 to vector<512x1xi32>
    %add3A_247 = arith.addi %and3A_244, %add3A_246 : vector<512x1xi32>
    %ge3A_248 = arith.constant 0 : i32
    %ge3A_249 = vector.broadcast %ge3A_248 : i32 to vector<512x1xi32>
    %ge3A_250 = arith.cmpi sge, %add3A_247, %ge3A_249 : vector<512x1xi32>
    %add3A_251 = arith.constant -1 : i32
    %add3A_252 = vector.broadcast %add3A_251 : i32 to vector<512x1xi32>
    %add3A_253 = arith.addi %and3A_244, %add3A_252 : vector<512x1xi32>
    %lt3A_254 = arith.constant 16 : i32
    %lt3A_255 = vector.broadcast %lt3A_254 : i32 to vector<512x1xi32>
    %lt3A_256 = arith.cmpi slt, %add3A_253, %lt3A_255 : vector<512x1xi32>
    %and3A_257 = arith.andi %ge3A_250, %lt3A_256 : vector<512x1xi1>
    %broadcast_in_dim3A_258 = arith.constant 0.000000e+00 : f32
    %broadcast_in_dim3A_259 = vector.broadcast %broadcast_in_dim3A_258 : f32 to vector<512x512xf32>
    %broadcast_in_dim3A_260 = vector.shape_cast %and3A_257 : vector<512x1xi1> to vector<512x1xi1>
    %broadcast_in_dim3A_261 = vector.broadcast %broadcast_in_dim3A_260 : vector<512x1xi1> to vector<512x512xi1>
    %select_n3A_262 = arith.select %broadcast_in_dim3A_261, %concatenate3A_240, %broadcast_in_dim3A_259 : vector<512x512xi1>, vector<512x512xf32>
    %concatenate3A_263 = tpu.concatenate %select_n3A_262, %add3A_230, %add3A_230 in 1 : vector<512x512xf32>, vector<512x512xf32>, vector<512x512xf32> -> vector<512x1536xf32>
    %broadcast_in_dim3A_264 = arith.constant 0.000000e+00 : f32
    %broadcast_in_dim3A_265 = vector.broadcast %broadcast_in_dim3A_264 : f32 to vector<1x512xf32>
    %slice3A_266 = vector.extract_strided_slice %add3A_230 {offsets = [1, 0], sizes = [511, 512], strides = [1, 1]} : vector<512x512xf32> to vector<511x512xf32>
    %concatenate3A_267 = tpu.concatenate %slice3A_266, %broadcast_in_dim3A_265 in 0 : vector<511x512xf32>, vector<1x512xf32> -> vector<512x512xf32>
    %iota3A_268 = tpu.iota {dimensions = array<i32: 0>} : vector<512x1xi32>
    %and3A_269 = arith.constant 15 : i32
    %and3A_270 = vector.broadcast %and3A_269 : i32 to vector<512x1xi32>
    %and3A_271 = arith.andi %iota3A_268, %and3A_270 : vector<512x1xi32>
    %add3A_272 = arith.constant 1 : i32
    %add3A_273 = vector.broadcast %add3A_272 : i32 to vector<512x1xi32>
    %add3A_274 = arith.addi %and3A_271, %add3A_273 : vector<512x1xi32>
    %ge3A_275 = arith.constant 0 : i32
    %ge3A_276 = vector.broadcast %ge3A_275 : i32 to vector<512x1xi32>
    %ge3A_277 = arith.cmpi sge, %add3A_274, %ge3A_276 : vector<512x1xi32>
    %add3A_278 = arith.constant 1 : i32
    %add3A_279 = vector.broadcast %add3A_278 : i32 to vector<512x1xi32>
    %add3A_280 = arith.addi %and3A_271, %add3A_279 : vector<512x1xi32>
    %lt3A_281 = arith.constant 16 : i32
    %lt3A_282 = vector.broadcast %lt3A_281 : i32 to vector<512x1xi32>
    %lt3A_283 = arith.cmpi slt, %add3A_280, %lt3A_282 : vector<512x1xi32>
    %and3A_284 = arith.andi %ge3A_277, %lt3A_283 : vector<512x1xi1>
    %broadcast_in_dim3A_285 = arith.constant 0.000000e+00 : f32
    %broadcast_in_dim3A_286 = vector.broadcast %broadcast_in_dim3A_285 : f32 to vector<512x512xf32>
    %broadcast_in_dim3A_287 = vector.shape_cast %and3A_284 : vector<512x1xi1> to vector<512x1xi1>
    %broadcast_in_dim3A_288 = vector.broadcast %broadcast_in_dim3A_287 : vector<512x1xi1> to vector<512x512xi1>
    %select_n3A_289 = arith.select %broadcast_in_dim3A_288, %concatenate3A_267, %broadcast_in_dim3A_286 : vector<512x512xi1>, vector<512x512xf32>
    %concatenate3A_290 = tpu.concatenate %add3A_230, %add3A_230, %select_n3A_289 in 1 : vector<512x512xf32>, vector<512x512xf32>, vector<512x512xf32> -> vector<512x1536xf32>
    %dot_general3A_291 = arith.constant dense<0.000000e+00> : vector<512x512xf32>
    %dot_general3A_292 = tpu.matmul %concatenate3A_263, %get3A_233, %dot_general3A_291 {dimension_numbers = #tpu.dot_dimension_numbers<[1], [1], [0], [0], [0, 0, 1, 0], [], []>, transpose_lhs_hint = false} : vector<512x1536xf32>, vector<512x1536xf32>, vector<512x512xf32> -> vector<512x512xf32>
    %add3A_293 = vector.broadcast %get3A_236 : vector<1x512xf32> to vector<512x512xf32>
    %add3A_294 = arith.addf %dot_general3A_292, %add3A_293 : vector<512x512xf32>
    %swap3A = arith.constant 0 : index
    %swap3A_295 = arith.constant 0 : index
    %swap3A_296 = vector.load %arg15[%swap3A, %swap3A_295] : memref<512x512xf32, #tpu.memory_space<vmem>>, vector<512x512xf32>
    tpu.vector_store %arg15[%swap3A, %swap3A_295], %add3A_294 {strides = array<i32>} : memref<512x512xf32, #tpu.memory_space<vmem>>, vector<512x512xf32>,
    %dot_general3A_297 = arith.constant dense<0.000000e+00> : vector<512x512xf32>
    %dot_general3A_298 = tpu.matmul %concatenate3A_290, %get3A_233, %dot_general3A_297 {dimension_numbers = #tpu.dot_dimension_numbers<[1], [1], [0], [0], [0, 0, 1, 0], [], []>, transpose_lhs_hint = false} : vector<512x1536xf32>, vector<512x1536xf32>, vector<512x512xf32> -> vector<512x512xf32>
    %add3A_299 = vector.broadcast %get3A_236 : vector<1x512xf32> to vector<512x512xf32>
    %add3A_300 = arith.addf %dot_general3A_298, %add3A_299 : vector<512x512xf32>
    %swap3A_301 = arith.constant 0 : index
    %swap3A_302 = arith.constant 0 : index
    %swap3A_303 = vector.load %arg16[%swap3A_301, %swap3A_302] : memref<512x512xf32, #tpu.memory_space<vmem>>, vector<512x512xf32>
    tpu.vector_store %arg16[%swap3A_301, %swap3A_302], %add3A_300 {strides = array<i32>} : memref<512x512xf32, #tpu.memory_space<vmem>>, vector<512x512xf32>,
    return
  }
}

module attributes {stable_mosaic.version = 14 : i64} {
  func.func @body(%arg0: memref<1024x512xf32, #tpu.memory_space<vmem>>, %arg1: memref<512x1536xf32, #tpu.memory_space<vmem>>, %arg2: memref<1x512xf32, #tpu.memory_space<vmem>>, %arg3: memref<512x512xf32, #tpu.memory_space<vmem>>, %arg4: memref<1x512xf32, #tpu.memory_space<vmem>>, %arg5: memref<512x1536xf32, #tpu.memory_space<vmem>>, %arg6: memref<1x512xf32, #tpu.memory_space<vmem>>, %arg7: memref<512x512xf32, #tpu.memory_space<vmem>>, %arg8: memref<1x512xf32, #tpu.memory_space<vmem>>, %arg9: memref<512x1536xf32, #tpu.memory_space<vmem>>, %arg10: memref<1x512xf32, #tpu.memory_space<vmem>>, %arg11: memref<512x512xf32, #tpu.memory_space<vmem>>, %arg12: memref<1x512xf32, #tpu.memory_space<vmem>>, %arg13: memref<512x1536xf32, #tpu.memory_space<vmem>>, %arg14: memref<1x512xf32, #tpu.memory_space<vmem>>, %arg15: memref<1024x512xf32, #tpu.memory_space<vmem>>, %arg16: memref<1024x512xf32, #tpu.memory_space<vmem>>) attributes {dimension_semantics = [], scalar_prefetch = 0 : i64, scratch_operands = 0 : i64, tpu.core_type = #tpu.core_type<tc>} {
    %get3A = arith.constant 0 : index
    %get3A_0 = arith.constant 0 : index
    %get3A_1 = vector.load %arg0[%get3A, %get3A_0] : memref<1024x512xf32, #tpu.memory_space<vmem>>, vector<1024x512xf32>
    %get3A_2 = arith.constant 0 : index
    %get3A_3 = arith.constant 0 : index
    %get3A_4 = vector.load %arg1[%get3A_2, %get3A_3] : memref<512x1536xf32, #tpu.memory_space<vmem>>, vector<512x1536xf32>
    %get3A_5 = arith.constant 0 : index
    %get3A_6 = arith.constant 0 : index
    %get3A_7 = vector.load %arg2[%get3A_5, %get3A_6] : memref<1x512xf32, #tpu.memory_space<vmem>>, vector<1x512xf32>
    %get3A_8 = arith.constant 0 : index
    %get3A_9 = arith.constant 0 : index
    %get3A_10 = vector.load %arg3[%get3A_8, %get3A_9] : memref<512x512xf32, #tpu.memory_space<vmem>>, vector<512x512xf32>
    %get3A_11 = arith.constant 0 : index
    %get3A_12 = arith.constant 0 : index
    %get3A_13 = vector.load %arg4[%get3A_11, %get3A_12] : memref<1x512xf32, #tpu.memory_space<vmem>>, vector<1x512xf32>
    %max3A = arith.constant 0.000000e+00 : f32
    %max3A_14 = vector.broadcast %max3A : f32 to vector<1024x512xf32>
    %max3A_15 = arith.maximumf %get3A_1, %max3A_14 : vector<1024x512xf32>
    %broadcast_in_dim3A = arith.constant 0.000000e+00 : f32
    %broadcast_in_dim3A_16 = vector.broadcast %broadcast_in_dim3A : f32 to vector<9x512xf32>
    %slice3A = vector.extract_strided_slice %max3A_15 {offsets = [0, 0], sizes = [1015, 512], strides = [1, 1]} : vector<1024x512xf32> to vector<1015x512xf32>
    %concatenate3A = tpu.concatenate %broadcast_in_dim3A_16, %slice3A in 0 : vector<9x512xf32>, vector<1015x512xf32> -> vector<1024x512xf32>
    %iota3A = tpu.iota {dimensions = array<i32: 0>} : vector<1024x1xi32>
    %and3A = arith.constant 31 : i32
    %and3A_17 = vector.broadcast %and3A : i32 to vector<1024x1xi32>
    %and3A_18 = arith.andi %iota3A, %and3A_17 : vector<1024x1xi32>
    %add3A = arith.constant -9 : i32
    %add3A_19 = vector.broadcast %add3A : i32 to vector<1024x1xi32>
    %add3A_20 = arith.addi %and3A_18, %add3A_19 : vector<1024x1xi32>
    %ge3A = arith.constant 0 : i32
    %ge3A_21 = vector.broadcast %ge3A : i32 to vector<1024x1xi32>
    %ge3A_22 = arith.cmpi sge, %add3A_20, %ge3A_21 : vector<1024x1xi32>
    %add3A_23 = arith.constant -9 : i32
    %add3A_24 = vector.broadcast %add3A_23 : i32 to vector<1024x1xi32>
    %add3A_25 = arith.addi %and3A_18, %add3A_24 : vector<1024x1xi32>
    %lt3A = arith.constant 32 : i32
    %lt3A_26 = vector.broadcast %lt3A : i32 to vector<1024x1xi32>
    %lt3A_27 = arith.cmpi slt, %add3A_25, %lt3A_26 : vector<1024x1xi32>
    %and3A_28 = arith.andi %ge3A_22, %lt3A_27 : vector<1024x1xi1>
    %broadcast_in_dim3A_29 = arith.constant 0.000000e+00 : f32
    %broadcast_in_dim3A_30 = vector.broadcast %broadcast_in_dim3A_29 : f32 to vector<1024x512xf32>
    %broadcast_in_dim3A_31 = vector.shape_cast %and3A_28 : vector<1024x1xi1> to vector<1024x1xi1>
    %broadcast_in_dim3A_32 = vector.broadcast %broadcast_in_dim3A_31 : vector<1024x1xi1> to vector<1024x512xi1>
    %select_n3A = arith.select %broadcast_in_dim3A_32, %concatenate3A, %broadcast_in_dim3A_30 : vector<1024x512xi1>, vector<1024x512xf32>
    %broadcast_in_dim3A_33 = arith.constant 0.000000e+00 : f32
    %broadcast_in_dim3A_34 = vector.broadcast %broadcast_in_dim3A_33 : f32 to vector<9x512xf32>
    %slice3A_35 = vector.extract_strided_slice %max3A_15 {offsets = [9, 0], sizes = [1015, 512], strides = [1, 1]} : vector<1024x512xf32> to vector<1015x512xf32>
    %concatenate3A_36 = tpu.concatenate %slice3A_35, %broadcast_in_dim3A_34 in 0 : vector<1015x512xf32>, vector<9x512xf32> -> vector<1024x512xf32>
    %iota3A_37 = tpu.iota {dimensions = array<i32: 0>} : vector<1024x1xi32>
    %and3A_38 = arith.constant 31 : i32
    %and3A_39 = vector.broadcast %and3A_38 : i32 to vector<1024x1xi32>
    %and3A_40 = arith.andi %iota3A_37, %and3A_39 : vector<1024x1xi32>
    %add3A_41 = arith.constant 9 : i32
    %add3A_42 = vector.broadcast %add3A_41 : i32 to vector<1024x1xi32>
    %add3A_43 = arith.addi %and3A_40, %add3A_42 : vector<1024x1xi32>
    %ge3A_44 = arith.constant 0 : i32
    %ge3A_45 = vector.broadcast %ge3A_44 : i32 to vector<1024x1xi32>
    %ge3A_46 = arith.cmpi sge, %add3A_43, %ge3A_45 : vector<1024x1xi32>
    %add3A_47 = arith.constant 9 : i32
    %add3A_48 = vector.broadcast %add3A_47 : i32 to vector<1024x1xi32>
    %add3A_49 = arith.addi %and3A_40, %add3A_48 : vector<1024x1xi32>
    %lt3A_50 = arith.constant 32 : i32
    %lt3A_51 = vector.broadcast %lt3A_50 : i32 to vector<1024x1xi32>
    %lt3A_52 = arith.cmpi slt, %add3A_49, %lt3A_51 : vector<1024x1xi32>
    %and3A_53 = arith.andi %ge3A_46, %lt3A_52 : vector<1024x1xi1>
    %broadcast_in_dim3A_54 = arith.constant 0.000000e+00 : f32
    %broadcast_in_dim3A_55 = vector.broadcast %broadcast_in_dim3A_54 : f32 to vector<1024x512xf32>
    %broadcast_in_dim3A_56 = vector.shape_cast %and3A_53 : vector<1024x1xi1> to vector<1024x1xi1>
    %broadcast_in_dim3A_57 = vector.broadcast %broadcast_in_dim3A_56 : vector<1024x1xi1> to vector<1024x512xi1>
    %select_n3A_58 = arith.select %broadcast_in_dim3A_57, %concatenate3A_36, %broadcast_in_dim3A_55 : vector<1024x512xi1>, vector<1024x512xf32>
    %concatenate3A_59 = tpu.concatenate %select_n3A, %max3A_15, %select_n3A_58 in 1 : vector<1024x512xf32>, vector<1024x512xf32>, vector<1024x512xf32> -> vector<1024x1536xf32>
    %dot_general3A = arith.constant dense<0.000000e+00> : vector<1024x512xf32>
    %dot_general3A_60 = tpu.matmul %concatenate3A_59, %get3A_4, %dot_general3A {dimension_numbers = #tpu.dot_dimension_numbers<[1], [1], [0], [0], [0, 0, 1, 0], [], []>, transpose_lhs_hint = false} : vector<1024x1536xf32>, vector<512x1536xf32>, vector<1024x512xf32> -> vector<1024x512xf32>
    %add3A_61 = vector.broadcast %get3A_7 : vector<1x512xf32> to vector<1024x512xf32>
    %add3A_62 = arith.addf %dot_general3A_60, %add3A_61 : vector<1024x512xf32>
    %max3A_63 = arith.constant 0.000000e+00 : f32
    %max3A_64 = vector.broadcast %max3A_63 : f32 to vector<1024x512xf32>
    %max3A_65 = arith.maximumf %add3A_62, %max3A_64 : vector<1024x512xf32>
    %dot_general3A_66 = arith.constant dense<0.000000e+00> : vector<1024x512xf32>
    %dot_general3A_67 = tpu.matmul %max3A_65, %get3A_10, %dot_general3A_66 {dimension_numbers = #tpu.dot_dimension_numbers<[1], [1], [0], [0], [0, 0, 1, 0], [], []>, transpose_lhs_hint = false} : vector<1024x512xf32>, vector<512x512xf32>, vector<1024x512xf32> -> vector<1024x512xf32>
    %add3A_68 = arith.addf %get3A_1, %dot_general3A_67 : vector<1024x512xf32>
    %add3A_69 = vector.broadcast %get3A_13 : vector<1x512xf32> to vector<1024x512xf32>
    %add3A_70 = arith.addf %add3A_68, %add3A_69 : vector<1024x512xf32>
    %get3A_71 = arith.constant 0 : index
    %get3A_72 = arith.constant 0 : index
    %get3A_73 = vector.load %arg5[%get3A_71, %get3A_72] : memref<512x1536xf32, #tpu.memory_space<vmem>>, vector<512x1536xf32>
    %get3A_74 = arith.constant 0 : index
    %get3A_75 = arith.constant 0 : index
    %get3A_76 = vector.load %arg6[%get3A_74, %get3A_75] : memref<1x512xf32, #tpu.memory_space<vmem>>, vector<1x512xf32>
    %get3A_77 = arith.constant 0 : index
    %get3A_78 = arith.constant 0 : index
    %get3A_79 = vector.load %arg7[%get3A_77, %get3A_78] : memref<512x512xf32, #tpu.memory_space<vmem>>, vector<512x512xf32>
    %get3A_80 = arith.constant 0 : index
    %get3A_81 = arith.constant 0 : index
    %get3A_82 = vector.load %arg8[%get3A_80, %get3A_81] : memref<1x512xf32, #tpu.memory_space<vmem>>, vector<1x512xf32>
    %max3A_83 = arith.constant 0.000000e+00 : f32
    %max3A_84 = vector.broadcast %max3A_83 : f32 to vector<1024x512xf32>
    %max3A_85 = arith.maximumf %add3A_70, %max3A_84 : vector<1024x512xf32>
    %broadcast_in_dim3A_86 = arith.constant 0.000000e+00 : f32
    %broadcast_in_dim3A_87 = vector.broadcast %broadcast_in_dim3A_86 : f32 to vector<3x512xf32>
    %slice3A_88 = vector.extract_strided_slice %max3A_85 {offsets = [0, 0], sizes = [1021, 512], strides = [1, 1]} : vector<1024x512xf32> to vector<1021x512xf32>
    %concatenate3A_89 = tpu.concatenate %broadcast_in_dim3A_87, %slice3A_88 in 0 : vector<3x512xf32>, vector<1021x512xf32> -> vector<1024x512xf32>
    %iota3A_90 = tpu.iota {dimensions = array<i32: 0>} : vector<1024x1xi32>
    %and3A_91 = arith.constant 31 : i32
    %and3A_92 = vector.broadcast %and3A_91 : i32 to vector<1024x1xi32>
    %and3A_93 = arith.andi %iota3A_90, %and3A_92 : vector<1024x1xi32>
    %add3A_94 = arith.constant -3 : i32
    %add3A_95 = vector.broadcast %add3A_94 : i32 to vector<1024x1xi32>
    %add3A_96 = arith.addi %and3A_93, %add3A_95 : vector<1024x1xi32>
    %ge3A_97 = arith.constant 0 : i32
    %ge3A_98 = vector.broadcast %ge3A_97 : i32 to vector<1024x1xi32>
    %ge3A_99 = arith.cmpi sge, %add3A_96, %ge3A_98 : vector<1024x1xi32>
    %add3A_100 = arith.constant -3 : i32
    %add3A_101 = vector.broadcast %add3A_100 : i32 to vector<1024x1xi32>
    %add3A_102 = arith.addi %and3A_93, %add3A_101 : vector<1024x1xi32>
    %lt3A_103 = arith.constant 32 : i32
    %lt3A_104 = vector.broadcast %lt3A_103 : i32 to vector<1024x1xi32>
    %lt3A_105 = arith.cmpi slt, %add3A_102, %lt3A_104 : vector<1024x1xi32>
    %and3A_106 = arith.andi %ge3A_99, %lt3A_105 : vector<1024x1xi1>
    %broadcast_in_dim3A_107 = arith.constant 0.000000e+00 : f32
    %broadcast_in_dim3A_108 = vector.broadcast %broadcast_in_dim3A_107 : f32 to vector<1024x512xf32>
    %broadcast_in_dim3A_109 = vector.shape_cast %and3A_106 : vector<1024x1xi1> to vector<1024x1xi1>
    %broadcast_in_dim3A_110 = vector.broadcast %broadcast_in_dim3A_109 : vector<1024x1xi1> to vector<1024x512xi1>
    %select_n3A_111 = arith.select %broadcast_in_dim3A_110, %concatenate3A_89, %broadcast_in_dim3A_108 : vector<1024x512xi1>, vector<1024x512xf32>
    %broadcast_in_dim3A_112 = arith.constant 0.000000e+00 : f32
    %broadcast_in_dim3A_113 = vector.broadcast %broadcast_in_dim3A_112 : f32 to vector<3x512xf32>
    %slice3A_114 = vector.extract_strided_slice %max3A_85 {offsets = [3, 0], sizes = [1021, 512], strides = [1, 1]} : vector<1024x512xf32> to vector<1021x512xf32>
    %concatenate3A_115 = tpu.concatenate %slice3A_114, %broadcast_in_dim3A_113 in 0 : vector<1021x512xf32>, vector<3x512xf32> -> vector<1024x512xf32>
    %iota3A_116 = tpu.iota {dimensions = array<i32: 0>} : vector<1024x1xi32>
    %and3A_117 = arith.constant 31 : i32
    %and3A_118 = vector.broadcast %and3A_117 : i32 to vector<1024x1xi32>
    %and3A_119 = arith.andi %iota3A_116, %and3A_118 : vector<1024x1xi32>
    %add3A_120 = arith.constant 3 : i32
    %add3A_121 = vector.broadcast %add3A_120 : i32 to vector<1024x1xi32>
    %add3A_122 = arith.addi %and3A_119, %add3A_121 : vector<1024x1xi32>
    %ge3A_123 = arith.constant 0 : i32
    %ge3A_124 = vector.broadcast %ge3A_123 : i32 to vector<1024x1xi32>
    %ge3A_125 = arith.cmpi sge, %add3A_122, %ge3A_124 : vector<1024x1xi32>
    %add3A_126 = arith.constant 3 : i32
    %add3A_127 = vector.broadcast %add3A_126 : i32 to vector<1024x1xi32>
    %add3A_128 = arith.addi %and3A_119, %add3A_127 : vector<1024x1xi32>
    %lt3A_129 = arith.constant 32 : i32
    %lt3A_130 = vector.broadcast %lt3A_129 : i32 to vector<1024x1xi32>
    %lt3A_131 = arith.cmpi slt, %add3A_128, %lt3A_130 : vector<1024x1xi32>
    %and3A_132 = arith.andi %ge3A_125, %lt3A_131 : vector<1024x1xi1>
    %broadcast_in_dim3A_133 = arith.constant 0.000000e+00 : f32
    %broadcast_in_dim3A_134 = vector.broadcast %broadcast_in_dim3A_133 : f32 to vector<1024x512xf32>
    %broadcast_in_dim3A_135 = vector.shape_cast %and3A_132 : vector<1024x1xi1> to vector<1024x1xi1>
    %broadcast_in_dim3A_136 = vector.broadcast %broadcast_in_dim3A_135 : vector<1024x1xi1> to vector<1024x512xi1>
    %select_n3A_137 = arith.select %broadcast_in_dim3A_136, %concatenate3A_115, %broadcast_in_dim3A_134 : vector<1024x512xi1>, vector<1024x512xf32>
    %concatenate3A_138 = tpu.concatenate %select_n3A_111, %max3A_85, %select_n3A_137 in 1 : vector<1024x512xf32>, vector<1024x512xf32>, vector<1024x512xf32> -> vector<1024x1536xf32>
    %dot_general3A_139 = arith.constant dense<0.000000e+00> : vector<1024x512xf32>
    %dot_general3A_140 = tpu.matmul %concatenate3A_138, %get3A_73, %dot_general3A_139 {dimension_numbers = #tpu.dot_dimension_numbers<[1], [1], [0], [0], [0, 0, 1, 0], [], []>, transpose_lhs_hint = false} : vector<1024x1536xf32>, vector<512x1536xf32>, vector<1024x512xf32> -> vector<1024x512xf32>
    %add3A_141 = vector.broadcast %get3A_76 : vector<1x512xf32> to vector<1024x512xf32>
    %add3A_142 = arith.addf %dot_general3A_140, %add3A_141 : vector<1024x512xf32>
    %max3A_143 = arith.constant 0.000000e+00 : f32
    %max3A_144 = vector.broadcast %max3A_143 : f32 to vector<1024x512xf32>
    %max3A_145 = arith.maximumf %add3A_142, %max3A_144 : vector<1024x512xf32>
    %dot_general3A_146 = arith.constant dense<0.000000e+00> : vector<1024x512xf32>
    %dot_general3A_147 = tpu.matmul %max3A_145, %get3A_79, %dot_general3A_146 {dimension_numbers = #tpu.dot_dimension_numbers<[1], [1], [0], [0], [0, 0, 1, 0], [], []>, transpose_lhs_hint = false} : vector<1024x512xf32>, vector<512x512xf32>, vector<1024x512xf32> -> vector<1024x512xf32>
    %add3A_148 = arith.addf %add3A_70, %dot_general3A_147 : vector<1024x512xf32>
    %add3A_149 = vector.broadcast %get3A_82 : vector<1x512xf32> to vector<1024x512xf32>
    %add3A_150 = arith.addf %add3A_148, %add3A_149 : vector<1024x512xf32>
    %get3A_151 = arith.constant 0 : index
    %get3A_152 = arith.constant 0 : index
    %get3A_153 = vector.load %arg9[%get3A_151, %get3A_152] : memref<512x1536xf32, #tpu.memory_space<vmem>>, vector<512x1536xf32>
    %get3A_154 = arith.constant 0 : index
    %get3A_155 = arith.constant 0 : index
    %get3A_156 = vector.load %arg10[%get3A_154, %get3A_155] : memref<1x512xf32, #tpu.memory_space<vmem>>, vector<1x512xf32>
    %get3A_157 = arith.constant 0 : index
    %get3A_158 = arith.constant 0 : index
    %get3A_159 = vector.load %arg11[%get3A_157, %get3A_158] : memref<512x512xf32, #tpu.memory_space<vmem>>, vector<512x512xf32>
    %get3A_160 = arith.constant 0 : index
    %get3A_161 = arith.constant 0 : index
    %get3A_162 = vector.load %arg12[%get3A_160, %get3A_161] : memref<1x512xf32, #tpu.memory_space<vmem>>, vector<1x512xf32>
    %max3A_163 = arith.constant 0.000000e+00 : f32
    %max3A_164 = vector.broadcast %max3A_163 : f32 to vector<1024x512xf32>
    %max3A_165 = arith.maximumf %add3A_150, %max3A_164 : vector<1024x512xf32>
    %broadcast_in_dim3A_166 = arith.constant 0.000000e+00 : f32
    %broadcast_in_dim3A_167 = vector.broadcast %broadcast_in_dim3A_166 : f32 to vector<1x512xf32>
    %slice3A_168 = vector.extract_strided_slice %max3A_165 {offsets = [0, 0], sizes = [1023, 512], strides = [1, 1]} : vector<1024x512xf32> to vector<1023x512xf32>
    %concatenate3A_169 = tpu.concatenate %broadcast_in_dim3A_167, %slice3A_168 in 0 : vector<1x512xf32>, vector<1023x512xf32> -> vector<1024x512xf32>
    %iota3A_170 = tpu.iota {dimensions = array<i32: 0>} : vector<1024x1xi32>
    %and3A_171 = arith.constant 31 : i32
    %and3A_172 = vector.broadcast %and3A_171 : i32 to vector<1024x1xi32>
    %and3A_173 = arith.andi %iota3A_170, %and3A_172 : vector<1024x1xi32>
    %add3A_174 = arith.constant -1 : i32
    %add3A_175 = vector.broadcast %add3A_174 : i32 to vector<1024x1xi32>
    %add3A_176 = arith.addi %and3A_173, %add3A_175 : vector<1024x1xi32>
    %ge3A_177 = arith.constant 0 : i32
    %ge3A_178 = vector.broadcast %ge3A_177 : i32 to vector<1024x1xi32>
    %ge3A_179 = arith.cmpi sge, %add3A_176, %ge3A_178 : vector<1024x1xi32>
    %add3A_180 = arith.constant -1 : i32
    %add3A_181 = vector.broadcast %add3A_180 : i32 to vector<1024x1xi32>
    %add3A_182 = arith.addi %and3A_173, %add3A_181 : vector<1024x1xi32>
    %lt3A_183 = arith.constant 32 : i32
    %lt3A_184 = vector.broadcast %lt3A_183 : i32 to vector<1024x1xi32>
    %lt3A_185 = arith.cmpi slt, %add3A_182, %lt3A_184 : vector<1024x1xi32>
    %and3A_186 = arith.andi %ge3A_179, %lt3A_185 : vector<1024x1xi1>
    %broadcast_in_dim3A_187 = arith.constant 0.000000e+00 : f32
    %broadcast_in_dim3A_188 = vector.broadcast %broadcast_in_dim3A_187 : f32 to vector<1024x512xf32>
    %broadcast_in_dim3A_189 = vector.shape_cast %and3A_186 : vector<1024x1xi1> to vector<1024x1xi1>
    %broadcast_in_dim3A_190 = vector.broadcast %broadcast_in_dim3A_189 : vector<1024x1xi1> to vector<1024x512xi1>
    %select_n3A_191 = arith.select %broadcast_in_dim3A_190, %concatenate3A_169, %broadcast_in_dim3A_188 : vector<1024x512xi1>, vector<1024x512xf32>
    %broadcast_in_dim3A_192 = arith.constant 0.000000e+00 : f32
    %broadcast_in_dim3A_193 = vector.broadcast %broadcast_in_dim3A_192 : f32 to vector<1x512xf32>
    %slice3A_194 = vector.extract_strided_slice %max3A_165 {offsets = [1, 0], sizes = [1023, 512], strides = [1, 1]} : vector<1024x512xf32> to vector<1023x512xf32>
    %concatenate3A_195 = tpu.concatenate %slice3A_194, %broadcast_in_dim3A_193 in 0 : vector<1023x512xf32>, vector<1x512xf32> -> vector<1024x512xf32>
    %iota3A_196 = tpu.iota {dimensions = array<i32: 0>} : vector<1024x1xi32>
    %and3A_197 = arith.constant 31 : i32
    %and3A_198 = vector.broadcast %and3A_197 : i32 to vector<1024x1xi32>
    %and3A_199 = arith.andi %iota3A_196, %and3A_198 : vector<1024x1xi32>
    %add3A_200 = arith.constant 1 : i32
    %add3A_201 = vector.broadcast %add3A_200 : i32 to vector<1024x1xi32>
    %add3A_202 = arith.addi %and3A_199, %add3A_201 : vector<1024x1xi32>
    %ge3A_203 = arith.constant 0 : i32
    %ge3A_204 = vector.broadcast %ge3A_203 : i32 to vector<1024x1xi32>
    %ge3A_205 = arith.cmpi sge, %add3A_202, %ge3A_204 : vector<1024x1xi32>
    %add3A_206 = arith.constant 1 : i32
    %add3A_207 = vector.broadcast %add3A_206 : i32 to vector<1024x1xi32>
    %add3A_208 = arith.addi %and3A_199, %add3A_207 : vector<1024x1xi32>
    %lt3A_209 = arith.constant 32 : i32
    %lt3A_210 = vector.broadcast %lt3A_209 : i32 to vector<1024x1xi32>
    %lt3A_211 = arith.cmpi slt, %add3A_208, %lt3A_210 : vector<1024x1xi32>
    %and3A_212 = arith.andi %ge3A_205, %lt3A_211 : vector<1024x1xi1>
    %broadcast_in_dim3A_213 = arith.constant 0.000000e+00 : f32
    %broadcast_in_dim3A_214 = vector.broadcast %broadcast_in_dim3A_213 : f32 to vector<1024x512xf32>
    %broadcast_in_dim3A_215 = vector.shape_cast %and3A_212 : vector<1024x1xi1> to vector<1024x1xi1>
    %broadcast_in_dim3A_216 = vector.broadcast %broadcast_in_dim3A_215 : vector<1024x1xi1> to vector<1024x512xi1>
    %select_n3A_217 = arith.select %broadcast_in_dim3A_216, %concatenate3A_195, %broadcast_in_dim3A_214 : vector<1024x512xi1>, vector<1024x512xf32>
    %concatenate3A_218 = tpu.concatenate %select_n3A_191, %max3A_165, %select_n3A_217 in 1 : vector<1024x512xf32>, vector<1024x512xf32>, vector<1024x512xf32> -> vector<1024x1536xf32>
    %dot_general3A_219 = arith.constant dense<0.000000e+00> : vector<1024x512xf32>
    %dot_general3A_220 = tpu.matmul %concatenate3A_218, %get3A_153, %dot_general3A_219 {dimension_numbers = #tpu.dot_dimension_numbers<[1], [1], [0], [0], [0, 0, 1, 0], [], []>, transpose_lhs_hint = false} : vector<1024x1536xf32>, vector<512x1536xf32>, vector<1024x512xf32> -> vector<1024x512xf32>
    %add3A_221 = vector.broadcast %get3A_156 : vector<1x512xf32> to vector<1024x512xf32>
    %add3A_222 = arith.addf %dot_general3A_220, %add3A_221 : vector<1024x512xf32>
    %max3A_223 = arith.constant 0.000000e+00 : f32
    %max3A_224 = vector.broadcast %max3A_223 : f32 to vector<1024x512xf32>
    %max3A_225 = arith.maximumf %add3A_222, %max3A_224 : vector<1024x512xf32>
    %dot_general3A_226 = arith.constant dense<0.000000e+00> : vector<1024x512xf32>
    %dot_general3A_227 = tpu.matmul %max3A_225, %get3A_159, %dot_general3A_226 {dimension_numbers = #tpu.dot_dimension_numbers<[1], [1], [0], [0], [0, 0, 1, 0], [], []>, transpose_lhs_hint = false} : vector<1024x512xf32>, vector<512x512xf32>, vector<1024x512xf32> -> vector<1024x512xf32>
    %add3A_228 = arith.addf %add3A_150, %dot_general3A_227 : vector<1024x512xf32>
    %add3A_229 = vector.broadcast %get3A_162 : vector<1x512xf32> to vector<1024x512xf32>
    %add3A_230 = arith.addf %add3A_228, %add3A_229 : vector<1024x512xf32>
    %get3A_231 = arith.constant 0 : index
    %get3A_232 = arith.constant 0 : index
    %get3A_233 = vector.load %arg13[%get3A_231, %get3A_232] : memref<512x1536xf32, #tpu.memory_space<vmem>>, vector<512x1536xf32>
    %get3A_234 = arith.constant 0 : index
    %get3A_235 = arith.constant 0 : index
    %get3A_236 = vector.load %arg14[%get3A_234, %get3A_235] : memref<1x512xf32, #tpu.memory_space<vmem>>, vector<1x512xf32>
    %broadcast_in_dim3A_237 = arith.constant 0.000000e+00 : f32
    %broadcast_in_dim3A_238 = vector.broadcast %broadcast_in_dim3A_237 : f32 to vector<1x512xf32>
    %slice3A_239 = vector.extract_strided_slice %add3A_230 {offsets = [0, 0], sizes = [1023, 512], strides = [1, 1]} : vector<1024x512xf32> to vector<1023x512xf32>
    %concatenate3A_240 = tpu.concatenate %broadcast_in_dim3A_238, %slice3A_239 in 0 : vector<1x512xf32>, vector<1023x512xf32> -> vector<1024x512xf32>
    %iota3A_241 = tpu.iota {dimensions = array<i32: 0>} : vector<1024x1xi32>
    %and3A_242 = arith.constant 31 : i32
    %and3A_243 = vector.broadcast %and3A_242 : i32 to vector<1024x1xi32>
    %and3A_244 = arith.andi %iota3A_241, %and3A_243 : vector<1024x1xi32>
    %add3A_245 = arith.constant -1 : i32
    %add3A_246 = vector.broadcast %add3A_245 : i32 to vector<1024x1xi32>
    %add3A_247 = arith.addi %and3A_244, %add3A_246 : vector<1024x1xi32>
    %ge3A_248 = arith.constant 0 : i32
    %ge3A_249 = vector.broadcast %ge3A_248 : i32 to vector<1024x1xi32>
    %ge3A_250 = arith.cmpi sge, %add3A_247, %ge3A_249 : vector<1024x1xi32>
    %add3A_251 = arith.constant -1 : i32
    %add3A_252 = vector.broadcast %add3A_251 : i32 to vector<1024x1xi32>
    %add3A_253 = arith.addi %and3A_244, %add3A_252 : vector<1024x1xi32>
    %lt3A_254 = arith.constant 32 : i32
    %lt3A_255 = vector.broadcast %lt3A_254 : i32 to vector<1024x1xi32>
    %lt3A_256 = arith.cmpi slt, %add3A_253, %lt3A_255 : vector<1024x1xi32>
    %and3A_257 = arith.andi %ge3A_250, %lt3A_256 : vector<1024x1xi1>
    %broadcast_in_dim3A_258 = arith.constant 0.000000e+00 : f32
    %broadcast_in_dim3A_259 = vector.broadcast %broadcast_in_dim3A_258 : f32 to vector<1024x512xf32>
    %broadcast_in_dim3A_260 = vector.shape_cast %and3A_257 : vector<1024x1xi1> to vector<1024x1xi1>
    %broadcast_in_dim3A_261 = vector.broadcast %broadcast_in_dim3A_260 : vector<1024x1xi1> to vector<1024x512xi1>
    %select_n3A_262 = arith.select %broadcast_in_dim3A_261, %concatenate3A_240, %broadcast_in_dim3A_259 : vector<1024x512xi1>, vector<1024x512xf32>
    %concatenate3A_263 = tpu.concatenate %select_n3A_262, %add3A_230, %add3A_230 in 1 : vector<1024x512xf32>, vector<1024x512xf32>, vector<1024x512xf32> -> vector<1024x1536xf32>
    %broadcast_in_dim3A_264 = arith.constant 0.000000e+00 : f32
    %broadcast_in_dim3A_265 = vector.broadcast %broadcast_in_dim3A_264 : f32 to vector<1x512xf32>
    %slice3A_266 = vector.extract_strided_slice %add3A_230 {offsets = [1, 0], sizes = [1023, 512], strides = [1, 1]} : vector<1024x512xf32> to vector<1023x512xf32>
    %concatenate3A_267 = tpu.concatenate %slice3A_266, %broadcast_in_dim3A_265 in 0 : vector<1023x512xf32>, vector<1x512xf32> -> vector<1024x512xf32>
    %iota3A_268 = tpu.iota {dimensions = array<i32: 0>} : vector<1024x1xi32>
    %and3A_269 = arith.constant 31 : i32
    %and3A_270 = vector.broadcast %and3A_269 : i32 to vector<1024x1xi32>
    %and3A_271 = arith.andi %iota3A_268, %and3A_270 : vector<1024x1xi32>
    %add3A_272 = arith.constant 1 : i32
    %add3A_273 = vector.broadcast %add3A_272 : i32 to vector<1024x1xi32>
    %add3A_274 = arith.addi %and3A_271, %add3A_273 : vector<1024x1xi32>
    %ge3A_275 = arith.constant 0 : i32
    %ge3A_276 = vector.broadcast %ge3A_275 : i32 to vector<1024x1xi32>
    %ge3A_277 = arith.cmpi sge, %add3A_274, %ge3A_276 : vector<1024x1xi32>
    %add3A_278 = arith.constant 1 : i32
    %add3A_279 = vector.broadcast %add3A_278 : i32 to vector<1024x1xi32>
    %add3A_280 = arith.addi %and3A_271, %add3A_279 : vector<1024x1xi32>
    %lt3A_281 = arith.constant 32 : i32
    %lt3A_282 = vector.broadcast %lt3A_281 : i32 to vector<1024x1xi32>
    %lt3A_283 = arith.cmpi slt, %add3A_280, %lt3A_282 : vector<1024x1xi32>
    %and3A_284 = arith.andi %ge3A_277, %lt3A_283 : vector<1024x1xi1>
    %broadcast_in_dim3A_285 = arith.constant 0.000000e+00 : f32
    %broadcast_in_dim3A_286 = vector.broadcast %broadcast_in_dim3A_285 : f32 to vector<1024x512xf32>
    %broadcast_in_dim3A_287 = vector.shape_cast %and3A_284 : vector<1024x1xi1> to vector<1024x1xi1>
    %broadcast_in_dim3A_288 = vector.broadcast %broadcast_in_dim3A_287 : vector<1024x1xi1> to vector<1024x512xi1>
    %select_n3A_289 = arith.select %broadcast_in_dim3A_288, %concatenate3A_267, %broadcast_in_dim3A_286 : vector<1024x512xi1>, vector<1024x512xf32>
    %concatenate3A_290 = tpu.concatenate %add3A_230, %add3A_230, %select_n3A_289 in 1 : vector<1024x512xf32>, vector<1024x512xf32>, vector<1024x512xf32> -> vector<1024x1536xf32>
    %dot_general3A_291 = arith.constant dense<0.000000e+00> : vector<1024x512xf32>
    %dot_general3A_292 = tpu.matmul %concatenate3A_263, %get3A_233, %dot_general3A_291 {dimension_numbers = #tpu.dot_dimension_numbers<[1], [1], [0], [0], [0, 0, 1, 0], [], []>, transpose_lhs_hint = false} : vector<1024x1536xf32>, vector<512x1536xf32>, vector<1024x512xf32> -> vector<1024x512xf32>
    %add3A_293 = vector.broadcast %get3A_236 : vector<1x512xf32> to vector<1024x512xf32>
    %add3A_294 = arith.addf %dot_general3A_292, %add3A_293 : vector<1024x512xf32>
    %swap3A = arith.constant 0 : index
    %swap3A_295 = arith.constant 0 : index
    %swap3A_296 = vector.load %arg15[%swap3A, %swap3A_295] : memref<1024x512xf32, #tpu.memory_space<vmem>>, vector<1024x512xf32>
    tpu.vector_store %arg15[%swap3A, %swap3A_295], %add3A_294 {strides = array<i32>} : memref<1024x512xf32, #tpu.memory_space<vmem>>, vector<1024x512xf32>,
    %dot_general3A_297 = arith.constant dense<0.000000e+00> : vector<1024x512xf32>
    %dot_general3A_298 = tpu.matmul %concatenate3A_290, %get3A_233, %dot_general3A_297 {dimension_numbers = #tpu.dot_dimension_numbers<[1], [1], [0], [0], [0, 0, 1, 0], [], []>, transpose_lhs_hint = false} : vector<1024x1536xf32>, vector<512x1536xf32>, vector<1024x512xf32> -> vector<1024x512xf32>
    %add3A_299 = vector.broadcast %get3A_236 : vector<1x512xf32> to vector<1024x512xf32>
    %add3A_300 = arith.addf %dot_general3A_298, %add3A_299 : vector<1024x512xf32>
    %swap3A_301 = arith.constant 0 : index
    %swap3A_302 = arith.constant 0 : index
    %swap3A_303 = vector.load %arg16[%swap3A_301, %swap3A_302] : memref<1024x512xf32, #tpu.memory_space<vmem>>, vector<1024x512xf32>
    tpu.vector_store %arg16[%swap3A_301, %swap3A_302], %add3A_300 {strides = array<i32>} : memref<1024x512xf32, #tpu.memory_space<vmem>>, vector<1024x512xf32>,
    return
  }
}

module attributes {stable_mosaic.version = 14 : i64} {
  func.func @_dec_tail_body(%arg0: memref<2048x512xf32, #tpu.memory_space<vmem>>, %arg1: memref<512x1536xf32, #tpu.memory_space<vmem>>, %arg2: memref<1x512xf32, #tpu.memory_space<vmem>>, %arg3: memref<263x1536xf32, #tpu.memory_space<vmem>>, %arg4: memref<1x263xf32, #tpu.memory_space<vmem>>, %arg5: memref<2048x263xf32, #tpu.memory_space<vmem>>) attributes {dimension_semantics = [], scalar_prefetch = 0 : i64, scratch_operands = 0 : i64, tpu.core_type = #tpu.core_type<tc>} {
    %get3A = arith.constant 0 : index
    %get3A_0 = arith.constant 0 : index
    %get3A_1 = vector.load %arg0[%get3A, %get3A_0] : memref<2048x512xf32, #tpu.memory_space<vmem>>, vector<2048x512xf32>
    %get3A_2 = arith.constant 0 : index
    %get3A_3 = arith.constant 0 : index
    %get3A_4 = vector.load %arg1[%get3A_2, %get3A_3] : memref<512x1536xf32, #tpu.memory_space<vmem>>, vector<512x1536xf32>
    %get3A_5 = arith.constant 0 : index
    %get3A_6 = arith.constant 0 : index
    %get3A_7 = vector.load %arg2[%get3A_5, %get3A_6] : memref<1x512xf32, #tpu.memory_space<vmem>>, vector<1x512xf32>
    %broadcast_in_dim3A = arith.constant 0.000000e+00 : f32
    %broadcast_in_dim3A_8 = vector.broadcast %broadcast_in_dim3A : f32 to vector<1x512xf32>
    %slice3A = vector.extract_strided_slice %get3A_1 {offsets = [0, 0], sizes = [2047, 512], strides = [1, 1]} : vector<2048x512xf32> to vector<2047x512xf32>
    %concatenate3A = tpu.concatenate %broadcast_in_dim3A_8, %slice3A in 0 : vector<1x512xf32>, vector<2047x512xf32> -> vector<2048x512xf32>
    %iota3A = tpu.iota {dimensions = array<i32: 0>} : vector<2048x1xi32>
    %and3A = arith.constant 63 : i32
    %and3A_9 = vector.broadcast %and3A : i32 to vector<2048x1xi32>
    %and3A_10 = arith.andi %iota3A, %and3A_9 : vector<2048x1xi32>
    %add3A = arith.constant -1 : i32
    %add3A_11 = vector.broadcast %add3A : i32 to vector<2048x1xi32>
    %add3A_12 = arith.addi %and3A_10, %add3A_11 : vector<2048x1xi32>
    %ge3A = arith.constant 0 : i32
    %ge3A_13 = vector.broadcast %ge3A : i32 to vector<2048x1xi32>
    %ge3A_14 = arith.cmpi sge, %add3A_12, %ge3A_13 : vector<2048x1xi32>
    %add3A_15 = arith.constant -1 : i32
    %add3A_16 = vector.broadcast %add3A_15 : i32 to vector<2048x1xi32>
    %add3A_17 = arith.addi %and3A_10, %add3A_16 : vector<2048x1xi32>
    %lt3A = arith.constant 64 : i32
    %lt3A_18 = vector.broadcast %lt3A : i32 to vector<2048x1xi32>
    %lt3A_19 = arith.cmpi slt, %add3A_17, %lt3A_18 : vector<2048x1xi32>
    %and3A_20 = arith.andi %ge3A_14, %lt3A_19 : vector<2048x1xi1>
    %broadcast_in_dim3A_21 = arith.constant 0.000000e+00 : f32
    %broadcast_in_dim3A_22 = vector.broadcast %broadcast_in_dim3A_21 : f32 to vector<2048x512xf32>
    %broadcast_in_dim3A_23 = vector.shape_cast %and3A_20 : vector<2048x1xi1> to vector<2048x1xi1>
    %broadcast_in_dim3A_24 = vector.broadcast %broadcast_in_dim3A_23 : vector<2048x1xi1> to vector<2048x512xi1>
    %select_n3A = arith.select %broadcast_in_dim3A_24, %concatenate3A, %broadcast_in_dim3A_22 : vector<2048x512xi1>, vector<2048x512xf32>
    %broadcast_in_dim3A_25 = arith.constant 0.000000e+00 : f32
    %broadcast_in_dim3A_26 = vector.broadcast %broadcast_in_dim3A_25 : f32 to vector<1x512xf32>
    %slice3A_27 = vector.extract_strided_slice %get3A_1 {offsets = [1, 0], sizes = [2047, 512], strides = [1, 1]} : vector<2048x512xf32> to vector<2047x512xf32>
    %concatenate3A_28 = tpu.concatenate %slice3A_27, %broadcast_in_dim3A_26 in 0 : vector<2047x512xf32>, vector<1x512xf32> -> vector<2048x512xf32>
    %iota3A_29 = tpu.iota {dimensions = array<i32: 0>} : vector<2048x1xi32>
    %and3A_30 = arith.constant 63 : i32
    %and3A_31 = vector.broadcast %and3A_30 : i32 to vector<2048x1xi32>
    %and3A_32 = arith.andi %iota3A_29, %and3A_31 : vector<2048x1xi32>
    %add3A_33 = arith.constant 1 : i32
    %add3A_34 = vector.broadcast %add3A_33 : i32 to vector<2048x1xi32>
    %add3A_35 = arith.addi %and3A_32, %add3A_34 : vector<2048x1xi32>
    %ge3A_36 = arith.constant 0 : i32
    %ge3A_37 = vector.broadcast %ge3A_36 : i32 to vector<2048x1xi32>
    %ge3A_38 = arith.cmpi sge, %add3A_35, %ge3A_37 : vector<2048x1xi32>
    %add3A_39 = arith.constant 1 : i32
    %add3A_40 = vector.broadcast %add3A_39 : i32 to vector<2048x1xi32>
    %add3A_41 = arith.addi %and3A_32, %add3A_40 : vector<2048x1xi32>
    %lt3A_42 = arith.constant 64 : i32
    %lt3A_43 = vector.broadcast %lt3A_42 : i32 to vector<2048x1xi32>
    %lt3A_44 = arith.cmpi slt, %add3A_41, %lt3A_43 : vector<2048x1xi32>
    %and3A_45 = arith.andi %ge3A_38, %lt3A_44 : vector<2048x1xi1>
    %broadcast_in_dim3A_46 = arith.constant 0.000000e+00 : f32
    %broadcast_in_dim3A_47 = vector.broadcast %broadcast_in_dim3A_46 : f32 to vector<2048x512xf32>
    %broadcast_in_dim3A_48 = vector.shape_cast %and3A_45 : vector<2048x1xi1> to vector<2048x1xi1>
    %broadcast_in_dim3A_49 = vector.broadcast %broadcast_in_dim3A_48 : vector<2048x1xi1> to vector<2048x512xi1>
    %select_n3A_50 = arith.select %broadcast_in_dim3A_49, %concatenate3A_28, %broadcast_in_dim3A_47 : vector<2048x512xi1>, vector<2048x512xf32>
    %concatenate3A_51 = tpu.concatenate %select_n3A, %get3A_1, %select_n3A_50 in 1 : vector<2048x512xf32>, vector<2048x512xf32>, vector<2048x512xf32> -> vector<2048x1536xf32>
    %dot_general3A = arith.constant dense<0.000000e+00> : vector<2048x512xf32>
    %dot_general3A_52 = tpu.matmul %concatenate3A_51, %get3A_4, %dot_general3A {dimension_numbers = #tpu.dot_dimension_numbers<[1], [1], [0], [0], [0, 0, 1, 0], [], []>, transpose_lhs_hint = false} : vector<2048x1536xf32>, vector<512x1536xf32>, vector<2048x512xf32> -> vector<2048x512xf32>
    %add3A_53 = vector.broadcast %get3A_7 : vector<1x512xf32> to vector<2048x512xf32>
    %add3A_54 = arith.addf %dot_general3A_52, %add3A_53 : vector<2048x512xf32>
    %max3A = arith.constant 0.000000e+00 : f32
    %max3A_55 = vector.broadcast %max3A : f32 to vector<2048x512xf32>
    %max3A_56 = arith.maximumf %add3A_54, %max3A_55 : vector<2048x512xf32>
    %get3A_57 = arith.constant 0 : index
    %get3A_58 = arith.constant 0 : index
    %get3A_59 = vector.load %arg3[%get3A_57, %get3A_58] : memref<263x1536xf32, #tpu.memory_space<vmem>>, vector<263x1536xf32>
    %get3A_60 = arith.constant 0 : index
    %get3A_61 = arith.constant 0 : index
    %get3A_62 = vector.load %arg4[%get3A_60, %get3A_61] : memref<1x263xf32, #tpu.memory_space<vmem>>, vector<1x263xf32>
    %broadcast_in_dim3A_63 = arith.constant 0.000000e+00 : f32
    %broadcast_in_dim3A_64 = vector.broadcast %broadcast_in_dim3A_63 : f32 to vector<1x512xf32>
    %slice3A_65 = vector.extract_strided_slice %max3A_56 {offsets = [0, 0], sizes = [2047, 512], strides = [1, 1]} : vector<2048x512xf32> to vector<2047x512xf32>
    %concatenate3A_66 = tpu.concatenate %broadcast_in_dim3A_64, %slice3A_65 in 0 : vector<1x512xf32>, vector<2047x512xf32> -> vector<2048x512xf32>
    %iota3A_67 = tpu.iota {dimensions = array<i32: 0>} : vector<2048x1xi32>
    %and3A_68 = arith.constant 63 : i32
    %and3A_69 = vector.broadcast %and3A_68 : i32 to vector<2048x1xi32>
    %and3A_70 = arith.andi %iota3A_67, %and3A_69 : vector<2048x1xi32>
    %add3A_71 = arith.constant -1 : i32
    %add3A_72 = vector.broadcast %add3A_71 : i32 to vector<2048x1xi32>
    %add3A_73 = arith.addi %and3A_70, %add3A_72 : vector<2048x1xi32>
    %ge3A_74 = arith.constant 0 : i32
    %ge3A_75 = vector.broadcast %ge3A_74 : i32 to vector<2048x1xi32>
    %ge3A_76 = arith.cmpi sge, %add3A_73, %ge3A_75 : vector<2048x1xi32>
    %add3A_77 = arith.constant -1 : i32
    %add3A_78 = vector.broadcast %add3A_77 : i32 to vector<2048x1xi32>
    %add3A_79 = arith.addi %and3A_70, %add3A_78 : vector<2048x1xi32>
    %lt3A_80 = arith.constant 64 : i32
    %lt3A_81 = vector.broadcast %lt3A_80 : i32 to vector<2048x1xi32>
    %lt3A_82 = arith.cmpi slt, %add3A_79, %lt3A_81 : vector<2048x1xi32>
    %and3A_83 = arith.andi %ge3A_76, %lt3A_82 : vector<2048x1xi1>
    %broadcast_in_dim3A_84 = arith.constant 0.000000e+00 : f32
    %broadcast_in_dim3A_85 = vector.broadcast %broadcast_in_dim3A_84 : f32 to vector<2048x512xf32>
    %broadcast_in_dim3A_86 = vector.shape_cast %and3A_83 : vector<2048x1xi1> to vector<2048x1xi1>
    %broadcast_in_dim3A_87 = vector.broadcast %broadcast_in_dim3A_86 : vector<2048x1xi1> to vector<2048x512xi1>
    %select_n3A_88 = arith.select %broadcast_in_dim3A_87, %concatenate3A_66, %broadcast_in_dim3A_85 : vector<2048x512xi1>, vector<2048x512xf32>
    %broadcast_in_dim3A_89 = arith.constant 0.000000e+00 : f32
    %broadcast_in_dim3A_90 = vector.broadcast %broadcast_in_dim3A_89 : f32 to vector<1x512xf32>
    %slice3A_91 = vector.extract_strided_slice %max3A_56 {offsets = [1, 0], sizes = [2047, 512], strides = [1, 1]} : vector<2048x512xf32> to vector<2047x512xf32>
    %concatenate3A_92 = tpu.concatenate %slice3A_91, %broadcast_in_dim3A_90 in 0 : vector<2047x512xf32>, vector<1x512xf32> -> vector<2048x512xf32>
    %iota3A_93 = tpu.iota {dimensions = array<i32: 0>} : vector<2048x1xi32>
    %and3A_94 = arith.constant 63 : i32
    %and3A_95 = vector.broadcast %and3A_94 : i32 to vector<2048x1xi32>
    %and3A_96 = arith.andi %iota3A_93, %and3A_95 : vector<2048x1xi32>
    %add3A_97 = arith.constant 1 : i32
    %add3A_98 = vector.broadcast %add3A_97 : i32 to vector<2048x1xi32>
    %add3A_99 = arith.addi %and3A_96, %add3A_98 : vector<2048x1xi32>
    %ge3A_100 = arith.constant 0 : i32
    %ge3A_101 = vector.broadcast %ge3A_100 : i32 to vector<2048x1xi32>
    %ge3A_102 = arith.cmpi sge, %add3A_99, %ge3A_101 : vector<2048x1xi32>
    %add3A_103 = arith.constant 1 : i32
    %add3A_104 = vector.broadcast %add3A_103 : i32 to vector<2048x1xi32>
    %add3A_105 = arith.addi %and3A_96, %add3A_104 : vector<2048x1xi32>
    %lt3A_106 = arith.constant 64 : i32
    %lt3A_107 = vector.broadcast %lt3A_106 : i32 to vector<2048x1xi32>
    %lt3A_108 = arith.cmpi slt, %add3A_105, %lt3A_107 : vector<2048x1xi32>
    %and3A_109 = arith.andi %ge3A_102, %lt3A_108 : vector<2048x1xi1>
    %broadcast_in_dim3A_110 = arith.constant 0.000000e+00 : f32
    %broadcast_in_dim3A_111 = vector.broadcast %broadcast_in_dim3A_110 : f32 to vector<2048x512xf32>
    %broadcast_in_dim3A_112 = vector.shape_cast %and3A_109 : vector<2048x1xi1> to vector<2048x1xi1>
    %broadcast_in_dim3A_113 = vector.broadcast %broadcast_in_dim3A_112 : vector<2048x1xi1> to vector<2048x512xi1>
    %select_n3A_114 = arith.select %broadcast_in_dim3A_113, %concatenate3A_92, %broadcast_in_dim3A_111 : vector<2048x512xi1>, vector<2048x512xf32>
    %concatenate3A_115 = tpu.concatenate %select_n3A_88, %max3A_56, %select_n3A_114 in 1 : vector<2048x512xf32>, vector<2048x512xf32>, vector<2048x512xf32> -> vector<2048x1536xf32>
    %dot_general3A_116 = arith.constant dense<0.000000e+00> : vector<2048x263xf32>
    %dot_general3A_117 = tpu.matmul %concatenate3A_115, %get3A_59, %dot_general3A_116 {dimension_numbers = #tpu.dot_dimension_numbers<[1], [1], [0], [0], [0, 0, 1, 0], [], []>, transpose_lhs_hint = false} : vector<2048x1536xf32>, vector<263x1536xf32>, vector<2048x263xf32> -> vector<2048x263xf32>
    %add3A_118 = vector.broadcast %get3A_62 : vector<1x263xf32> to vector<2048x263xf32>
    %add3A_119 = arith.addf %dot_general3A_117, %add3A_118 : vector<2048x263xf32>
    %swap3A = arith.constant 0 : index
    %swap3A_120 = arith.constant 0 : index
    %swap3A_121 = vector.load %arg5[%swap3A, %swap3A_120] : memref<2048x263xf32, #tpu.memory_space<vmem>>, vector<2048x263xf32>
    tpu.vector_store %arg5[%swap3A, %swap3A_120], %add3A_119 {strides = array<i32>} : memref<2048x263xf32, #tpu.memory_space<vmem>>, vector<2048x263xf32>,
    return
  }
}

</mosaic_0001>

<sc_bundles>
// kernel: kernel.11.cloned.1.call-start
scs
__scs_entry_jumppad:
0x0: {  	(pc) =	sbr.rel $0x88, $3  }
0x1: {  	(tag) =	ssettag $0x0;
	lr =	simm.s32 $0x1  }
0x2: {  	[smem:$0x3F41] =	sst lr;
	_ =	strace $0xD0000000  }
0x3: {  	_ = 	snop  }
0x4: {  	_ = 	snop  }
0x5: {  	_ = 	snop  }
0x6: {  	_ = 	snop  }
0x7: {  	_ = 	snop  }
__scs_overlays_trampoline_lowered:
0x8: {  	[smem:$0x3F50] =	sst s0  }
0x9: {  	[smem:$0x3F51] =	sst s1  }
0xa: {  	[smem:$0x3F52] =	sst s2  }
0xb: {  	[smem:$0x3F53] =	sst s3  }
0xc: {  	[smem:$0x3F54] =	sst s4  }
0xd: {  	[smem:$0x3F55] =	sst s5  }
0xe: {  	[smem:$0x3F56] =	sst s6  }
0xf: {  	[smem:$0x3F57] =	sst s7  }
0x10: {  	[smem:$0x3F58] =	sst s8  }
0x11: {  	[smem:$0x3F59] =	sst s9;
	s0 =	simm.s32 @!p0 $0x0  }
0x12: {  	s1 =	sld [smem:$0x3F3F];
	s0 =	simm.s32 @p0 $0x1  }
0x13: {  	[smem:$0x3F5A] =	sst s0;
	s0 =	simm.s32 @!p1 $0x0  }
0x14: {  	s2 =	sld [smem:$0x3F3E];
	s0 =	simm.s32 @p1 $0x1  }
0x15: {  	[smem:$0x3F5B] =	sst s0;
	s0 =	simm.s32 @!p2 $0x0  }
0x16: {  	s3 =	sld [smem:$0x3FDB];
	s0 =	simm.s32 @p2 $0x1  }
0x17: {  	s4 =	simm.s32 $0x1BF5;
	[smem:$0x3F5D] =	sst s0  }
0x18: {  	s0 =	sld [smem:$0x3F40];
	_ =	swait.ge [sflag:s4], $0x0  }
0x19: {  	s7 =	sld [smem:$0x3F41]  }
0x1a: {  	s8 =	sadd.s32 $0xFFFFE003, lr  }
0x1b: {  	s9 =	sadd.s32 $0xFFFFFEF7, lr;
	s5 =	simm.s32 $0xFFFFFFFF;
	p2 =	slt.u32 s8, $0xFFFFF086  }
0x1c: {  	p1 =	slt.u32 s9, $0xF7A;
	s5 =	simm.s32 @!p2 $0x0  }
0x1d: {  	s5 =	simm.s32 @p1 $0x1;
	p0 =	seq.s32 s7, s2  }
0x1e: {  	s7 =	smul.u32 @!p0 $0xF7A, s2;
	p2 =	seq.s32 @!p0 s5, $0x0  }
0x1f: {  	s9 =	smul.u32 $0xF7A, s1;
	s8 =	simm.s32 @!p0 $0x1BF5;
	p2 =	por !p2, p0  }
0x20: {  	[sflag:s8] =	ssyncset.s32 @!p0 $0xFFFFF086;
	s6 =	sadd.s32 @!p0 s3, s7;
	s7 =	simm.s32 @!p0 $0x108  }
0x21: {  	s3 =	sadd.s32 s3, s9;
	s6 =	sadd.s32 @!p0 $0x88, s6;
	s7 =	simm.s32 @p2 $0x1082  }
0x22: {  	[simem:s7], [sflag:s8] =	dma.local @!p0 [hbm:s6], $0xF7A  }
0x23: {  	s9 =	sor.u32 $0xD0000000, s2;
	s6 =	simm.s32 $0x108;
	_ =	swait.ge @!p0 [sflag:s8], $0x0  }
0x24: {  	s3 =	sadd.s32 $0x88, s3;
	s6 =	simm.s32 @!p1 $0x1082;
	[sflag:s4] =	ssyncset.s32 $0xFFFFF086  }
0x25: {  	[simem:s6], [sflag:s4] =	dma.local [hbm:s3], $0xF7A  }
0x26: {  	[smem:$0x3F41] =	sst s1;
	(tag) =	ssettag s2;
	_ =	strace s9  }
0x27: {  	s1 =	sld [smem:$0x3F51]  }
0x28: {  	s2 =	sld [smem:$0x3F52]  }
0x29: {  	s4 =	sld [smem:$0x3F54]  }
0x2a: {  	p0 =	seq.s32 s5, $0x0;
	s5 =	sld [smem:$0x3F55]  }
0x2b: {  	s6 =	sld [smem:$0x3F56]  }
0x2c: {  	s7 =	sld [smem:$0x3F57]  }
0x2d: {  	s3 =	simm.s32 $0x108;
	s8 =	sld [smem:$0x3F58]  }
0x2e: {  	s3 =	simm.s32 @!p0 $0x1082;
	s9 =	sld [smem:$0x3F59]  }
0x2f: {  	lr =	sadd.s32 s0, s3;
	s0 =	sld [smem:$0x3F50]  }
0x30: {  	s3 =	sld [smem:$0x3F53]  }
0x31: {  	[smem:$0x3F5C] =	sst s10  }
0x32: {  	s10 =	sld [smem:$0x3F5A];
	_ =	sdelay $0x3  }
0x33: {  	p0 =	seq.s32 s10, $0x1;
	s10 =	sld [smem:$0x3F5C];
	_ =	sdelay $0x3  }
0x34: {  	[smem:$0x3F5C] =	sst s10  }
0x35: {  	s10 =	sld [smem:$0x3F5B];
	_ =	sdelay $0x3  }
0x36: {  	p1 =	seq.s32 s10, $0x1;
	s10 =	sld [smem:$0x3F5C];
	_ =	sdelay $0x3  }
0x37: {  	[smem:$0x3F5C] =	sst s10  }
0x38: {  	s10 =	sld [smem:$0x3F5D]  }
0x39: {  	_ = 	snop;
	(pc) =	sbr.ind lr, $3  }
0x3a: {  	_ = 	snop  }
0x3b: {  	_ = 	snop  }
0x3c: {  	p2 =	seq.s32 s10, $0x1;
	s10 =	sld [smem:$0x3F5C]  }
0x3d: {  	_ =	shalt  }
0x3e: {  	_ =	shalt  }
0x3f: {  	_ =	shalt  }
0x40: {  	_ =	shalt  }
0x41: {  	_ =	shalt  }
0x42: {  	_ =	shalt  }
0x43: {  	_ =	shalt  }
0x44: {  	_ =	shalt  }
0x45: {  	_ =	shalt  }
0x46: {  	_ =	shalt  }
0x47: {  	_ =	shalt  }
0x48: {  	_ =	shalt  }
0x49: {  	_ =	shalt  }
0x4a: {  	_ =	shalt  }
0x4b: {  	_ =	shalt  }
0x4c: {  	_ =	shalt  }
0x4d: {  	_ =	shalt  }
0x4e: {  	_ =	shalt  }
0x4f: {  	_ =	shalt  }
0x50: {  	_ =	shalt  }
0x51: {  	_ =	shalt  }
0x52: {  	_ =	shalt  }
0x53: {  	_ =	shalt  }
0x54: {  	_ =	shalt  }
0x55: {  	_ =	shalt  }
0x56: {  	_ =	shalt  }
0x57: {  	_ =	shalt  }
0x58: {  	_ =	shalt  }
0x59: {  	_ =	shalt  }
0x5a: {  	_ =	shalt  }
0x5b: {  	_ =	shalt  }
0x5c: {  	_ =	shalt  }
0x5d: {  	_ =	shalt  }
0x5e: {  	_ =	shalt  }
0x5f: {  	_ =	shalt  }
0x60: {  	_ =	shalt  }
0x61: {  	_ =	shalt  }
0x62: {  	_ =	shalt  }
0x63: {  	_ =	shalt  }
0x64: {  	_ =	shalt  }
0x65: {  	_ =	shalt  }
0x66: {  	_ =	shalt  }
0x67: {  	_ =	shalt  }
0x68: {  	_ =	shalt  }
0x69: {  	_ =	shalt  }
0x6a: {  	_ =	shalt  }
0x6b: {  	_ =	shalt  }
0x6c: {  	_ =	shalt  }
0x6d: {  	_ =	shalt  }
0x6e: {  	_ =	shalt  }
0x6f: {  	_ =	shalt  }
0x70: {  	_ =	shalt  }
0x71: {  	_ =	shalt  }
0x72: {  	_ =	shalt  }
0x73: {  	_ =	shalt  }
0x74: {  	_ =	shalt  }
0x75: {  	_ =	shalt  }
0x76: {  	_ =	shalt  }
0x77: {  	_ =	shalt  }
0x78: {  	_ =	shalt  }
0x79: {  	_ =	shalt  }
0x7a: {  	_ =	shalt  }
0x7b: {  	_ =	shalt  }
0x7c: {  	_ =	shalt  }
0x7d: {  	_ =	shalt  }
0x7e: {  	_ =	shalt  }
0x7f: {  	_ =	shalt  }
0x80: {  	_ =	shalt  }
0x81: {  	_ =	shalt  }
0x82: {  	_ =	shalt  }
0x83: {  	_ =	shalt  }
0x84: {  	_ =	shalt  }
0x85: {  	_ =	shalt  }
0x86: {  	_ =	shalt  }
0x87: {  	_ =	shalt  }
.Lfunc_end0:
.L_simem_size_0:
called_computation_lowered:
.L_overlay_start_0:
0x88: {  	s2 =	sld [smem:$0x3FD9]  }
0x89: {  	s3 =	sld [smem:$0x3FFE];
	_ =	sdelay $0x1  }
0x8a: {  	s1 =	srdreg.scid  }
0x8b: {  	s0 =	sand.u32 $0x1, s1  }
0x8c: {  	s16 =	sshll.u32 s0, $0xA;
	s2 =	sadd.s32 s3, s2  }
0x8d: {  	s2 =	sadd.s32 s2, s16  }
0x8e: {  	[smem:$0x3F68] =	sst s2  }
0x8f: {  	_ = 	snop  }
0x90: {  	(tm) =	ssettm $0x1  }
0x91: {  	s17 =	sld [smem:$0x3FFB];
	_ =	sdelay $0x3  }
0x92: {  	_ =	strace s17  }
0x93: {  	s2 =	sld [smem:$0x3FFC];
	_ =	sdelay $0x3  }
0x94: {  	_ =	strace s2  }
0x95: {  	s2 =	sld [smem:$0x3FFD];
	_ =	sdelay $0x3  }
0x96: {  	_ =	strace s2  }
0x97: {  	_ =	strace $0x8FFFFFFF  }
0x98: {  	s18 =	sld [smem:$0x3FDB];
	_ =	sdelay $0x1  }
0x99: {  	s19 =	simm.s32 $_scs_section_size  }
0x9a: {  	s4 =	simm.s32 $_size__tile_overlayer_lowered;
	s5 =	simm.s32 $_tile_overlayer_lowered  }
0x9b: {  	s22 =	simm.s32 $0x1BFF;
	s21 =	sshll.u32 s5, $0x1;
	s2 =	sadd.s32 s19, s18  }
0x9c: {  	s6 =	simm.s32 $0x0;
	s20 =	sshll.u32 s4, $0x1;
	s4 =	sadd.s32 s21, s2  }
0x9d: {  	[timem:s6], [sflag:s22] =	dma.local [hbm:s4], s20  }
0x9e: {  	_ =	swait.ge [sflag:s22], s20  }
0x9f: {  	s3 =	ssub.s32 $0x0, s20;
	[sflag:s22] =	ssyncset.done $0x0  }
0xa0: {  	[sflag:s22] =	ssyncadd.s32 s3;
	_ =	sdelay $0x1  }
0xa1: {  	s23 =	simm.s32 $0x1B8B  }
0xa2: {  	_ =	swait.ge [sflag:s23], $0x1  }
0xa3: {  	[sflag:s23] =	ssyncset.done $0x0  }
0xa4: {  	s25 =	simm.s32 $0x1B8E;
	s24 =	sld [smem:$0x3FFE];
	[sflag:s23] =	ssyncadd.s32 $0xFFFFFFFF  }
0xa5: {  	s26 =	simm.s32 $execute0_lowered;
	[smem:$0x3FD2] =	sst s25  }
0xa6: {  	s4 =	sshll.u32 s26, $0x1;
	_ =	strace $0x80000046;
	[dreg:$0x1] =	wrdreg $0xFFFFFFFF  }
0xa7: {  	s28 =	simm.s32 $_size_execute0_lowered;
	s2 =	sadd.s32 s2, s4;
	[dreg:$0x0] =	wrdreg $0x0  }
0xa8: {  	s4 =	sshll.u32 s28, $0x1;
	[dreg:$0x2] =	wrdreg s2  }
0xa9: {  	[dreg:$0x3] =	wrdreg s4  }
0xaa: {  	[dreg:$0x4] =	wrdreg $0xC0  }
0xab: {  	_ =	task [dreg:s6], $0x5FFFF  }
0xac: {  	[dreg:$0x1] =	wrdreg $0xFFFFFFFF  }
0xad: {  	[dreg:$0x0] =	wrdreg $0x60  }
0xae: {  	[dreg:$0x2] =	wrdreg s24  }
0xaf: {  	[dreg:$0x3] =	wrdreg $0x9  }
0xb0: {  	_ =	task.clear_ibuf [dreg:s6], $0x4FFFF;
	_ =	strace $0x90000046  }
0xb1: {  	s29 =	simm.s32 $0x9;
	_ =	strace $0x8000004F  }
0xb2: {  	_ =	swait.ge [sflag:s29], $0x1  }
0xb3: {  	[sflag:s29] =	ssyncadd.s32 $0xFFFFFFFF  }
0xb4: {  	_ =	strace $0x9000004F  }
0xb5: {  	_ =	sfence  }
0xb6: {  	s30 =	sld [smem:$0x0];
	_ =	sdelay $0x2  }
0xb7: {  	s31 =	sshll.u32 s1, $0xD;
	s1 =	sshrl.u32 s1, $0x2  }
0xb8: {  	s3 =	sand.u32 $0x4000, s31;
	s1 =	sadd.s32 s1, s30  }
0xb9: {  	s0 =	sor.u32 s3, s0;
	s1 =	sshll.u32 s1, $0x11  }
0xba: {  	s0 =	sor.u32 s1, s0  }
0xbb: {  	s0 =	sadd.s32 $0x8F2B, s0  }
0xbc: {  	[sflag:s0] =	ssyncadd.remote.s32 $0x1  }
0xbd: {  	_ =	sfence.sel $0xFFFF  }
0xbe: {  	[dreg:$0x0] =	wrdreg $0xFFFFFFFF;
	(pc) =	sbr.abs _section_cstart, $3  }
0xbf: {  	[dreg:$0x1] =	wrdreg $0xFFFFFFFF  }
0xc0: {  	_ =	task.clear_ibuf [dreg:s6], $0x2FFFF;
	_ =	strace $0x9FFFFFFF  }
0xc1: {  	(tm) =	ssettm $0x7FFFFFFF  }
tec
execute0_lowered:
.L_overlay_start_1:
0x0: {  	(tag) =	ssettag $0x1  }
0x1: {  	s1 =	stileid.u32  }
0x2: {  	p0 =	sgt.u32 s1, $0x1  }
.Ltmp0:
0x3: {  	_ = 	snop;
	(pc) =	sbr.rel @p0 .LBB2_4-.Ltmp0, $4  }
0x4: {  	_ = 	snop  }
0x5: {  	s9 =	rddreg [dreg:$0x0];
	s2 =	simm.s32 $0x0  }
0x6: {  	[smem:$0x7FF] =	sst s2  }
0x7: {  	s0 =	rddreg [dreg:$0x1];
	_ =	strace $0x80000047  }
0x8: {  	s10 =	smin.u32 s1, $0x2  }
0x9: {  	s3 =	sshll.u32 s10, $0x4  }
0xa: {  	s3 =	sadd.s32 s3, s9  }
0xb: {  	_ =	strace $0x80000048;
	s3 =	sadd.s32 $0xE400, s3  }
0xc: {  	[tilespmem:s2], [sflag:$0x1] =	stream.linear.gather [hbm4b:s3+s2], $0x80, $0x200038;
	[tilespmem:$0x8100] =	vst v63  }
0xd: {  	_ =	strace $0x90000048  }
0xe: {  	s4 =	simm.s32 $0x1;
	_ =	strace $0x8000004A  }
0xf: {  	_ =	swait.ge [sflag:s4], $0x80  }
0x10: {  	s5 =	sadd.s32 $0xE600, s9;
	[sflag:s4] =	ssyncset.done $0x0  }
0x11: {  	s6 =	simm.s32 $0x80;
	s7 =	simm.s32 $0x100;
	[sflag:s4] =	ssyncadd.s32 $0xFFFFFF80  }
0x12: {  	s8 =	simm.s32 $0x5;
	s11 =	srdreg.scid;
	_ =	strace $0x9000004A  }
0x13: {  	s10 =	sshll.u32 s10, $0xB;
	s30 =	sand.u32 $0x1, s11;
	_ =	strace $0x8000004B  }
0x14: {  	[tilespmem:s7], [sflag:$0x5] =	stream.indirect.gather [hbm4b:s5+s6], $0x80, s2, s6, $0x2000b8;
	[tilespmem:$0x8100] =	vst v63  }
0x15: {  	s29 =	sadd.s32 s10, s9;
	s10 =	ssub.s32 $0x2, s30;
	_ =	swait.ge [sflag:s8], $0x4000  }
0x16: {  	s31 =	sshrl.u32 s10, $0x1;
	[sflag:s8] =	ssyncset.done $0x0  }
0x17: {  	s11 =	ssub.s32 s10, s31;
	[sflag:s8] =	ssyncadd.s32 $0xFFFFC000  }
0x18: {  	s11 =	smax.u32 s11, $0x1;
	_ =	strace $0x9000004B  }
0x19: {  	s9 =	sadd.s32 $0x2E600, s29;
	p0 =	sne.s32 s11, $0x1;
	_ =	strace $0x8000004C  }
0x1a: {  	[hbm4b:s9+s2] =	stream.linear.scatter [tilespmem:s7], [sflag:$0x3], $0x4000, $0x200038;
	[tilespmem:$0x8100] =	vst v63  }
.Ltmp1:
0x1b: {  	_ =	strace $0x9000004C;
	(pc) =	sbr.rel @!p0 .LBB2_3-.Ltmp1, $4  }
0x1c: {  	s10 =	simm.s32 $0x3;
	_ =	strace $0x8000004E  }
0x1d: {  	_ =	swait.ge [sflag:s10], $0x4000  }
0x1e: {  	[sflag:s10] =	ssyncset.done $0x0  }
0x1f: {  	s11 =	sadd.s32 $0xFFFFFFFF, s11;
	[sflag:s10] =	ssyncadd.s32 $0xFFFFC000  }
.LBB2_2:
0x20: {  	p0 =	sne.s32 s11, $0x1;
	s11 =	sadd.s32 $0xFFFFFFFF, s11;
	_ =	strace $0x9000004E  }
0x21: {  	_ =	strace $0x80000048  }
0x22: {  	[tilespmem:s2], [sflag:$0x1] =	stream.linear.gather [hbm4b:s3+s2], $0x80, $0x200038;
	[tilespmem:$0x8100] =	vst v63  }
0x23: {  	_ =	strace $0x90000048  }
0x24: {  	_ =	strace $0x8000004A  }
0x25: {  	_ =	swait.ge [sflag:s4], $0x80  }
0x26: {  	[sflag:s4] =	ssyncset.done $0x0  }
0x27: {  	[sflag:s4] =	ssyncadd.s32 $0xFFFFFF80  }
0x28: {  	_ =	strace $0x9000004A  }
0x29: {  	_ =	strace $0x8000004B  }
0x2a: {  	[tilespmem:s7], [sflag:$0x5] =	stream.indirect.gather [hbm4b:s5+s6], $0x80, s2, s6, $0x2000b8;
	[tilespmem:$0x8100] =	vst v63  }
0x2b: {  	_ =	swait.ge [sflag:s8], $0x4000  }
0x2c: {  	[sflag:s8] =	ssyncset.done $0x0  }
0x2d: {  	[sflag:s8] =	ssyncadd.s32 $0xFFFFC000  }
0x2e: {  	_ =	strace $0x9000004B  }
0x2f: {  	_ =	strace $0x8000004C  }
0x30: {  	[hbm4b:s9+s2] =	stream.linear.scatter [tilespmem:s7], [sflag:$0x3], $0x4000, $0x200038;
	[tilespmem:$0x8100] =	vst v63  }
.Ltmp2:
0x31: {  	_ =	strace $0x9000004C;
	(pc) =	sbr.rel @p0 .LBB2_2-.Ltmp2, $4  }
0x32: {  	_ =	strace $0x8000004E  }
0x33: {  	_ =	swait.ge [sflag:s10], $0x4000  }
0x34: {  	[sflag:s10] =	ssyncset.done $0x0  }
0x35: {  	[sflag:s10] =	ssyncadd.s32 $0xFFFFC000  }
.LBB2_3:
0x36: {  	_ =	strace $0x9000004E  }
.LBB2_4:
0x37: {  	_ =	sfence.sel $0x180000  }
0x38: {  	[bflag:$0x0] =	sbarrier.arrive $0xFFFF  }
0x39: {  	p0 =	sne.s32 s1, $0x0;
	_ =	strace $0x90000047  }
0x3a: {  	s0 =	sadd.s32 @!p0 $0x100000, s0;
	[bflag:$0x2] =	sbarrier.arrive $0xFFFF  }
0x3b: {  	[sflag:s0] =	ssyncadd.tile.s32 @!p0 $0x1;
	_ =	shalt  }
.Lfunc_end2:
_tile_overlayer_lowered:
.L_overlay_start_2:
0x3c: {  	(tag) =	ssettag $0x2  }
0x3d: {  	s0 =	rddreg [dreg:$0x0];
	s2 =	stileid.u32  }
0x3e: {  	s1 =	rddreg [dreg:$0x1];
	p0 =	sne.s32 s2, $0x0  }
0x3f: {  	s3 =	rddreg [dreg:$0x2];
	[bflag:$0x3] =	sbarrier.arrive $0xFFFF;
	s2 =	simm.s32 @!p0 $0x1C01  }
0x40: {  	[timem:s3], [sflag:s2] =	dma.local @!p0 [hbm:s0], s1  }
0x41: {  	s0 =	simm.s32 @!p0 $0x1  }
0x42: {  	_ =	swait.ge @!p0 [sflag:s0], s1  }
0x43: {  	s1 =	ssub.s32 @!p0 $0x0, s1;
	[sflag:s0] =	ssyncset.done @!p0 $0x0  }
0x44: {  	[sflag:s0] =	ssyncadd.s32 @!p0 s1  }
0x45: {  	[bflag:$0x3] =	sbarrier.arrive $0xFFFF  }
0x46: {  	_ =	shalt  }

</sc_bundles>
